<compile_context>
chip_gen: v7x
topology: tpu7x:2x2x1
jax: 0.10.2.dev20260603
libtpu: 0.0.44.dev20260713+nightly
codegen_flags: <defaults>
</compile_context>

<pallas_src>
import functools

import jax
import jax.numpy as jnp
from jax import lax
from jax.experimental import pallas as pl
from jax.experimental.pallas import tpu as pltpu
from jax.experimental.pallas import tpu_sc as plsc

_L = 16
_POSITIONS = 1024
_NC = 2
_NS = 16
_TILES = _NC * _NS
_PER_TILE = _POSITIONS // _TILES
_CHUNKS = _PER_TILE // _L

def _make_sc_gather(vocab: int):
    mesh = plsc.VectorSubcoreMesh(core_axis_name="c", subcore_axis_name="s")
    params = pltpu.CompilerParams(use_tc_tiling_on_sc=True,
                                  needs_layout_passes=False)

    @functools.partial(
        pl.kernel,
        mesh=mesh,
        out_type=jax.ShapeDtypeStruct((_POSITIONS,), jnp.float32),
        scratch_types=[
            pltpu.VMEM((_PER_TILE,), jnp.int32),
            pltpu.VMEM((_PER_TILE, 8, 128), jnp.float32),
            pltpu.VMEM((_PER_TILE,), jnp.float32),
            pltpu.SemaphoreType.DMA,
        ],
        compiler_params=params,
    )
    def sc_gather(pre_hbm, lab_hbm, out_hbm, lab_v, slot_v, res_v, sem):
        cid = lax.axis_index("c")
        sid = lax.axis_index("s")
        wid = sid * _NC + cid
        base = wid * _PER_TILE

        pltpu.sync_copy(lab_hbm.at[pl.ds(base, _PER_TILE)], lab_v)
        lab_vecs = [lab_v[pl.ds(c * _L, _L)] for c in range(_CHUNKS)]

        copies = []
        for j in range(_PER_TILE):
            lab_j = lab_vecs[j // _L][j % _L]
            c16 = pl.multiple_of(lab_j & jnp.int32(~15), 16)
            g = (base >> 3) + (j >> 3)
            copies.append(pltpu.async_copy(
                pre_hbm.at[g, :, pl.ds(c16, _L)],
                slot_v.at[j, :, pl.ds(0, _L)], sem))
        for cp in copies:
            cp.wait()

        lanes = lax.iota(jnp.int32, _L)
        for c in range(_CHUNKS):
            sub_vec = lab_vecs[c] & 15
            j_vec = lanes + c * _L
            r_vec = lanes & 7
            res_v[pl.ds(c * _L, _L)] = plsc.load_gather(
                slot_v, [j_vec, r_vec, sub_vec])
        pltpu.sync_copy(res_v, out_hbm.at[pl.ds(base, _PER_TILE)])

    return sc_gather


def _tc_finalize(g_ref, m_ref, out_ref):
    g = g_ref[...]
    m = m_ref[...]
    res = -jnp.sum(g * m) / jnp.sum(m)
    out_ref[...] = jnp.zeros((1, 1), jnp.float32) + res


def kernel(pre, label, mask):
    vocab = pre.shape[2]
    pre3 = pre.reshape(128, 8, vocab)
    lab = label.reshape(-1).astype(jnp.int32)

    gathered = _make_sc_gather(vocab)(pre3, lab)

    out = pl.pallas_call(
        _tc_finalize,
        out_shape=jax.ShapeDtypeStruct((1, 1), jnp.float32),
    )(gathered.reshape(8, 128), mask.astype(jnp.float32).reshape(8, 128))
    return out[0, 0]

# --- scband reference (transcript-rebuilt; emitter-appended) ---
"""Pipeline reference for scband-language-model-loss-77704548319844 (READ-ONLY COPY).

The authoritative reference and input builder live on the scoring server;
editing this copy changes nothing except your own understanding.
"""

import jax, jax.numpy as jnp
import numpy as np

def setup_inputs(seed: int = 0) -> dict:
    key = jax.random.key(seed)
    k1, k2 = jax.random.split(key)
    pre = jax.random.normal(k1, (32, 32, 100000), dtype=jnp.float32)
    label = jax.random.randint(k2, (32, 32), 0, 100000, dtype=jnp.int64)
    mask = jnp.ones((32, 32), dtype=jnp.float32)
    return {"pre": pre, "label": label, "mask": mask}

def reference(pre, label, mask):
    V = pre.shape[2]
    pre2 = pre.reshape(-1, V)
    lab = label.reshape(-1, 1)
    m = mask.reshape(-1, 1)
    gathered = jnp.take_along_axis(pre2, lab, axis=1)
    out = -gathered * m
    out = jnp.sum(out) / jnp.sum(m)
    return out

if __name__ == "__main__":
    import jax
    _d = setup_inputs()
    print(jax.jit(kernel)(*tuple(_d.values())))

</pallas_src>

<mosaic_0001>
#map = affine_map<(d0, d1) -> (0, 0, 0)>
#map1 = affine_map<(d0, d1) -> (0)>
module attributes {stable_mosaic.version = 14 : i64} {
  func.func @sc_gather(%arg0: i32, %arg1: i32, %arg2: memref<128x8x100000xf32, #tpu.memory_space<hbm>>, %arg3: memref<1024xi32, #tpu.memory_space<hbm>>, %arg4: memref<1024xf32, #tpu.memory_space<hbm>>, %arg5: memref<32xi32, #tpu.memory_space<vmem>>, %arg6: memref<32x8x128xf32, #tpu.memory_space<vmem>>, %arg7: memref<32xf32, #tpu.memory_space<vmem>>, %arg8: memref<!tpu.dma_semaphore, #tpu.memory_space<semaphore_mem>>) attributes {dimension_semantics = [#tpu.dimension_semantics<core_parallel>, #tpu.dimension_semantics<subcore_parallel>], iteration_bounds = array<i64: 2, 16>, scalar_prefetch = 0 : i64, scratch_operands = 4 : i64, tpu.core_type = #tpu.core_type<sc_vector_subcore>, window_params = [{transform_indices = #map}, {transform_indices = #map1}, {transform_indices = #map1}]} {
    %mul3A = arith.constant 2 : i32
    %mul3A_0 = arith.muli %arg1, %mul3A : i32
    %add3A = arith.addi %mul3A_0, %arg0 : i32
    %mul3A_1 = arith.constant 32 : i32
    %mul3A_2 = arith.muli %add3A, %mul3A_1 : i32
    "tpu.region"() ({
      %run_scoped3A = tpu.sem_alloc : memref<!tpu.dma_semaphore, #tpu.memory_space<semaphore_mem>>
      %dma_start3A_1269 = tpu.memref_slice %arg3[%mul3A_2] : memref<1024xi32, #tpu.memory_space<hbm>> -> memref<32xi32, #tpu.memory_space<hbm>>
      %dma_start3A_1270 = tpu.memref_slice %arg3[%mul3A_2] : memref<1024xi32, #tpu.memory_space<hbm>> -> memref<32xi32, #tpu.memory_space<hbm>>
      tpu.enqueue_dma source(%dma_start3A_1270 : memref<32xi32, #tpu.memory_space<hbm>>) target(%arg5 : memref<32xi32, #tpu.memory_space<vmem>>) target_semaphore(%run_scoped3A : memref<!tpu.dma_semaphore, #tpu.memory_space<semaphore_mem>>)
      %dma_wait3A_1271 = tpu.memref_slice %arg3[%mul3A_2] : memref<1024xi32, #tpu.memory_space<hbm>> -> memref<32xi32, #tpu.memory_space<hbm>>
      %dma_wait3A_1272 = tpu.memref_slice %arg3[%mul3A_2] : memref<1024xi32, #tpu.memory_space<hbm>> -> memref<32xi32, #tpu.memory_space<hbm>>
      tpu.wait_dma2 semaphore(%run_scoped3A : memref<!tpu.dma_semaphore, #tpu.memory_space<semaphore_mem>>) src(%dma_wait3A_1272 : memref<32xi32, #tpu.memory_space<hbm>>) dst(%arg5 : memref<32xi32, #tpu.memory_space<vmem>>)
      tpu.yield
    }) : () -> ()
    %get3A = arith.constant 0 : index
    %get3A_3 = tpu.vector_load %arg5[%get3A] {strides = array<i32>} : memref<32xi32, #tpu.memory_space<vmem>>, vector<16xi32>,
    %get3A_4 = arith.constant 16 : index
    %get3A_5 = tpu.vector_load %arg5[%get3A_4] {strides = array<i32>} : memref<32xi32, #tpu.memory_space<vmem>>, vector<16xi32>,
    %slice3A = vector.extract_strided_slice %get3A_3 {offsets = [0], sizes = [1], strides = [1]} : vector<16xi32> to vector<1xi32>
    %squeeze3A = vector.extract %slice3A[0] : i32 from vector<1xi32>
    %and3A = arith.constant -16 : i32
    %and3A_6 = arith.andi %squeeze3A, %and3A : i32
    %multiple_of3A = tpu.assume_multiple %and3A_6, 16 : i32
    %shift_right_arithmetic3A = arith.constant 3 : i32
    %shift_right_arithmetic3A_7 = arith.shrsi %mul3A_2, %shift_right_arithmetic3A : i32
    %add3A_8 = arith.constant 0 : i32
    %add3A_9 = arith.addi %shift_right_arithmetic3A_7, %add3A_8 : i32
    %dma_start3A = arith.constant 0 : i32
    %dma_start3A_10 = arith.constant 0 : i32
    %dma_start3A_11 = arith.constant 0 : i32
    %dma_start3A_12 = tpu.memref_slice %arg6[%dma_start3A, %dma_start3A_10, %dma_start3A_11] : memref<32x8x128xf32, #tpu.memory_space<vmem>> -> memref<1x8x16xf32, #tpu.memory_space<vmem>>
    %dma_start3A_13 = tpu.memref_squeeze %dma_start3A_12 : memref<1x8x16xf32, #tpu.memory_space<vmem>> -> memref<8x16xf32, #tpu.memory_space<vmem>>
    %dma_start3A_14 = arith.constant 0 : i32
    %dma_start3A_15 = tpu.memref_slice %arg2[%add3A_9, %dma_start3A_14, %multiple_of3A] : memref<128x8x100000xf32, #tpu.memory_space<hbm>> -> memref<1x8x16xf32, #tpu.memory_space<hbm>>
    %dma_start3A_16 = tpu.memref_squeeze %dma_start3A_15 : memref<1x8x16xf32, #tpu.memory_space<hbm>> -> memref<8x16xf32, #tpu.memory_space<hbm>>
    %dma_start3A_17 = arith.constant 0 : i32
    %dma_start3A_18 = arith.constant 0 : i32
    %dma_start3A_19 = tpu.memref_slice %arg6[%dma_start3A, %dma_start3A_17, %dma_start3A_18] : memref<32x8x128xf32, #tpu.memory_space<vmem>> -> memref<1x8x16xf32, #tpu.memory_space<vmem>>
    %dma_start3A_20 = tpu.memref_squeeze %dma_start3A_19 : memref<1x8x16xf32, #tpu.memory_space<vmem>> -> memref<8x16xf32, #tpu.memory_space<vmem>>
    %dma_start3A_21 = arith.constant 0 : i32
    %dma_start3A_22 = tpu.memref_slice %arg2[%add3A_9, %dma_start3A_21, %multiple_of3A] : memref<128x8x100000xf32, #tpu.memory_space<hbm>> -> memref<1x8x16xf32, #tpu.memory_space<hbm>>
    %dma_start3A_23 = tpu.memref_squeeze %dma_start3A_22 : memref<1x8x16xf32, #tpu.memory_space<hbm>> -> memref<8x16xf32, #tpu.memory_space<hbm>>
    tpu.enqueue_dma source(%dma_start3A_23 : memref<8x16xf32, #tpu.memory_space<hbm>>) target(%dma_start3A_20 : memref<8x16xf32, #tpu.memory_space<vmem>>) target_semaphore(%arg8 : memref<!tpu.dma_semaphore, #tpu.memory_space<semaphore_mem>>)
    %slice3A_24 = vector.extract_strided_slice %get3A_3 {offsets = [1], sizes = [1], strides = [1]} : vector<16xi32> to vector<1xi32>
    %squeeze3A_25 = vector.extract %slice3A_24[0] : i32 from vector<1xi32>
    %and3A_26 = arith.constant -16 : i32
    %and3A_27 = arith.andi %squeeze3A_25, %and3A_26 : i32
    %multiple_of3A_28 = tpu.assume_multiple %and3A_27, 16 : i32
    %shift_right_arithmetic3A_29 = arith.constant 3 : i32
    %shift_right_arithmetic3A_30 = arith.shrsi %mul3A_2, %shift_right_arithmetic3A_29 : i32
    %add3A_31 = arith.constant 0 : i32
    %add3A_32 = arith.addi %shift_right_arithmetic3A_30, %add3A_31 : i32
    %dma_start3A_33 = arith.constant 1 : i32
    %dma_start3A_34 = arith.constant 0 : i32
    %dma_start3A_35 = arith.constant 0 : i32
    %dma_start3A_36 = tpu.memref_slice %arg6[%dma_start3A_33, %dma_start3A_34, %dma_start3A_35] : memref<32x8x128xf32, #tpu.memory_space<vmem>> -> memref<1x8x16xf32, #tpu.memory_space<vmem>>
    %dma_start3A_37 = tpu.memref_squeeze %dma_start3A_36 : memref<1x8x16xf32, #tpu.memory_space<vmem>> -> memref<8x16xf32, #tpu.memory_space<vmem>>
    %dma_start3A_38 = arith.constant 0 : i32
    %dma_start3A_39 = tpu.memref_slice %arg2[%add3A_32, %dma_start3A_38, %multiple_of3A_28] : memref<128x8x100000xf32, #tpu.memory_space<hbm>> -> memref<1x8x16xf32, #tpu.memory_space<hbm>>
    %dma_start3A_40 = tpu.memref_squeeze %dma_start3A_39 : memref<1x8x16xf32, #tpu.memory_space<hbm>> -> memref<8x16xf32, #tpu.memory_space<hbm>>
    %dma_start3A_41 = arith.constant 0 : i32
    %dma_start3A_42 = arith.constant 0 : i32
    %dma_start3A_43 = tpu.memref_slice %arg6[%dma_start3A_33, %dma_start3A_41, %dma_start3A_42] : memref<32x8x128xf32, #tpu.memory_space<vmem>> -> memref<1x8x16xf32, #tpu.memory_space<vmem>>
    %dma_start3A_44 = tpu.memref_squeeze %dma_start3A_43 : memref<1x8x16xf32, #tpu.memory_space<vmem>> -> memref<8x16xf32, #tpu.memory_space<vmem>>
    %dma_start3A_45 = arith.constant 0 : i32
    %dma_start3A_46 = tpu.memref_slice %arg2[%add3A_32, %dma_start3A_45, %multiple_of3A_28] : memref<128x8x100000xf32, #tpu.memory_space<hbm>> -> memref<1x8x16xf32, #tpu.memory_space<hbm>>
    %dma_start3A_47 = tpu.memref_squeeze %dma_start3A_46 : memref<1x8x16xf32, #tpu.memory_space<hbm>> -> memref<8x16xf32, #tpu.memory_space<hbm>>
    tpu.enqueue_dma source(%dma_start3A_47 : memref<8x16xf32, #tpu.memory_space<hbm>>) target(%dma_start3A_44 : memref<8x16xf32, #tpu.memory_space<vmem>>) target_semaphore(%arg8 : memref<!tpu.dma_semaphore, #tpu.memory_space<semaphore_mem>>)
    %slice3A_48 = vector.extract_strided_slice %get3A_3 {offsets = [2], sizes = [1], strides = [1]} : vector<16xi32> to vector<1xi32>
    %squeeze3A_49 = vector.extract %slice3A_48[0] : i32 from vector<1xi32>
    %and3A_50 = arith.constant -16 : i32
    %and3A_51 = arith.andi %squeeze3A_49, %and3A_50 : i32
    %multiple_of3A_52 = tpu.assume_multiple %and3A_51, 16 : i32
    %shift_right_arithmetic3A_53 = arith.constant 3 : i32
    %shift_right_arithmetic3A_54 = arith.shrsi %mul3A_2, %shift_right_arithmetic3A_53 : i32
    %add3A_55 = arith.constant 0 : i32
    %add3A_56 = arith.addi %shift_right_arithmetic3A_54, %add3A_55 : i32
    %dma_start3A_57 = arith.constant 2 : i32
    %dma_start3A_58 = arith.constant 0 : i32
    %dma_start3A_59 = arith.constant 0 : i32
    %dma_start3A_60 = tpu.memref_slice %arg6[%dma_start3A_57, %dma_start3A_58, %dma_start3A_59] : memref<32x8x128xf32, #tpu.memory_space<vmem>> -> memref<1x8x16xf32, #tpu.memory_space<vmem>>
    %dma_start3A_61 = tpu.memref_squeeze %dma_start3A_60 : memref<1x8x16xf32, #tpu.memory_space<vmem>> -> memref<8x16xf32, #tpu.memory_space<vmem>>
    %dma_start3A_62 = arith.constant 0 : i32
    %dma_start3A_63 = tpu.memref_slice %arg2[%add3A_56, %dma_start3A_62, %multiple_of3A_52] : memref<128x8x100000xf32, #tpu.memory_space<hbm>> -> memref<1x8x16xf32, #tpu.memory_space<hbm>>
    %dma_start3A_64 = tpu.memref_squeeze %dma_start3A_63 : memref<1x8x16xf32, #tpu.memory_space<hbm>> -> memref<8x16xf32, #tpu.memory_space<hbm>>
    %dma_start3A_65 = arith.constant 0 : i32
    %dma_start3A_66 = arith.constant 0 : i32
    %dma_start3A_67 = tpu.memref_slice %arg6[%dma_start3A_57, %dma_start3A_65, %dma_start3A_66] : memref<32x8x128xf32, #tpu.memory_space<vmem>> -> memref<1x8x16xf32, #tpu.memory_space<vmem>>
    %dma_start3A_68 = tpu.memref_squeeze %dma_start3A_67 : memref<1x8x16xf32, #tpu.memory_space<vmem>> -> memref<8x16xf32, #tpu.memory_space<vmem>>
    %dma_start3A_69 = arith.constant 0 : i32
    %dma_start3A_70 = tpu.memref_slice %arg2[%add3A_56, %dma_start3A_69, %multiple_of3A_52] : memref<128x8x100000xf32, #tpu.memory_space<hbm>> -> memref<1x8x16xf32, #tpu.memory_space<hbm>>
    %dma_start3A_71 = tpu.memref_squeeze %dma_start3A_70 : memref<1x8x16xf32, #tpu.memory_space<hbm>> -> memref<8x16xf32, #tpu.memory_space<hbm>>
    tpu.enqueue_dma source(%dma_start3A_71 : memref<8x16xf32, #tpu.memory_space<hbm>>) target(%dma_start3A_68 : memref<8x16xf32, #tpu.memory_space<vmem>>) target_semaphore(%arg8 : memref<!tpu.dma_semaphore, #tpu.memory_space<semaphore_mem>>)
    %slice3A_72 = vector.extract_strided_slice %get3A_3 {offsets = [3], sizes = [1], strides = [1]} : vector<16xi32> to vector<1xi32>
    %squeeze3A_73 = vector.extract %slice3A_72[0] : i32 from vector<1xi32>
    %and3A_74 = arith.constant -16 : i32
    %and3A_75 = arith.andi %squeeze3A_73, %and3A_74 : i32
    %multiple_of3A_76 = tpu.assume_multiple %and3A_75, 16 : i32
    %shift_right_arithmetic3A_77 = arith.constant 3 : i32
    %shift_right_arithmetic3A_78 = arith.shrsi %mul3A_2, %shift_right_arithmetic3A_77 : i32
    %add3A_79 = arith.constant 0 : i32
    %add3A_80 = arith.addi %shift_right_arithmetic3A_78, %add3A_79 : i32
    %dma_start3A_81 = arith.constant 3 : i32
    %dma_start3A_82 = arith.constant 0 : i32
    %dma_start3A_83 = arith.constant 0 : i32
    %dma_start3A_84 = tpu.memref_slice %arg6[%dma_start3A_81, %dma_start3A_82, %dma_start3A_83] : memref<32x8x128xf32, #tpu.memory_space<vmem>> -> memref<1x8x16xf32, #tpu.memory_space<vmem>>
    %dma_start3A_85 = tpu.memref_squeeze %dma_start3A_84 : memref<1x8x16xf32, #tpu.memory_space<vmem>> -> memref<8x16xf32, #tpu.memory_space<vmem>>
    %dma_start3A_86 = arith.constant 0 : i32
    %dma_start3A_87 = tpu.memref_slice %arg2[%add3A_80, %dma_start3A_86, %multiple_of3A_76] : memref<128x8x100000xf32, #tpu.memory_space<hbm>> -> memref<1x8x16xf32, #tpu.memory_space<hbm>>
    %dma_start3A_88 = tpu.memref_squeeze %dma_start3A_87 : memref<1x8x16xf32, #tpu.memory_space<hbm>> -> memref<8x16xf32, #tpu.memory_space<hbm>>
    %dma_start3A_89 = arith.constant 0 : i32
    %dma_start3A_90 = arith.constant 0 : i32
    %dma_start3A_91 = tpu.memref_slice %arg6[%dma_start3A_81, %dma_start3A_89, %dma_start3A_90] : memref<32x8x128xf32, #tpu.memory_space<vmem>> -> memref<1x8x16xf32, #tpu.memory_space<vmem>>
    %dma_start3A_92 = tpu.memref_squeeze %dma_start3A_91 : memref<1x8x16xf32, #tpu.memory_space<vmem>> -> memref<8x16xf32, #tpu.memory_space<vmem>>
    %dma_start3A_93 = arith.constant 0 : i32
    %dma_start3A_94 = tpu.memref_slice %arg2[%add3A_80, %dma_start3A_93, %multiple_of3A_76] : memref<128x8x100000xf32, #tpu.memory_space<hbm>> -> memref<1x8x16xf32, #tpu.memory_space<hbm>>
    %dma_start3A_95 = tpu.memref_squeeze %dma_start3A_94 : memref<1x8x16xf32, #tpu.memory_space<hbm>> -> memref<8x16xf32, #tpu.memory_space<hbm>>
    tpu.enqueue_dma source(%dma_start3A_95 : memref<8x16xf32, #tpu.memory_space<hbm>>) target(%dma_start3A_92 : memref<8x16xf32, #tpu.memory_space<vmem>>) target_semaphore(%arg8 : memref<!tpu.dma_semaphore, #tpu.memory_space<semaphore_mem>>)
    %slice3A_96 = vector.extract_strided_slice %get3A_3 {offsets = [4], sizes = [1], strides = [1]} : vector<16xi32> to vector<1xi32>
    %squeeze3A_97 = vector.extract %slice3A_96[0] : i32 from vector<1xi32>
    %and3A_98 = arith.constant -16 : i32
    %and3A_99 = arith.andi %squeeze3A_97, %and3A_98 : i32
    %multiple_of3A_100 = tpu.assume_multiple %and3A_99, 16 : i32
    %shift_right_arithmetic3A_101 = arith.constant 3 : i32
    %shift_right_arithmetic3A_102 = arith.shrsi %mul3A_2, %shift_right_arithmetic3A_101 : i32
    %add3A_103 = arith.constant 0 : i32
    %add3A_104 = arith.addi %shift_right_arithmetic3A_102, %add3A_103 : i32
    %dma_start3A_105 = arith.constant 4 : i32
    %dma_start3A_106 = arith.constant 0 : i32
    %dma_start3A_107 = arith.constant 0 : i32
    %dma_start3A_108 = tpu.memref_slice %arg6[%dma_start3A_105, %dma_start3A_106, %dma_start3A_107] : memref<32x8x128xf32, #tpu.memory_space<vmem>> -> memref<1x8x16xf32, #tpu.memory_space<vmem>>
    %dma_start3A_109 = tpu.memref_squeeze %dma_start3A_108 : memref<1x8x16xf32, #tpu.memory_space<vmem>> -> memref<8x16xf32, #tpu.memory_space<vmem>>
    %dma_start3A_110 = arith.constant 0 : i32
    %dma_start3A_111 = tpu.memref_slice %arg2[%add3A_104, %dma_start3A_110, %multiple_of3A_100] : memref<128x8x100000xf32, #tpu.memory_space<hbm>> -> memref<1x8x16xf32, #tpu.memory_space<hbm>>
    %dma_start3A_112 = tpu.memref_squeeze %dma_start3A_111 : memref<1x8x16xf32, #tpu.memory_space<hbm>> -> memref<8x16xf32, #tpu.memory_space<hbm>>
    %dma_start3A_113 = arith.constant 0 : i32
    %dma_start3A_114 = arith.constant 0 : i32
    %dma_start3A_115 = tpu.memref_slice %arg6[%dma_start3A_105, %dma_start3A_113, %dma_start3A_114] : memref<32x8x128xf32, #tpu.memory_space<vmem>> -> memref<1x8x16xf32, #tpu.memory_space<vmem>>
    %dma_start3A_116 = tpu.memref_squeeze %dma_start3A_115 : memref<1x8x16xf32, #tpu.memory_space<vmem>> -> memref<8x16xf32, #tpu.memory_space<vmem>>
    %dma_start3A_117 = arith.constant 0 : i32
    %dma_start3A_118 = tpu.memref_slice %arg2[%add3A_104, %dma_start3A_117, %multiple_of3A_100] : memref<128x8x100000xf32, #tpu.memory_space<hbm>> -> memref<1x8x16xf32, #tpu.memory_space<hbm>>
    %dma_start3A_119 = tpu.memref_squeeze %dma_start3A_118 : memref<1x8x16xf32, #tpu.memory_space<hbm>> -> memref<8x16xf32, #tpu.memory_space<hbm>>
    tpu.enqueue_dma source(%dma_start3A_119 : memref<8x16xf32, #tpu.memory_space<hbm>>) target(%dma_start3A_116 : memref<8x16xf32, #tpu.memory_space<vmem>>) target_semaphore(%arg8 : memref<!tpu.dma_semaphore, #tpu.memory_space<semaphore_mem>>)
    %slice3A_120 = vector.extract_strided_slice %get3A_3 {offsets = [5], sizes = [1], strides = [1]} : vector<16xi32> to vector<1xi32>
    %squeeze3A_121 = vector.extract %slice3A_120[0] : i32 from vector<1xi32>
    %and3A_122 = arith.constant -16 : i32
    %and3A_123 = arith.andi %squeeze3A_121, %and3A_122 : i32
    %multiple_of3A_124 = tpu.assume_multiple %and3A_123, 16 : i32
    %shift_right_arithmetic3A_125 = arith.constant 3 : i32
    %shift_right_arithmetic3A_126 = arith.shrsi %mul3A_2, %shift_right_arithmetic3A_125 : i32
    %add3A_127 = arith.constant 0 : i32
    %add3A_128 = arith.addi %shift_right_arithmetic3A_126, %add3A_127 : i32
    %dma_start3A_129 = arith.constant 5 : i32
    %dma_start3A_130 = arith.constant 0 : i32
    %dma_start3A_131 = arith.constant 0 : i32
    %dma_start3A_132 = tpu.memref_slice %arg6[%dma_start3A_129, %dma_start3A_130, %dma_start3A_131] : memref<32x8x128xf32, #tpu.memory_space<vmem>> -> memref<1x8x16xf32, #tpu.memory_space<vmem>>
    %dma_start3A_133 = tpu.memref_squeeze %dma_start3A_132 : memref<1x8x16xf32, #tpu.memory_space<vmem>> -> memref<8x16xf32, #tpu.memory_space<vmem>>
    %dma_start3A_134 = arith.constant 0 : i32
    %dma_start3A_135 = tpu.memref_slice %arg2[%add3A_128, %dma_start3A_134, %multiple_of3A_124] : memref<128x8x100000xf32, #tpu.memory_space<hbm>> -> memref<1x8x16xf32, #tpu.memory_space<hbm>>
    %dma_start3A_136 = tpu.memref_squeeze %dma_start3A_135 : memref<1x8x16xf32, #tpu.memory_space<hbm>> -> memref<8x16xf32, #tpu.memory_space<hbm>>
    %dma_start3A_137 = arith.constant 0 : i32
    %dma_start3A_138 = arith.constant 0 : i32
    %dma_start3A_139 = tpu.memref_slice %arg6[%dma_start3A_129, %dma_start3A_137, %dma_start3A_138] : memref<32x8x128xf32, #tpu.memory_space<vmem>> -> memref<1x8x16xf32, #tpu.memory_space<vmem>>
    %dma_start3A_140 = tpu.memref_squeeze %dma_start3A_139 : memref<1x8x16xf32, #tpu.memory_space<vmem>> -> memref<8x16xf32, #tpu.memory_space<vmem>>
    %dma_start3A_141 = arith.constant 0 : i32
    %dma_start3A_142 = tpu.memref_slice %arg2[%add3A_128, %dma_start3A_141, %multiple_of3A_124] : memref<128x8x100000xf32, #tpu.memory_space<hbm>> -> memref<1x8x16xf32, #tpu.memory_space<hbm>>
    %dma_start3A_143 = tpu.memref_squeeze %dma_start3A_142 : memref<1x8x16xf32, #tpu.memory_space<hbm>> -> memref<8x16xf32, #tpu.memory_space<hbm>>
    tpu.enqueue_dma source(%dma_start3A_143 : memref<8x16xf32, #tpu.memory_space<hbm>>) target(%dma_start3A_140 : memref<8x16xf32, #tpu.memory_space<vmem>>) target_semaphore(%arg8 : memref<!tpu.dma_semaphore, #tpu.memory_space<semaphore_mem>>)
    %slice3A_144 = vector.extract_strided_slice %get3A_3 {offsets = [6], sizes = [1], strides = [1]} : vector<16xi32> to vector<1xi32>
    %squeeze3A_145 = vector.extract %slice3A_144[0] : i32 from vector<1xi32>
    %and3A_146 = arith.constant -16 : i32
    %and3A_147 = arith.andi %squeeze3A_145, %and3A_146 : i32
    %multiple_of3A_148 = tpu.assume_multiple %and3A_147, 16 : i32
    %shift_right_arithmetic3A_149 = arith.constant 3 : i32
    %shift_right_arithmetic3A_150 = arith.shrsi %mul3A_2, %shift_right_arithmetic3A_149 : i32
    %add3A_151 = arith.constant 0 : i32
    %add3A_152 = arith.addi %shift_right_arithmetic3A_150, %add3A_151 : i32
    %dma_start3A_153 = arith.constant 6 : i32
    %dma_start3A_154 = arith.constant 0 : i32
    %dma_start3A_155 = arith.constant 0 : i32
    %dma_start3A_156 = tpu.memref_slice %arg6[%dma_start3A_153, %dma_start3A_154, %dma_start3A_155] : memref<32x8x128xf32, #tpu.memory_space<vmem>> -> memref<1x8x16xf32, #tpu.memory_space<vmem>>
    %dma_start3A_157 = tpu.memref_squeeze %dma_start3A_156 : memref<1x8x16xf32, #tpu.memory_space<vmem>> -> memref<8x16xf32, #tpu.memory_space<vmem>>
    %dma_start3A_158 = arith.constant 0 : i32
    %dma_start3A_159 = tpu.memref_slice %arg2[%add3A_152, %dma_start3A_158, %multiple_of3A_148] : memref<128x8x100000xf32, #tpu.memory_space<hbm>> -> memref<1x8x16xf32, #tpu.memory_space<hbm>>
    %dma_start3A_160 = tpu.memref_squeeze %dma_start3A_159 : memref<1x8x16xf32, #tpu.memory_space<hbm>> -> memref<8x16xf32, #tpu.memory_space<hbm>>
    %dma_start3A_161 = arith.constant 0 : i32
    %dma_start3A_162 = arith.constant 0 : i32
    %dma_start3A_163 = tpu.memref_slice %arg6[%dma_start3A_153, %dma_start3A_161, %dma_start3A_162] : memref<32x8x128xf32, #tpu.memory_space<vmem>> -> memref<1x8x16xf32, #tpu.memory_space<vmem>>
    %dma_start3A_164 = tpu.memref_squeeze %dma_start3A_163 : memref<1x8x16xf32, #tpu.memory_space<vmem>> -> memref<8x16xf32, #tpu.memory_space<vmem>>
    %dma_start3A_165 = arith.constant 0 : i32
    %dma_start3A_166 = tpu.memref_slice %arg2[%add3A_152, %dma_start3A_165, %multiple_of3A_148] : memref<128x8x100000xf32, #tpu.memory_space<hbm>> -> memref<1x8x16xf32, #tpu.memory_space<hbm>>
    %dma_start3A_167 = tpu.memref_squeeze %dma_start3A_166 : memref<1x8x16xf32, #tpu.memory_space<hbm>> -> memref<8x16xf32, #tpu.memory_space<hbm>>
    tpu.enqueue_dma source(%dma_start3A_167 : memref<8x16xf32, #tpu.memory_space<hbm>>) target(%dma_start3A_164 : memref<8x16xf32, #tpu.memory_space<vmem>>) target_semaphore(%arg8 : memref<!tpu.dma_semaphore, #tpu.memory_space<semaphore_mem>>)
    %slice3A_168 = vector.extract_strided_slice %get3A_3 {offsets = [7], sizes = [1], strides = [1]} : vector<16xi32> to vector<1xi32>
    %squeeze3A_169 = vector.extract %slice3A_168[0] : i32 from vector<1xi32>
    %and3A_170 = arith.constant -16 : i32
    %and3A_171 = arith.andi %squeeze3A_169, %and3A_170 : i32
    %multiple_of3A_172 = tpu.assume_multiple %and3A_171, 16 : i32
    %shift_right_arithmetic3A_173 = arith.constant 3 : i32
    %shift_right_arithmetic3A_174 = arith.shrsi %mul3A_2, %shift_right_arithmetic3A_173 : i32
    %add3A_175 = arith.constant 0 : i32
    %add3A_176 = arith.addi %shift_right_arithmetic3A_174, %add3A_175 : i32
    %dma_start3A_177 = arith.constant 7 : i32
    %dma_start3A_178 = arith.constant 0 : i32
    %dma_start3A_179 = arith.constant 0 : i32
    %dma_start3A_180 = tpu.memref_slice %arg6[%dma_start3A_177, %dma_start3A_178, %dma_start3A_179] : memref<32x8x128xf32, #tpu.memory_space<vmem>> -> memref<1x8x16xf32, #tpu.memory_space<vmem>>
    %dma_start3A_181 = tpu.memref_squeeze %dma_start3A_180 : memref<1x8x16xf32, #tpu.memory_space<vmem>> -> memref<8x16xf32, #tpu.memory_space<vmem>>
    %dma_start3A_182 = arith.constant 0 : i32
    %dma_start3A_183 = tpu.memref_slice %arg2[%add3A_176, %dma_start3A_182, %multiple_of3A_172] : memref<128x8x100000xf32, #tpu.memory_space<hbm>> -> memref<1x8x16xf32, #tpu.memory_space<hbm>>
    %dma_start3A_184 = tpu.memref_squeeze %dma_start3A_183 : memref<1x8x16xf32, #tpu.memory_space<hbm>> -> memref<8x16xf32, #tpu.memory_space<hbm>>
    %dma_start3A_185 = arith.constant 0 : i32
    %dma_start3A_186 = arith.constant 0 : i32
    %dma_start3A_187 = tpu.memref_slice %arg6[%dma_start3A_177, %dma_start3A_185, %dma_start3A_186] : memref<32x8x128xf32, #tpu.memory_space<vmem>> -> memref<1x8x16xf32, #tpu.memory_space<vmem>>
    %dma_start3A_188 = tpu.memref_squeeze %dma_start3A_187 : memref<1x8x16xf32, #tpu.memory_space<vmem>> -> memref<8x16xf32, #tpu.memory_space<vmem>>
    %dma_start3A_189 = arith.constant 0 : i32
    %dma_start3A_190 = tpu.memref_slice %arg2[%add3A_176, %dma_start3A_189, %multiple_of3A_172] : memref<128x8x100000xf32, #tpu.memory_space<hbm>> -> memref<1x8x16xf32, #tpu.memory_space<hbm>>
    %dma_start3A_191 = tpu.memref_squeeze %dma_start3A_190 : memref<1x8x16xf32, #tpu.memory_space<hbm>> -> memref<8x16xf32, #tpu.memory_space<hbm>>
    tpu.enqueue_dma source(%dma_start3A_191 : memref<8x16xf32, #tpu.memory_space<hbm>>) target(%dma_start3A_188 : memref<8x16xf32, #tpu.memory_space<vmem>>) target_semaphore(%arg8 : memref<!tpu.dma_semaphore, #tpu.memory_space<semaphore_mem>>)
    %slice3A_192 = vector.extract_strided_slice %get3A_3 {offsets = [8], sizes = [1], strides = [1]} : vector<16xi32> to vector<1xi32>
    %squeeze3A_193 = vector.extract %slice3A_192[0] : i32 from vector<1xi32>
    %and3A_194 = arith.constant -16 : i32
    %and3A_195 = arith.andi %squeeze3A_193, %and3A_194 : i32
    %multiple_of3A_196 = tpu.assume_multiple %and3A_195, 16 : i32
    %shift_right_arithmetic3A_197 = arith.constant 3 : i32
    %shift_right_arithmetic3A_198 = arith.shrsi %mul3A_2, %shift_right_arithmetic3A_197 : i32
    %add3A_199 = arith.constant 1 : i32
    %add3A_200 = arith.addi %shift_right_arithmetic3A_198, %add3A_199 : i32
    %dma_start3A_201 = arith.constant 8 : i32
    %dma_start3A_202 = arith.constant 0 : i32
    %dma_start3A_203 = arith.constant 0 : i32
    %dma_start3A_204 = tpu.memref_slice %arg6[%dma_start3A_201, %dma_start3A_202, %dma_start3A_203] : memref<32x8x128xf32, #tpu.memory_space<vmem>> -> memref<1x8x16xf32, #tpu.memory_space<vmem>>
    %dma_start3A_205 = tpu.memref_squeeze %dma_start3A_204 : memref<1x8x16xf32, #tpu.memory_space<vmem>> -> memref<8x16xf32, #tpu.memory_space<vmem>>
    %dma_start3A_206 = arith.constant 0 : i32
    %dma_start3A_207 = tpu.memref_slice %arg2[%add3A_200, %dma_start3A_206, %multiple_of3A_196] : memref<128x8x100000xf32, #tpu.memory_space<hbm>> -> memref<1x8x16xf32, #tpu.memory_space<hbm>>
    %dma_start3A_208 = tpu.memref_squeeze %dma_start3A_207 : memref<1x8x16xf32, #tpu.memory_space<hbm>> -> memref<8x16xf32, #tpu.memory_space<hbm>>
    %dma_start3A_209 = arith.constant 0 : i32
    %dma_start3A_210 = arith.constant 0 : i32
    %dma_start3A_211 = tpu.memref_slice %arg6[%dma_start3A_201, %dma_start3A_209, %dma_start3A_210] : memref<32x8x128xf32, #tpu.memory_space<vmem>> -> memref<1x8x16xf32, #tpu.memory_space<vmem>>
    %dma_start3A_212 = tpu.memref_squeeze %dma_start3A_211 : memref<1x8x16xf32, #tpu.memory_space<vmem>> -> memref<8x16xf32, #tpu.memory_space<vmem>>
    %dma_start3A_213 = arith.constant 0 : i32
    %dma_start3A_214 = tpu.memref_slice %arg2[%add3A_200, %dma_start3A_213, %multiple_of3A_196] : memref<128x8x100000xf32, #tpu.memory_space<hbm>> -> memref<1x8x16xf32, #tpu.memory_space<hbm>>
    %dma_start3A_215 = tpu.memref_squeeze %dma_start3A_214 : memref<1x8x16xf32, #tpu.memory_space<hbm>> -> memref<8x16xf32, #tpu.memory_space<hbm>>
    tpu.enqueue_dma source(%dma_start3A_215 : memref<8x16xf32, #tpu.memory_space<hbm>>) target(%dma_start3A_212 : memref<8x16xf32, #tpu.memory_space<vmem>>) target_semaphore(%arg8 : memref<!tpu.dma_semaphore, #tpu.memory_space<semaphore_mem>>)
    %slice3A_216 = vector.extract_strided_slice %get3A_3 {offsets = [9], sizes = [1], strides = [1]} : vector<16xi32> to vector<1xi32>
    %squeeze3A_217 = vector.extract %slice3A_216[0] : i32 from vector<1xi32>
    %and3A_218 = arith.constant -16 : i32
    %and3A_219 = arith.andi %squeeze3A_217, %and3A_218 : i32
    %multiple_of3A_220 = tpu.assume_multiple %and3A_219, 16 : i32
    %shift_right_arithmetic3A_221 = arith.constant 3 : i32
    %shift_right_arithmetic3A_222 = arith.shrsi %mul3A_2, %shift_right_arithmetic3A_221 : i32
    %add3A_223 = arith.constant 1 : i32
    %add3A_224 = arith.addi %shift_right_arithmetic3A_222, %add3A_223 : i32
    %dma_start3A_225 = arith.constant 9 : i32
    %dma_start3A_226 = arith.constant 0 : i32
    %dma_start3A_227 = arith.constant 0 : i32
    %dma_start3A_228 = tpu.memref_slice %arg6[%dma_start3A_225, %dma_start3A_226, %dma_start3A_227] : memref<32x8x128xf32, #tpu.memory_space<vmem>> -> memref<1x8x16xf32, #tpu.memory_space<vmem>>
    %dma_start3A_229 = tpu.memref_squeeze %dma_start3A_228 : memref<1x8x16xf32, #tpu.memory_space<vmem>> -> memref<8x16xf32, #tpu.memory_space<vmem>>
    %dma_start3A_230 = arith.constant 0 : i32
    %dma_start3A_231 = tpu.memref_slice %arg2[%add3A_224, %dma_start3A_230, %multiple_of3A_220] : memref<128x8x100000xf32, #tpu.memory_space<hbm>> -> memref<1x8x16xf32, #tpu.memory_space<hbm>>
    %dma_start3A_232 = tpu.memref_squeeze %dma_start3A_231 : memref<1x8x16xf32, #tpu.memory_space<hbm>> -> memref<8x16xf32, #tpu.memory_space<hbm>>
    %dma_start3A_233 = arith.constant 0 : i32
    %dma_start3A_234 = arith.constant 0 : i32
    %dma_start3A_235 = tpu.memref_slice %arg6[%dma_start3A_225, %dma_start3A_233, %dma_start3A_234] : memref<32x8x128xf32, #tpu.memory_space<vmem>> -> memref<1x8x16xf32, #tpu.memory_space<vmem>>
    %dma_start3A_236 = tpu.memref_squeeze %dma_start3A_235 : memref<1x8x16xf32, #tpu.memory_space<vmem>> -> memref<8x16xf32, #tpu.memory_space<vmem>>
    %dma_start3A_237 = arith.constant 0 : i32
    %dma_start3A_238 = tpu.memref_slice %arg2[%add3A_224, %dma_start3A_237, %multiple_of3A_220] : memref<128x8x100000xf32, #tpu.memory_space<hbm>> -> memref<1x8x16xf32, #tpu.memory_space<hbm>>
    %dma_start3A_239 = tpu.memref_squeeze %dma_start3A_238 : memref<1x8x16xf32, #tpu.memory_space<hbm>> -> memref<8x16xf32, #tpu.memory_space<hbm>>
    tpu.enqueue_dma source(%dma_start3A_239 : memref<8x16xf32, #tpu.memory_space<hbm>>) target(%dma_start3A_236 : memref<8x16xf32, #tpu.memory_space<vmem>>) target_semaphore(%arg8 : memref<!tpu.dma_semaphore, #tpu.memory_space<semaphore_mem>>)
    %slice3A_240 = vector.extract_strided_slice %get3A_3 {offsets = [10], sizes = [1], strides = [1]} : vector<16xi32> to vector<1xi32>
    %squeeze3A_241 = vector.extract %slice3A_240[0] : i32 from vector<1xi32>
    %and3A_242 = arith.constant -16 : i32
    %and3A_243 = arith.andi %squeeze3A_241, %and3A_242 : i32
    %multiple_of3A_244 = tpu.assume_multiple %and3A_243, 16 : i32
    %shift_right_arithmetic3A_245 = arith.constant 3 : i32
    %shift_right_arithmetic3A_246 = arith.shrsi %mul3A_2, %shift_right_arithmetic3A_245 : i32
    %add3A_247 = arith.constant 1 : i32
    %add3A_248 = arith.addi %shift_right_arithmetic3A_246, %add3A_247 : i32
    %dma_start3A_249 = arith.constant 10 : i32
    %dma_start3A_250 = arith.constant 0 : i32
    %dma_start3A_251 = arith.constant 0 : i32
    %dma_start3A_252 = tpu.memref_slice %arg6[%dma_start3A_249, %dma_start3A_250, %dma_start3A_251] : memref<32x8x128xf32, #tpu.memory_space<vmem>> -> memref<1x8x16xf32, #tpu.memory_space<vmem>>
    %dma_start3A_253 = tpu.memref_squeeze %dma_start3A_252 : memref<1x8x16xf32, #tpu.memory_space<vmem>> -> memref<8x16xf32, #tpu.memory_space<vmem>>
    %dma_start3A_254 = arith.constant 0 : i32
    %dma_start3A_255 = tpu.memref_slice %arg2[%add3A_248, %dma_start3A_254, %multiple_of3A_244] : memref<128x8x100000xf32, #tpu.memory_space<hbm>> -> memref<1x8x16xf32, #tpu.memory_space<hbm>>
    %dma_start3A_256 = tpu.memref_squeeze %dma_start3A_255 : memref<1x8x16xf32, #tpu.memory_space<hbm>> -> memref<8x16xf32, #tpu.memory_space<hbm>>
    %dma_start3A_257 = arith.constant 0 : i32
    %dma_start3A_258 = arith.constant 0 : i32
    %dma_start3A_259 = tpu.memref_slice %arg6[%dma_start3A_249, %dma_start3A_257, %dma_start3A_258] : memref<32x8x128xf32, #tpu.memory_space<vmem>> -> memref<1x8x16xf32, #tpu.memory_space<vmem>>
    %dma_start3A_260 = tpu.memref_squeeze %dma_start3A_259 : memref<1x8x16xf32, #tpu.memory_space<vmem>> -> memref<8x16xf32, #tpu.memory_space<vmem>>
    %dma_start3A_261 = arith.constant 0 : i32
    %dma_start3A_262 = tpu.memref_slice %arg2[%add3A_248, %dma_start3A_261, %multiple_of3A_244] : memref<128x8x100000xf32, #tpu.memory_space<hbm>> -> memref<1x8x16xf32, #tpu.memory_space<hbm>>
    %dma_start3A_263 = tpu.memref_squeeze %dma_start3A_262 : memref<1x8x16xf32, #tpu.memory_space<hbm>> -> memref<8x16xf32, #tpu.memory_space<hbm>>
    tpu.enqueue_dma source(%dma_start3A_263 : memref<8x16xf32, #tpu.memory_space<hbm>>) target(%dma_start3A_260 : memref<8x16xf32, #tpu.memory_space<vmem>>) target_semaphore(%arg8 : memref<!tpu.dma_semaphore, #tpu.memory_space<semaphore_mem>>)
    %slice3A_264 = vector.extract_strided_slice %get3A_3 {offsets = [11], sizes = [1], strides = [1]} : vector<16xi32> to vector<1xi32>
    %squeeze3A_265 = vector.extract %slice3A_264[0] : i32 from vector<1xi32>
    %and3A_266 = arith.constant -16 : i32
    %and3A_267 = arith.andi %squeeze3A_265, %and3A_266 : i32
    %multiple_of3A_268 = tpu.assume_multiple %and3A_267, 16 : i32
    %shift_right_arithmetic3A_269 = arith.constant 3 : i32
    %shift_right_arithmetic3A_270 = arith.shrsi %mul3A_2, %shift_right_arithmetic3A_269 : i32
    %add3A_271 = arith.constant 1 : i32
    %add3A_272 = arith.addi %shift_right_arithmetic3A_270, %add3A_271 : i32
    %dma_start3A_273 = arith.constant 11 : i32
    %dma_start3A_274 = arith.constant 0 : i32
    %dma_start3A_275 = arith.constant 0 : i32
    %dma_start3A_276 = tpu.memref_slice %arg6[%dma_start3A_273, %dma_start3A_274, %dma_start3A_275] : memref<32x8x128xf32, #tpu.memory_space<vmem>> -> memref<1x8x16xf32, #tpu.memory_space<vmem>>
    %dma_start3A_277 = tpu.memref_squeeze %dma_start3A_276 : memref<1x8x16xf32, #tpu.memory_space<vmem>> -> memref<8x16xf32, #tpu.memory_space<vmem>>
    %dma_start3A_278 = arith.constant 0 : i32
    %dma_start3A_279 = tpu.memref_slice %arg2[%add3A_272, %dma_start3A_278, %multiple_of3A_268] : memref<128x8x100000xf32, #tpu.memory_space<hbm>> -> memref<1x8x16xf32, #tpu.memory_space<hbm>>
    %dma_start3A_280 = tpu.memref_squeeze %dma_start3A_279 : memref<1x8x16xf32, #tpu.memory_space<hbm>> -> memref<8x16xf32, #tpu.memory_space<hbm>>
    %dma_start3A_281 = arith.constant 0 : i32
    %dma_start3A_282 = arith.constant 0 : i32
    %dma_start3A_283 = tpu.memref_slice %arg6[%dma_start3A_273, %dma_start3A_281, %dma_start3A_282] : memref<32x8x128xf32, #tpu.memory_space<vmem>> -> memref<1x8x16xf32, #tpu.memory_space<vmem>>
    %dma_start3A_284 = tpu.memref_squeeze %dma_start3A_283 : memref<1x8x16xf32, #tpu.memory_space<vmem>> -> memref<8x16xf32, #tpu.memory_space<vmem>>
    %dma_start3A_285 = arith.constant 0 : i32
    %dma_start3A_286 = tpu.memref_slice %arg2[%add3A_272, %dma_start3A_285, %multiple_of3A_268] : memref<128x8x100000xf32, #tpu.memory_space<hbm>> -> memref<1x8x16xf32, #tpu.memory_space<hbm>>
    %dma_start3A_287 = tpu.memref_squeeze %dma_start3A_286 : memref<1x8x16xf32, #tpu.memory_space<hbm>> -> memref<8x16xf32, #tpu.memory_space<hbm>>
    tpu.enqueue_dma source(%dma_start3A_287 : memref<8x16xf32, #tpu.memory_space<hbm>>) target(%dma_start3A_284 : memref<8x16xf32, #tpu.memory_space<vmem>>) target_semaphore(%arg8 : memref<!tpu.dma_semaphore, #tpu.memory_space<semaphore_mem>>)
    %slice3A_288 = vector.extract_strided_slice %get3A_3 {offsets = [12], sizes = [1], strides = [1]} : vector<16xi32> to vector<1xi32>
    %squeeze3A_289 = vector.extract %slice3A_288[0] : i32 from vector<1xi32>
    %and3A_290 = arith.constant -16 : i32
    %and3A_291 = arith.andi %squeeze3A_289, %and3A_290 : i32
    %multiple_of3A_292 = tpu.assume_multiple %and3A_291, 16 : i32
    %shift_right_arithmetic3A_293 = arith.constant 3 : i32
    %shift_right_arithmetic3A_294 = arith.shrsi %mul3A_2, %shift_right_arithmetic3A_293 : i32
    %add3A_295 = arith.constant 1 : i32
    %add3A_296 = arith.addi %shift_right_arithmetic3A_294, %add3A_295 : i32
    %dma_start3A_297 = arith.constant 12 : i32
    %dma_start3A_298 = arith.constant 0 : i32
    %dma_start3A_299 = arith.constant 0 : i32
    %dma_start3A_300 = tpu.memref_slice %arg6[%dma_start3A_297, %dma_start3A_298, %dma_start3A_299] : memref<32x8x128xf32, #tpu.memory_space<vmem>> -> memref<1x8x16xf32, #tpu.memory_space<vmem>>
    %dma_start3A_301 = tpu.memref_squeeze %dma_start3A_300 : memref<1x8x16xf32, #tpu.memory_space<vmem>> -> memref<8x16xf32, #tpu.memory_space<vmem>>
    %dma_start3A_302 = arith.constant 0 : i32
    %dma_start3A_303 = tpu.memref_slice %arg2[%add3A_296, %dma_start3A_302, %multiple_of3A_292] : memref<128x8x100000xf32, #tpu.memory_space<hbm>> -> memref<1x8x16xf32, #tpu.memory_space<hbm>>
    %dma_start3A_304 = tpu.memref_squeeze %dma_start3A_303 : memref<1x8x16xf32, #tpu.memory_space<hbm>> -> memref<8x16xf32, #tpu.memory_space<hbm>>
    %dma_start3A_305 = arith.constant 0 : i32
    %dma_start3A_306 = arith.constant 0 : i32
    %dma_start3A_307 = tpu.memref_slice %arg6[%dma_start3A_297, %dma_start3A_305, %dma_start3A_306] : memref<32x8x128xf32, #tpu.memory_space<vmem>> -> memref<1x8x16xf32, #tpu.memory_space<vmem>>
    %dma_start3A_308 = tpu.memref_squeeze %dma_start3A_307 : memref<1x8x16xf32, #tpu.memory_space<vmem>> -> memref<8x16xf32, #tpu.memory_space<vmem>>
    %dma_start3A_309 = arith.constant 0 : i32
    %dma_start3A_310 = tpu.memref_slice %arg2[%add3A_296, %dma_start3A_309, %multiple_of3A_292] : memref<128x8x100000xf32, #tpu.memory_space<hbm>> -> memref<1x8x16xf32, #tpu.memory_space<hbm>>
    %dma_start3A_311 = tpu.memref_squeeze %dma_start3A_310 : memref<1x8x16xf32, #tpu.memory_space<hbm>> -> memref<8x16xf32, #tpu.memory_space<hbm>>
    tpu.enqueue_dma source(%dma_start3A_311 : memref<8x16xf32, #tpu.memory_space<hbm>>) target(%dma_start3A_308 : memref<8x16xf32, #tpu.memory_space<vmem>>) target_semaphore(%arg8 : memref<!tpu.dma_semaphore, #tpu.memory_space<semaphore_mem>>)
    %slice3A_312 = vector.extract_strided_slice %get3A_3 {offsets = [13], sizes = [1], strides = [1]} : vector<16xi32> to vector<1xi32>
    %squeeze3A_313 = vector.extract %slice3A_312[0] : i32 from vector<1xi32>
    %and3A_314 = arith.constant -16 : i32
    %and3A_315 = arith.andi %squeeze3A_313, %and3A_314 : i32
    %multiple_of3A_316 = tpu.assume_multiple %and3A_315, 16 : i32
    %shift_right_arithmetic3A_317 = arith.constant 3 : i32
    %shift_right_arithmetic3A_318 = arith.shrsi %mul3A_2, %shift_right_arithmetic3A_317 : i32
    %add3A_319 = arith.constant 1 : i32
    %add3A_320 = arith.addi %shift_right_arithmetic3A_318, %add3A_319 : i32
    %dma_start3A_321 = arith.constant 13 : i32
    %dma_start3A_322 = arith.constant 0 : i32
    %dma_start3A_323 = arith.constant 0 : i32
    %dma_start3A_324 = tpu.memref_slice %arg6[%dma_start3A_321, %dma_start3A_322, %dma_start3A_323] : memref<32x8x128xf32, #tpu.memory_space<vmem>> -> memref<1x8x16xf32, #tpu.memory_space<vmem>>
    %dma_start3A_325 = tpu.memref_squeeze %dma_start3A_324 : memref<1x8x16xf32, #tpu.memory_space<vmem>> -> memref<8x16xf32, #tpu.memory_space<vmem>>
    %dma_start3A_326 = arith.constant 0 : i32
    %dma_start3A_327 = tpu.memref_slice %arg2[%add3A_320, %dma_start3A_326, %multiple_of3A_316] : memref<128x8x100000xf32, #tpu.memory_space<hbm>> -> memref<1x8x16xf32, #tpu.memory_space<hbm>>
    %dma_start3A_328 = tpu.memref_squeeze %dma_start3A_327 : memref<1x8x16xf32, #tpu.memory_space<hbm>> -> memref<8x16xf32, #tpu.memory_space<hbm>>
    %dma_start3A_329 = arith.constant 0 : i32
    %dma_start3A_330 = arith.constant 0 : i32
    %dma_start3A_331 = tpu.memref_slice %arg6[%dma_start3A_321, %dma_start3A_329, %dma_start3A_330] : memref<32x8x128xf32, #tpu.memory_space<vmem>> -> memref<1x8x16xf32, #tpu.memory_space<vmem>>
    %dma_start3A_332 = tpu.memref_squeeze %dma_start3A_331 : memref<1x8x16xf32, #tpu.memory_space<vmem>> -> memref<8x16xf32, #tpu.memory_space<vmem>>
    %dma_start3A_333 = arith.constant 0 : i32
    %dma_start3A_334 = tpu.memref_slice %arg2[%add3A_320, %dma_start3A_333, %multiple_of3A_316] : memref<128x8x100000xf32, #tpu.memory_space<hbm>> -> memref<1x8x16xf32, #tpu.memory_space<hbm>>
    %dma_start3A_335 = tpu.memref_squeeze %dma_start3A_334 : memref<1x8x16xf32, #tpu.memory_space<hbm>> -> memref<8x16xf32, #tpu.memory_space<hbm>>
    tpu.enqueue_dma source(%dma_start3A_335 : memref<8x16xf32, #tpu.memory_space<hbm>>) target(%dma_start3A_332 : memref<8x16xf32, #tpu.memory_space<vmem>>) target_semaphore(%arg8 : memref<!tpu.dma_semaphore, #tpu.memory_space<semaphore_mem>>)
    %slice3A_336 = vector.extract_strided_slice %get3A_3 {offsets = [14], sizes = [1], strides = [1]} : vector<16xi32> to vector<1xi32>
    %squeeze3A_337 = vector.extract %slice3A_336[0] : i32 from vector<1xi32>
    %and3A_338 = arith.constant -16 : i32
    %and3A_339 = arith.andi %squeeze3A_337, %and3A_338 : i32
    %multiple_of3A_340 = tpu.assume_multiple %and3A_339, 16 : i32
    %shift_right_arithmetic3A_341 = arith.constant 3 : i32
    %shift_right_arithmetic3A_342 = arith.shrsi %mul3A_2, %shift_right_arithmetic3A_341 : i32
    %add3A_343 = arith.constant 1 : i32
    %add3A_344 = arith.addi %shift_right_arithmetic3A_342, %add3A_343 : i32
    %dma_start3A_345 = arith.constant 14 : i32
    %dma_start3A_346 = arith.constant 0 : i32
    %dma_start3A_347 = arith.constant 0 : i32
    %dma_start3A_348 = tpu.memref_slice %arg6[%dma_start3A_345, %dma_start3A_346, %dma_start3A_347] : memref<32x8x128xf32, #tpu.memory_space<vmem>> -> memref<1x8x16xf32, #tpu.memory_space<vmem>>
    %dma_start3A_349 = tpu.memref_squeeze %dma_start3A_348 : memref<1x8x16xf32, #tpu.memory_space<vmem>> -> memref<8x16xf32, #tpu.memory_space<vmem>>
    %dma_start3A_350 = arith.constant 0 : i32
    %dma_start3A_351 = tpu.memref_slice %arg2[%add3A_344, %dma_start3A_350, %multiple_of3A_340] : memref<128x8x100000xf32, #tpu.memory_space<hbm>> -> memref<1x8x16xf32, #tpu.memory_space<hbm>>
    %dma_start3A_352 = tpu.memref_squeeze %dma_start3A_351 : memref<1x8x16xf32, #tpu.memory_space<hbm>> -> memref<8x16xf32, #tpu.memory_space<hbm>>
    %dma_start3A_353 = arith.constant 0 : i32
    %dma_start3A_354 = arith.constant 0 : i32
    %dma_start3A_355 = tpu.memref_slice %arg6[%dma_start3A_345, %dma_start3A_353, %dma_start3A_354] : memref<32x8x128xf32, #tpu.memory_space<vmem>> -> memref<1x8x16xf32, #tpu.memory_space<vmem>>
    %dma_start3A_356 = tpu.memref_squeeze %dma_start3A_355 : memref<1x8x16xf32, #tpu.memory_space<vmem>> -> memref<8x16xf32, #tpu.memory_space<vmem>>
    %dma_start3A_357 = arith.constant 0 : i32
    %dma_start3A_358 = tpu.memref_slice %arg2[%add3A_344, %dma_start3A_357, %multiple_of3A_340] : memref<128x8x100000xf32, #tpu.memory_space<hbm>> -> memref<1x8x16xf32, #tpu.memory_space<hbm>>
    %dma_start3A_359 = tpu.memref_squeeze %dma_start3A_358 : memref<1x8x16xf32, #tpu.memory_space<hbm>> -> memref<8x16xf32, #tpu.memory_space<hbm>>
    tpu.enqueue_dma source(%dma_start3A_359 : memref<8x16xf32, #tpu.memory_space<hbm>>) target(%dma_start3A_356 : memref<8x16xf32, #tpu.memory_space<vmem>>) target_semaphore(%arg8 : memref<!tpu.dma_semaphore, #tpu.memory_space<semaphore_mem>>)
    %slice3A_360 = vector.extract_strided_slice %get3A_3 {offsets = [15], sizes = [1], strides = [1]} : vector<16xi32> to vector<1xi32>
    %squeeze3A_361 = vector.extract %slice3A_360[0] : i32 from vector<1xi32>
    %and3A_362 = arith.constant -16 : i32
    %and3A_363 = arith.andi %squeeze3A_361, %and3A_362 : i32
    %multiple_of3A_364 = tpu.assume_multiple %and3A_363, 16 : i32
    %shift_right_arithmetic3A_365 = arith.constant 3 : i32
    %shift_right_arithmetic3A_366 = arith.shrsi %mul3A_2, %shift_right_arithmetic3A_365 : i32
    %add3A_367 = arith.constant 1 : i32
    %add3A_368 = arith.addi %shift_right_arithmetic3A_366, %add3A_367 : i32
    %dma_start3A_369 = arith.constant 15 : i32
    %dma_start3A_370 = arith.constant 0 : i32
    %dma_start3A_371 = arith.constant 0 : i32
    %dma_start3A_372 = tpu.memref_slice %arg6[%dma_start3A_369, %dma_start3A_370, %dma_start3A_371] : memref<32x8x128xf32, #tpu.memory_space<vmem>> -> memref<1x8x16xf32, #tpu.memory_space<vmem>>
    %dma_start3A_373 = tpu.memref_squeeze %dma_start3A_372 : memref<1x8x16xf32, #tpu.memory_space<vmem>> -> memref<8x16xf32, #tpu.memory_space<vmem>>
    %dma_start3A_374 = arith.constant 0 : i32
    %dma_start3A_375 = tpu.memref_slice %arg2[%add3A_368, %dma_start3A_374, %multiple_of3A_364] : memref<128x8x100000xf32, #tpu.memory_space<hbm>> -> memref<1x8x16xf32, #tpu.memory_space<hbm>>
    %dma_start3A_376 = tpu.memref_squeeze %dma_start3A_375 : memref<1x8x16xf32, #tpu.memory_space<hbm>> -> memref<8x16xf32, #tpu.memory_space<hbm>>
    %dma_start3A_377 = arith.constant 0 : i32
    %dma_start3A_378 = arith.constant 0 : i32
    %dma_start3A_379 = tpu.memref_slice %arg6[%dma_start3A_369, %dma_start3A_377, %dma_start3A_378] : memref<32x8x128xf32, #tpu.memory_space<vmem>> -> memref<1x8x16xf32, #tpu.memory_space<vmem>>
    %dma_start3A_380 = tpu.memref_squeeze %dma_start3A_379 : memref<1x8x16xf32, #tpu.memory_space<vmem>> -> memref<8x16xf32, #tpu.memory_space<vmem>>
    %dma_start3A_381 = arith.constant 0 : i32
    %dma_start3A_382 = tpu.memref_slice %arg2[%add3A_368, %dma_start3A_381, %multiple_of3A_364] : memref<128x8x100000xf32, #tpu.memory_space<hbm>> -> memref<1x8x16xf32, #tpu.memory_space<hbm>>
    %dma_start3A_383 = tpu.memref_squeeze %dma_start3A_382 : memref<1x8x16xf32, #tpu.memory_space<hbm>> -> memref<8x16xf32, #tpu.memory_space<hbm>>
    tpu.enqueue_dma source(%dma_start3A_383 : memref<8x16xf32, #tpu.memory_space<hbm>>) target(%dma_start3A_380 : memref<8x16xf32, #tpu.memory_space<vmem>>) target_semaphore(%arg8 : memref<!tpu.dma_semaphore, #tpu.memory_space<semaphore_mem>>)
    %slice3A_384 = vector.extract_strided_slice %get3A_5 {offsets = [0], sizes = [1], strides = [1]} : vector<16xi32> to vector<1xi32>
    %squeeze3A_385 = vector.extract %slice3A_384[0] : i32 from vector<1xi32>
    %and3A_386 = arith.constant -16 : i32
    %and3A_387 = arith.andi %squeeze3A_385, %and3A_386 : i32
    %multiple_of3A_388 = tpu.assume_multiple %and3A_387, 16 : i32
    %shift_right_arithmetic3A_389 = arith.constant 3 : i32
    %shift_right_arithmetic3A_390 = arith.shrsi %mul3A_2, %shift_right_arithmetic3A_389 : i32
    %add3A_391 = arith.constant 2 : i32
    %add3A_392 = arith.addi %shift_right_arithmetic3A_390, %add3A_391 : i32
    %dma_start3A_393 = arith.constant 16 : i32
    %dma_start3A_394 = arith.constant 0 : i32
    %dma_start3A_395 = arith.constant 0 : i32
    %dma_start3A_396 = tpu.memref_slice %arg6[%dma_start3A_393, %dma_start3A_394, %dma_start3A_395] : memref<32x8x128xf32, #tpu.memory_space<vmem>> -> memref<1x8x16xf32, #tpu.memory_space<vmem>>
    %dma_start3A_397 = tpu.memref_squeeze %dma_start3A_396 : memref<1x8x16xf32, #tpu.memory_space<vmem>> -> memref<8x16xf32, #tpu.memory_space<vmem>>
    %dma_start3A_398 = arith.constant 0 : i32
    %dma_start3A_399 = tpu.memref_slice %arg2[%add3A_392, %dma_start3A_398, %multiple_of3A_388] : memref<128x8x100000xf32, #tpu.memory_space<hbm>> -> memref<1x8x16xf32, #tpu.memory_space<hbm>>
    %dma_start3A_400 = tpu.memref_squeeze %dma_start3A_399 : memref<1x8x16xf32, #tpu.memory_space<hbm>> -> memref<8x16xf32, #tpu.memory_space<hbm>>
    %dma_start3A_401 = arith.constant 0 : i32
    %dma_start3A_402 = arith.constant 0 : i32
    %dma_start3A_403 = tpu.memref_slice %arg6[%dma_start3A_393, %dma_start3A_401, %dma_start3A_402] : memref<32x8x128xf32, #tpu.memory_space<vmem>> -> memref<1x8x16xf32, #tpu.memory_space<vmem>>
    %dma_start3A_404 = tpu.memref_squeeze %dma_start3A_403 : memref<1x8x16xf32, #tpu.memory_space<vmem>> -> memref<8x16xf32, #tpu.memory_space<vmem>>
    %dma_start3A_405 = arith.constant 0 : i32
    %dma_start3A_406 = tpu.memref_slice %arg2[%add3A_392, %dma_start3A_405, %multiple_of3A_388] : memref<128x8x100000xf32, #tpu.memory_space<hbm>> -> memref<1x8x16xf32, #tpu.memory_space<hbm>>
    %dma_start3A_407 = tpu.memref_squeeze %dma_start3A_406 : memref<1x8x16xf32, #tpu.memory_space<hbm>> -> memref<8x16xf32, #tpu.memory_space<hbm>>
    tpu.enqueue_dma source(%dma_start3A_407 : memref<8x16xf32, #tpu.memory_space<hbm>>) target(%dma_start3A_404 : memref<8x16xf32, #tpu.memory_space<vmem>>) target_semaphore(%arg8 : memref<!tpu.dma_semaphore, #tpu.memory_space<semaphore_mem>>)
    %slice3A_408 = vector.extract_strided_slice %get3A_5 {offsets = [1], sizes = [1], strides = [1]} : vector<16xi32> to vector<1xi32>
    %squeeze3A_409 = vector.extract %slice3A_408[0] : i32 from vector<1xi32>
    %and3A_410 = arith.constant -16 : i32
    %and3A_411 = arith.andi %squeeze3A_409, %and3A_410 : i32
    %multiple_of3A_412 = tpu.assume_multiple %and3A_411, 16 : i32
    %shift_right_arithmetic3A_413 = arith.constant 3 : i32
    %shift_right_arithmetic3A_414 = arith.shrsi %mul3A_2, %shift_right_arithmetic3A_413 : i32
    %add3A_415 = arith.constant 2 : i32
    %add3A_416 = arith.addi %shift_right_arithmetic3A_414, %add3A_415 : i32
    %dma_start3A_417 = arith.constant 17 : i32
    %dma_start3A_418 = arith.constant 0 : i32
    %dma_start3A_419 = arith.constant 0 : i32
    %dma_start3A_420 = tpu.memref_slice %arg6[%dma_start3A_417, %dma_start3A_418, %dma_start3A_419] : memref<32x8x128xf32, #tpu.memory_space<vmem>> -> memref<1x8x16xf32, #tpu.memory_space<vmem>>
    %dma_start3A_421 = tpu.memref_squeeze %dma_start3A_420 : memref<1x8x16xf32, #tpu.memory_space<vmem>> -> memref<8x16xf32, #tpu.memory_space<vmem>>
    %dma_start3A_422 = arith.constant 0 : i32
    %dma_start3A_423 = tpu.memref_slice %arg2[%add3A_416, %dma_start3A_422, %multiple_of3A_412] : memref<128x8x100000xf32, #tpu.memory_space<hbm>> -> memref<1x8x16xf32, #tpu.memory_space<hbm>>
    %dma_start3A_424 = tpu.memref_squeeze %dma_start3A_423 : memref<1x8x16xf32, #tpu.memory_space<hbm>> -> memref<8x16xf32, #tpu.memory_space<hbm>>
    %dma_start3A_425 = arith.constant 0 : i32
    %dma_start3A_426 = arith.constant 0 : i32
    %dma_start3A_427 = tpu.memref_slice %arg6[%dma_start3A_417, %dma_start3A_425, %dma_start3A_426] : memref<32x8x128xf32, #tpu.memory_space<vmem>> -> memref<1x8x16xf32, #tpu.memory_space<vmem>>
    %dma_start3A_428 = tpu.memref_squeeze %dma_start3A_427 : memref<1x8x16xf32, #tpu.memory_space<vmem>> -> memref<8x16xf32, #tpu.memory_space<vmem>>
    %dma_start3A_429 = arith.constant 0 : i32
    %dma_start3A_430 = tpu.memref_slice %arg2[%add3A_416, %dma_start3A_429, %multiple_of3A_412] : memref<128x8x100000xf32, #tpu.memory_space<hbm>> -> memref<1x8x16xf32, #tpu.memory_space<hbm>>
    %dma_start3A_431 = tpu.memref_squeeze %dma_start3A_430 : memref<1x8x16xf32, #tpu.memory_space<hbm>> -> memref<8x16xf32, #tpu.memory_space<hbm>>
    tpu.enqueue_dma source(%dma_start3A_431 : memref<8x16xf32, #tpu.memory_space<hbm>>) target(%dma_start3A_428 : memref<8x16xf32, #tpu.memory_space<vmem>>) target_semaphore(%arg8 : memref<!tpu.dma_semaphore, #tpu.memory_space<semaphore_mem>>)
    %slice3A_432 = vector.extract_strided_slice %get3A_5 {offsets = [2], sizes = [1], strides = [1]} : vector<16xi32> to vector<1xi32>
    %squeeze3A_433 = vector.extract %slice3A_432[0] : i32 from vector<1xi32>
    %and3A_434 = arith.constant -16 : i32
    %and3A_435 = arith.andi %squeeze3A_433, %and3A_434 : i32
    %multiple_of3A_436 = tpu.assume_multiple %and3A_435, 16 : i32
    %shift_right_arithmetic3A_437 = arith.constant 3 : i32
    %shift_right_arithmetic3A_438 = arith.shrsi %mul3A_2, %shift_right_arithmetic3A_437 : i32
    %add3A_439 = arith.constant 2 : i32
    %add3A_440 = arith.addi %shift_right_arithmetic3A_438, %add3A_439 : i32
    %dma_start3A_441 = arith.constant 18 : i32
    %dma_start3A_442 = arith.constant 0 : i32
    %dma_start3A_443 = arith.constant 0 : i32
    %dma_start3A_444 = tpu.memref_slice %arg6[%dma_start3A_441, %dma_start3A_442, %dma_start3A_443] : memref<32x8x128xf32, #tpu.memory_space<vmem>> -> memref<1x8x16xf32, #tpu.memory_space<vmem>>
    %dma_start3A_445 = tpu.memref_squeeze %dma_start3A_444 : memref<1x8x16xf32, #tpu.memory_space<vmem>> -> memref<8x16xf32, #tpu.memory_space<vmem>>
    %dma_start3A_446 = arith.constant 0 : i32
    %dma_start3A_447 = tpu.memref_slice %arg2[%add3A_440, %dma_start3A_446, %multiple_of3A_436] : memref<128x8x100000xf32, #tpu.memory_space<hbm>> -> memref<1x8x16xf32, #tpu.memory_space<hbm>>
    %dma_start3A_448 = tpu.memref_squeeze %dma_start3A_447 : memref<1x8x16xf32, #tpu.memory_space<hbm>> -> memref<8x16xf32, #tpu.memory_space<hbm>>
    %dma_start3A_449 = arith.constant 0 : i32
    %dma_start3A_450 = arith.constant 0 : i32
    %dma_start3A_451 = tpu.memref_slice %arg6[%dma_start3A_441, %dma_start3A_449, %dma_start3A_450] : memref<32x8x128xf32, #tpu.memory_space<vmem>> -> memref<1x8x16xf32, #tpu.memory_space<vmem>>
    %dma_start3A_452 = tpu.memref_squeeze %dma_start3A_451 : memref<1x8x16xf32, #tpu.memory_space<vmem>> -> memref<8x16xf32, #tpu.memory_space<vmem>>
    %dma_start3A_453 = arith.constant 0 : i32
    %dma_start3A_454 = tpu.memref_slice %arg2[%add3A_440, %dma_start3A_453, %multiple_of3A_436] : memref<128x8x100000xf32, #tpu.memory_space<hbm>> -> memref<1x8x16xf32, #tpu.memory_space<hbm>>
    %dma_start3A_455 = tpu.memref_squeeze %dma_start3A_454 : memref<1x8x16xf32, #tpu.memory_space<hbm>> -> memref<8x16xf32, #tpu.memory_space<hbm>>
    tpu.enqueue_dma source(%dma_start3A_455 : memref<8x16xf32, #tpu.memory_space<hbm>>) target(%dma_start3A_452 : memref<8x16xf32, #tpu.memory_space<vmem>>) target_semaphore(%arg8 : memref<!tpu.dma_semaphore, #tpu.memory_space<semaphore_mem>>)
    %slice3A_456 = vector.extract_strided_slice %get3A_5 {offsets = [3], sizes = [1], strides = [1]} : vector<16xi32> to vector<1xi32>
    %squeeze3A_457 = vector.extract %slice3A_456[0] : i32 from vector<1xi32>
    %and3A_458 = arith.constant -16 : i32
    %and3A_459 = arith.andi %squeeze3A_457, %and3A_458 : i32
    %multiple_of3A_460 = tpu.assume_multiple %and3A_459, 16 : i32
    %shift_right_arithmetic3A_461 = arith.constant 3 : i32
    %shift_right_arithmetic3A_462 = arith.shrsi %mul3A_2, %shift_right_arithmetic3A_461 : i32
    %add3A_463 = arith.constant 2 : i32
    %add3A_464 = arith.addi %shift_right_arithmetic3A_462, %add3A_463 : i32
    %dma_start3A_465 = arith.constant 19 : i32
    %dma_start3A_466 = arith.constant 0 : i32
    %dma_start3A_467 = arith.constant 0 : i32
    %dma_start3A_468 = tpu.memref_slice %arg6[%dma_start3A_465, %dma_start3A_466, %dma_start3A_467] : memref<32x8x128xf32, #tpu.memory_space<vmem>> -> memref<1x8x16xf32, #tpu.memory_space<vmem>>
    %dma_start3A_469 = tpu.memref_squeeze %dma_start3A_468 : memref<1x8x16xf32, #tpu.memory_space<vmem>> -> memref<8x16xf32, #tpu.memory_space<vmem>>
    %dma_start3A_470 = arith.constant 0 : i32
    %dma_start3A_471 = tpu.memref_slice %arg2[%add3A_464, %dma_start3A_470, %multiple_of3A_460] : memref<128x8x100000xf32, #tpu.memory_space<hbm>> -> memref<1x8x16xf32, #tpu.memory_space<hbm>>
    %dma_start3A_472 = tpu.memref_squeeze %dma_start3A_471 : memref<1x8x16xf32, #tpu.memory_space<hbm>> -> memref<8x16xf32, #tpu.memory_space<hbm>>
    %dma_start3A_473 = arith.constant 0 : i32
    %dma_start3A_474 = arith.constant 0 : i32
    %dma_start3A_475 = tpu.memref_slice %arg6[%dma_start3A_465, %dma_start3A_473, %dma_start3A_474] : memref<32x8x128xf32, #tpu.memory_space<vmem>> -> memref<1x8x16xf32, #tpu.memory_space<vmem>>
    %dma_start3A_476 = tpu.memref_squeeze %dma_start3A_475 : memref<1x8x16xf32, #tpu.memory_space<vmem>> -> memref<8x16xf32, #tpu.memory_space<vmem>>
    %dma_start3A_477 = arith.constant 0 : i32
    %dma_start3A_478 = tpu.memref_slice %arg2[%add3A_464, %dma_start3A_477, %multiple_of3A_460] : memref<128x8x100000xf32, #tpu.memory_space<hbm>> -> memref<1x8x16xf32, #tpu.memory_space<hbm>>
    %dma_start3A_479 = tpu.memref_squeeze %dma_start3A_478 : memref<1x8x16xf32, #tpu.memory_space<hbm>> -> memref<8x16xf32, #tpu.memory_space<hbm>>
    tpu.enqueue_dma source(%dma_start3A_479 : memref<8x16xf32, #tpu.memory_space<hbm>>) target(%dma_start3A_476 : memref<8x16xf32, #tpu.memory_space<vmem>>) target_semaphore(%arg8 : memref<!tpu.dma_semaphore, #tpu.memory_space<semaphore_mem>>)
    %slice3A_480 = vector.extract_strided_slice %get3A_5 {offsets = [4], sizes = [1], strides = [1]} : vector<16xi32> to vector<1xi32>
    %squeeze3A_481 = vector.extract %slice3A_480[0] : i32 from vector<1xi32>
    %and3A_482 = arith.constant -16 : i32
    %and3A_483 = arith.andi %squeeze3A_481, %and3A_482 : i32
    %multiple_of3A_484 = tpu.assume_multiple %and3A_483, 16 : i32
    %shift_right_arithmetic3A_485 = arith.constant 3 : i32
    %shift_right_arithmetic3A_486 = arith.shrsi %mul3A_2, %shift_right_arithmetic3A_485 : i32
    %add3A_487 = arith.constant 2 : i32
    %add3A_488 = arith.addi %shift_right_arithmetic3A_486, %add3A_487 : i32
    %dma_start3A_489 = arith.constant 20 : i32
    %dma_start3A_490 = arith.constant 0 : i32
    %dma_start3A_491 = arith.constant 0 : i32
    %dma_start3A_492 = tpu.memref_slice %arg6[%dma_start3A_489, %dma_start3A_490, %dma_start3A_491] : memref<32x8x128xf32, #tpu.memory_space<vmem>> -> memref<1x8x16xf32, #tpu.memory_space<vmem>>
    %dma_start3A_493 = tpu.memref_squeeze %dma_start3A_492 : memref<1x8x16xf32, #tpu.memory_space<vmem>> -> memref<8x16xf32, #tpu.memory_space<vmem>>
    %dma_start3A_494 = arith.constant 0 : i32
    %dma_start3A_495 = tpu.memref_slice %arg2[%add3A_488, %dma_start3A_494, %multiple_of3A_484] : memref<128x8x100000xf32, #tpu.memory_space<hbm>> -> memref<1x8x16xf32, #tpu.memory_space<hbm>>
    %dma_start3A_496 = tpu.memref_squeeze %dma_start3A_495 : memref<1x8x16xf32, #tpu.memory_space<hbm>> -> memref<8x16xf32, #tpu.memory_space<hbm>>
    %dma_start3A_497 = arith.constant 0 : i32
    %dma_start3A_498 = arith.constant 0 : i32
    %dma_start3A_499 = tpu.memref_slice %arg6[%dma_start3A_489, %dma_start3A_497, %dma_start3A_498] : memref<32x8x128xf32, #tpu.memory_space<vmem>> -> memref<1x8x16xf32, #tpu.memory_space<vmem>>
    %dma_start3A_500 = tpu.memref_squeeze %dma_start3A_499 : memref<1x8x16xf32, #tpu.memory_space<vmem>> -> memref<8x16xf32, #tpu.memory_space<vmem>>
    %dma_start3A_501 = arith.constant 0 : i32
    %dma_start3A_502 = tpu.memref_slice %arg2[%add3A_488, %dma_start3A_501, %multiple_of3A_484] : memref<128x8x100000xf32, #tpu.memory_space<hbm>> -> memref<1x8x16xf32, #tpu.memory_space<hbm>>
    %dma_start3A_503 = tpu.memref_squeeze %dma_start3A_502 : memref<1x8x16xf32, #tpu.memory_space<hbm>> -> memref<8x16xf32, #tpu.memory_space<hbm>>
    tpu.enqueue_dma source(%dma_start3A_503 : memref<8x16xf32, #tpu.memory_space<hbm>>) target(%dma_start3A_500 : memref<8x16xf32, #tpu.memory_space<vmem>>) target_semaphore(%arg8 : memref<!tpu.dma_semaphore, #tpu.memory_space<semaphore_mem>>)
    %slice3A_504 = vector.extract_strided_slice %get3A_5 {offsets = [5], sizes = [1], strides = [1]} : vector<16xi32> to vector<1xi32>
    %squeeze3A_505 = vector.extract %slice3A_504[0] : i32 from vector<1xi32>
    %and3A_506 = arith.constant -16 : i32
    %and3A_507 = arith.andi %squeeze3A_505, %and3A_506 : i32
    %multiple_of3A_508 = tpu.assume_multiple %and3A_507, 16 : i32
    %shift_right_arithmetic3A_509 = arith.constant 3 : i32
    %shift_right_arithmetic3A_510 = arith.shrsi %mul3A_2, %shift_right_arithmetic3A_509 : i32
    %add3A_511 = arith.constant 2 : i32
    %add3A_512 = arith.addi %shift_right_arithmetic3A_510, %add3A_511 : i32
    %dma_start3A_513 = arith.constant 21 : i32
    %dma_start3A_514 = arith.constant 0 : i32
    %dma_start3A_515 = arith.constant 0 : i32
    %dma_start3A_516 = tpu.memref_slice %arg6[%dma_start3A_513, %dma_start3A_514, %dma_start3A_515] : memref<32x8x128xf32, #tpu.memory_space<vmem>> -> memref<1x8x16xf32, #tpu.memory_space<vmem>>
    %dma_start3A_517 = tpu.memref_squeeze %dma_start3A_516 : memref<1x8x16xf32, #tpu.memory_space<vmem>> -> memref<8x16xf32, #tpu.memory_space<vmem>>
    %dma_start3A_518 = arith.constant 0 : i32
    %dma_start3A_519 = tpu.memref_slice %arg2[%add3A_512, %dma_start3A_518, %multiple_of3A_508] : memref<128x8x100000xf32, #tpu.memory_space<hbm>> -> memref<1x8x16xf32, #tpu.memory_space<hbm>>
    %dma_start3A_520 = tpu.memref_squeeze %dma_start3A_519 : memref<1x8x16xf32, #tpu.memory_space<hbm>> -> memref<8x16xf32, #tpu.memory_space<hbm>>
    %dma_start3A_521 = arith.constant 0 : i32
    %dma_start3A_522 = arith.constant 0 : i32
    %dma_start3A_523 = tpu.memref_slice %arg6[%dma_start3A_513, %dma_start3A_521, %dma_start3A_522] : memref<32x8x128xf32, #tpu.memory_space<vmem>> -> memref<1x8x16xf32, #tpu.memory_space<vmem>>
    %dma_start3A_524 = tpu.memref_squeeze %dma_start3A_523 : memref<1x8x16xf32, #tpu.memory_space<vmem>> -> memref<8x16xf32, #tpu.memory_space<vmem>>
    %dma_start3A_525 = arith.constant 0 : i32
    %dma_start3A_526 = tpu.memref_slice %arg2[%add3A_512, %dma_start3A_525, %multiple_of3A_508] : memref<128x8x100000xf32, #tpu.memory_space<hbm>> -> memref<1x8x16xf32, #tpu.memory_space<hbm>>
    %dma_start3A_527 = tpu.memref_squeeze %dma_start3A_526 : memref<1x8x16xf32, #tpu.memory_space<hbm>> -> memref<8x16xf32, #tpu.memory_space<hbm>>
    tpu.enqueue_dma source(%dma_start3A_527 : memref<8x16xf32, #tpu.memory_space<hbm>>) target(%dma_start3A_524 : memref<8x16xf32, #tpu.memory_space<vmem>>) target_semaphore(%arg8 : memref<!tpu.dma_semaphore, #tpu.memory_space<semaphore_mem>>)
    %slice3A_528 = vector.extract_strided_slice %get3A_5 {offsets = [6], sizes = [1], strides = [1]} : vector<16xi32> to vector<1xi32>
    %squeeze3A_529 = vector.extract %slice3A_528[0] : i32 from vector<1xi32>
    %and3A_530 = arith.constant -16 : i32
    %and3A_531 = arith.andi %squeeze3A_529, %and3A_530 : i32
    %multiple_of3A_532 = tpu.assume_multiple %and3A_531, 16 : i32
    %shift_right_arithmetic3A_533 = arith.constant 3 : i32
    %shift_right_arithmetic3A_534 = arith.shrsi %mul3A_2, %shift_right_arithmetic3A_533 : i32
    %add3A_535 = arith.constant 2 : i32
    %add3A_536 = arith.addi %shift_right_arithmetic3A_534, %add3A_535 : i32
    %dma_start3A_537 = arith.constant 22 : i32
    %dma_start3A_538 = arith.constant 0 : i32
    %dma_start3A_539 = arith.constant 0 : i32
    %dma_start3A_540 = tpu.memref_slice %arg6[%dma_start3A_537, %dma_start3A_538, %dma_start3A_539] : memref<32x8x128xf32, #tpu.memory_space<vmem>> -> memref<1x8x16xf32, #tpu.memory_space<vmem>>
    %dma_start3A_541 = tpu.memref_squeeze %dma_start3A_540 : memref<1x8x16xf32, #tpu.memory_space<vmem>> -> memref<8x16xf32, #tpu.memory_space<vmem>>
    %dma_start3A_542 = arith.constant 0 : i32
    %dma_start3A_543 = tpu.memref_slice %arg2[%add3A_536, %dma_start3A_542, %multiple_of3A_532] : memref<128x8x100000xf32, #tpu.memory_space<hbm>> -> memref<1x8x16xf32, #tpu.memory_space<hbm>>
    %dma_start3A_544 = tpu.memref_squeeze %dma_start3A_543 : memref<1x8x16xf32, #tpu.memory_space<hbm>> -> memref<8x16xf32, #tpu.memory_space<hbm>>
    %dma_start3A_545 = arith.constant 0 : i32
    %dma_start3A_546 = arith.constant 0 : i32
    %dma_start3A_547 = tpu.memref_slice %arg6[%dma_start3A_537, %dma_start3A_545, %dma_start3A_546] : memref<32x8x128xf32, #tpu.memory_space<vmem>> -> memref<1x8x16xf32, #tpu.memory_space<vmem>>
    %dma_start3A_548 = tpu.memref_squeeze %dma_start3A_547 : memref<1x8x16xf32, #tpu.memory_space<vmem>> -> memref<8x16xf32, #tpu.memory_space<vmem>>
    %dma_start3A_549 = arith.constant 0 : i32
    %dma_start3A_550 = tpu.memref_slice %arg2[%add3A_536, %dma_start3A_549, %multiple_of3A_532] : memref<128x8x100000xf32, #tpu.memory_space<hbm>> -> memref<1x8x16xf32, #tpu.memory_space<hbm>>
    %dma_start3A_551 = tpu.memref_squeeze %dma_start3A_550 : memref<1x8x16xf32, #tpu.memory_space<hbm>> -> memref<8x16xf32, #tpu.memory_space<hbm>>
    tpu.enqueue_dma source(%dma_start3A_551 : memref<8x16xf32, #tpu.memory_space<hbm>>) target(%dma_start3A_548 : memref<8x16xf32, #tpu.memory_space<vmem>>) target_semaphore(%arg8 : memref<!tpu.dma_semaphore, #tpu.memory_space<semaphore_mem>>)
    %slice3A_552 = vector.extract_strided_slice %get3A_5 {offsets = [7], sizes = [1], strides = [1]} : vector<16xi32> to vector<1xi32>
    %squeeze3A_553 = vector.extract %slice3A_552[0] : i32 from vector<1xi32>
    %and3A_554 = arith.constant -16 : i32
    %and3A_555 = arith.andi %squeeze3A_553, %and3A_554 : i32
    %multiple_of3A_556 = tpu.assume_multiple %and3A_555, 16 : i32
    %shift_right_arithmetic3A_557 = arith.constant 3 : i32
    %shift_right_arithmetic3A_558 = arith.shrsi %mul3A_2, %shift_right_arithmetic3A_557 : i32
    %add3A_559 = arith.constant 2 : i32
    %add3A_560 = arith.addi %shift_right_arithmetic3A_558, %add3A_559 : i32
    %dma_start3A_561 = arith.constant 23 : i32
    %dma_start3A_562 = arith.constant 0 : i32
    %dma_start3A_563 = arith.constant 0 : i32
    %dma_start3A_564 = tpu.memref_slice %arg6[%dma_start3A_561, %dma_start3A_562, %dma_start3A_563] : memref<32x8x128xf32, #tpu.memory_space<vmem>> -> memref<1x8x16xf32, #tpu.memory_space<vmem>>
    %dma_start3A_565 = tpu.memref_squeeze %dma_start3A_564 : memref<1x8x16xf32, #tpu.memory_space<vmem>> -> memref<8x16xf32, #tpu.memory_space<vmem>>
    %dma_start3A_566 = arith.constant 0 : i32
    %dma_start3A_567 = tpu.memref_slice %arg2[%add3A_560, %dma_start3A_566, %multiple_of3A_556] : memref<128x8x100000xf32, #tpu.memory_space<hbm>> -> memref<1x8x16xf32, #tpu.memory_space<hbm>>
    %dma_start3A_568 = tpu.memref_squeeze %dma_start3A_567 : memref<1x8x16xf32, #tpu.memory_space<hbm>> -> memref<8x16xf32, #tpu.memory_space<hbm>>
    %dma_start3A_569 = arith.constant 0 : i32
    %dma_start3A_570 = arith.constant 0 : i32
    %dma_start3A_571 = tpu.memref_slice %arg6[%dma_start3A_561, %dma_start3A_569, %dma_start3A_570] : memref<32x8x128xf32, #tpu.memory_space<vmem>> -> memref<1x8x16xf32, #tpu.memory_space<vmem>>
    %dma_start3A_572 = tpu.memref_squeeze %dma_start3A_571 : memref<1x8x16xf32, #tpu.memory_space<vmem>> -> memref<8x16xf32, #tpu.memory_space<vmem>>
    %dma_start3A_573 = arith.constant 0 : i32
    %dma_start3A_574 = tpu.memref_slice %arg2[%add3A_560, %dma_start3A_573, %multiple_of3A_556] : memref<128x8x100000xf32, #tpu.memory_space<hbm>> -> memref<1x8x16xf32, #tpu.memory_space<hbm>>
    %dma_start3A_575 = tpu.memref_squeeze %dma_start3A_574 : memref<1x8x16xf32, #tpu.memory_space<hbm>> -> memref<8x16xf32, #tpu.memory_space<hbm>>
    tpu.enqueue_dma source(%dma_start3A_575 : memref<8x16xf32, #tpu.memory_space<hbm>>) target(%dma_start3A_572 : memref<8x16xf32, #tpu.memory_space<vmem>>) target_semaphore(%arg8 : memref<!tpu.dma_semaphore, #tpu.memory_space<semaphore_mem>>)
    %slice3A_576 = vector.extract_strided_slice %get3A_5 {offsets = [8], sizes = [1], strides = [1]} : vector<16xi32> to vector<1xi32>
    %squeeze3A_577 = vector.extract %slice3A_576[0] : i32 from vector<1xi32>
    %and3A_578 = arith.constant -16 : i32
    %and3A_579 = arith.andi %squeeze3A_577, %and3A_578 : i32
    %multiple_of3A_580 = tpu.assume_multiple %and3A_579, 16 : i32
    %shift_right_arithmetic3A_581 = arith.constant 3 : i32
    %shift_right_arithmetic3A_582 = arith.shrsi %mul3A_2, %shift_right_arithmetic3A_581 : i32
    %add3A_583 = arith.constant 3 : i32
    %add3A_584 = arith.addi %shift_right_arithmetic3A_582, %add3A_583 : i32
    %dma_start3A_585 = arith.constant 24 : i32
    %dma_start3A_586 = arith.constant 0 : i32
    %dma_start3A_587 = arith.constant 0 : i32
    %dma_start3A_588 = tpu.memref_slice %arg6[%dma_start3A_585, %dma_start3A_586, %dma_start3A_587] : memref<32x8x128xf32, #tpu.memory_space<vmem>> -> memref<1x8x16xf32, #tpu.memory_space<vmem>>
    %dma_start3A_589 = tpu.memref_squeeze %dma_start3A_588 : memref<1x8x16xf32, #tpu.memory_space<vmem>> -> memref<8x16xf32, #tpu.memory_space<vmem>>
    %dma_start3A_590 = arith.constant 0 : i32
    %dma_start3A_591 = tpu.memref_slice %arg2[%add3A_584, %dma_start3A_590, %multiple_of3A_580] : memref<128x8x100000xf32, #tpu.memory_space<hbm>> -> memref<1x8x16xf32, #tpu.memory_space<hbm>>
    %dma_start3A_592 = tpu.memref_squeeze %dma_start3A_591 : memref<1x8x16xf32, #tpu.memory_space<hbm>> -> memref<8x16xf32, #tpu.memory_space<hbm>>
    %dma_start3A_593 = arith.constant 0 : i32
    %dma_start3A_594 = arith.constant 0 : i32
    %dma_start3A_595 = tpu.memref_slice %arg6[%dma_start3A_585, %dma_start3A_593, %dma_start3A_594] : memref<32x8x128xf32, #tpu.memory_space<vmem>> -> memref<1x8x16xf32, #tpu.memory_space<vmem>>
    %dma_start3A_596 = tpu.memref_squeeze %dma_start3A_595 : memref<1x8x16xf32, #tpu.memory_space<vmem>> -> memref<8x16xf32, #tpu.memory_space<vmem>>
    %dma_start3A_597 = arith.constant 0 : i32
    %dma_start3A_598 = tpu.memref_slice %arg2[%add3A_584, %dma_start3A_597, %multiple_of3A_580] : memref<128x8x100000xf32, #tpu.memory_space<hbm>> -> memref<1x8x16xf32, #tpu.memory_space<hbm>>
    %dma_start3A_599 = tpu.memref_squeeze %dma_start3A_598 : memref<1x8x16xf32, #tpu.memory_space<hbm>> -> memref<8x16xf32, #tpu.memory_space<hbm>>
    tpu.enqueue_dma source(%dma_start3A_599 : memref<8x16xf32, #tpu.memory_space<hbm>>) target(%dma_start3A_596 : memref<8x16xf32, #tpu.memory_space<vmem>>) target_semaphore(%arg8 : memref<!tpu.dma_semaphore, #tpu.memory_space<semaphore_mem>>)
    %slice3A_600 = vector.extract_strided_slice %get3A_5 {offsets = [9], sizes = [1], strides = [1]} : vector<16xi32> to vector<1xi32>
    %squeeze3A_601 = vector.extract %slice3A_600[0] : i32 from vector<1xi32>
    %and3A_602 = arith.constant -16 : i32
    %and3A_603 = arith.andi %squeeze3A_601, %and3A_602 : i32
    %multiple_of3A_604 = tpu.assume_multiple %and3A_603, 16 : i32
    %shift_right_arithmetic3A_605 = arith.constant 3 : i32
    %shift_right_arithmetic3A_606 = arith.shrsi %mul3A_2, %shift_right_arithmetic3A_605 : i32
    %add3A_607 = arith.constant 3 : i32
    %add3A_608 = arith.addi %shift_right_arithmetic3A_606, %add3A_607 : i32
    %dma_start3A_609 = arith.constant 25 : i32
    %dma_start3A_610 = arith.constant 0 : i32
    %dma_start3A_611 = arith.constant 0 : i32
    %dma_start3A_612 = tpu.memref_slice %arg6[%dma_start3A_609, %dma_start3A_610, %dma_start3A_611] : memref<32x8x128xf32, #tpu.memory_space<vmem>> -> memref<1x8x16xf32, #tpu.memory_space<vmem>>
    %dma_start3A_613 = tpu.memref_squeeze %dma_start3A_612 : memref<1x8x16xf32, #tpu.memory_space<vmem>> -> memref<8x16xf32, #tpu.memory_space<vmem>>
    %dma_start3A_614 = arith.constant 0 : i32
    %dma_start3A_615 = tpu.memref_slice %arg2[%add3A_608, %dma_start3A_614, %multiple_of3A_604] : memref<128x8x100000xf32, #tpu.memory_space<hbm>> -> memref<1x8x16xf32, #tpu.memory_space<hbm>>
    %dma_start3A_616 = tpu.memref_squeeze %dma_start3A_615 : memref<1x8x16xf32, #tpu.memory_space<hbm>> -> memref<8x16xf32, #tpu.memory_space<hbm>>
    %dma_start3A_617 = arith.constant 0 : i32
    %dma_start3A_618 = arith.constant 0 : i32
    %dma_start3A_619 = tpu.memref_slice %arg6[%dma_start3A_609, %dma_start3A_617, %dma_start3A_618] : memref<32x8x128xf32, #tpu.memory_space<vmem>> -> memref<1x8x16xf32, #tpu.memory_space<vmem>>
    %dma_start3A_620 = tpu.memref_squeeze %dma_start3A_619 : memref<1x8x16xf32, #tpu.memory_space<vmem>> -> memref<8x16xf32, #tpu.memory_space<vmem>>
    %dma_start3A_621 = arith.constant 0 : i32
    %dma_start3A_622 = tpu.memref_slice %arg2[%add3A_608, %dma_start3A_621, %multiple_of3A_604] : memref<128x8x100000xf32, #tpu.memory_space<hbm>> -> memref<1x8x16xf32, #tpu.memory_space<hbm>>
    %dma_start3A_623 = tpu.memref_squeeze %dma_start3A_622 : memref<1x8x16xf32, #tpu.memory_space<hbm>> -> memref<8x16xf32, #tpu.memory_space<hbm>>
    tpu.enqueue_dma source(%dma_start3A_623 : memref<8x16xf32, #tpu.memory_space<hbm>>) target(%dma_start3A_620 : memref<8x16xf32, #tpu.memory_space<vmem>>) target_semaphore(%arg8 : memref<!tpu.dma_semaphore, #tpu.memory_space<semaphore_mem>>)
    %slice3A_624 = vector.extract_strided_slice %get3A_5 {offsets = [10], sizes = [1], strides = [1]} : vector<16xi32> to vector<1xi32>
    %squeeze3A_625 = vector.extract %slice3A_624[0] : i32 from vector<1xi32>
    %and3A_626 = arith.constant -16 : i32
    %and3A_627 = arith.andi %squeeze3A_625, %and3A_626 : i32
    %multiple_of3A_628 = tpu.assume_multiple %and3A_627, 16 : i32
    %shift_right_arithmetic3A_629 = arith.constant 3 : i32
    %shift_right_arithmetic3A_630 = arith.shrsi %mul3A_2, %shift_right_arithmetic3A_629 : i32
    %add3A_631 = arith.constant 3 : i32
    %add3A_632 = arith.addi %shift_right_arithmetic3A_630, %add3A_631 : i32
    %dma_start3A_633 = arith.constant 26 : i32
    %dma_start3A_634 = arith.constant 0 : i32
    %dma_start3A_635 = arith.constant 0 : i32
    %dma_start3A_636 = tpu.memref_slice %arg6[%dma_start3A_633, %dma_start3A_634, %dma_start3A_635] : memref<32x8x128xf32, #tpu.memory_space<vmem>> -> memref<1x8x16xf32, #tpu.memory_space<vmem>>
    %dma_start3A_637 = tpu.memref_squeeze %dma_start3A_636 : memref<1x8x16xf32, #tpu.memory_space<vmem>> -> memref<8x16xf32, #tpu.memory_space<vmem>>
    %dma_start3A_638 = arith.constant 0 : i32
    %dma_start3A_639 = tpu.memref_slice %arg2[%add3A_632, %dma_start3A_638, %multiple_of3A_628] : memref<128x8x100000xf32, #tpu.memory_space<hbm>> -> memref<1x8x16xf32, #tpu.memory_space<hbm>>
    %dma_start3A_640 = tpu.memref_squeeze %dma_start3A_639 : memref<1x8x16xf32, #tpu.memory_space<hbm>> -> memref<8x16xf32, #tpu.memory_space<hbm>>
    %dma_start3A_641 = arith.constant 0 : i32
    %dma_start3A_642 = arith.constant 0 : i32
    %dma_start3A_643 = tpu.memref_slice %arg6[%dma_start3A_633, %dma_start3A_641, %dma_start3A_642] : memref<32x8x128xf32, #tpu.memory_space<vmem>> -> memref<1x8x16xf32, #tpu.memory_space<vmem>>
    %dma_start3A_644 = tpu.memref_squeeze %dma_start3A_643 : memref<1x8x16xf32, #tpu.memory_space<vmem>> -> memref<8x16xf32, #tpu.memory_space<vmem>>
    %dma_start3A_645 = arith.constant 0 : i32
    %dma_start3A_646 = tpu.memref_slice %arg2[%add3A_632, %dma_start3A_645, %multiple_of3A_628] : memref<128x8x100000xf32, #tpu.memory_space<hbm>> -> memref<1x8x16xf32, #tpu.memory_space<hbm>>
    %dma_start3A_647 = tpu.memref_squeeze %dma_start3A_646 : memref<1x8x16xf32, #tpu.memory_space<hbm>> -> memref<8x16xf32, #tpu.memory_space<hbm>>
    tpu.enqueue_dma source(%dma_start3A_647 : memref<8x16xf32, #tpu.memory_space<hbm>>) target(%dma_start3A_644 : memref<8x16xf32, #tpu.memory_space<vmem>>) target_semaphore(%arg8 : memref<!tpu.dma_semaphore, #tpu.memory_space<semaphore_mem>>)
    %slice3A_648 = vector.extract_strided_slice %get3A_5 {offsets = [11], sizes = [1], strides = [1]} : vector<16xi32> to vector<1xi32>
    %squeeze3A_649 = vector.extract %slice3A_648[0] : i32 from vector<1xi32>
    %and3A_650 = arith.constant -16 : i32
    %and3A_651 = arith.andi %squeeze3A_649, %and3A_650 : i32
    %multiple_of3A_652 = tpu.assume_multiple %and3A_651, 16 : i32
    %shift_right_arithmetic3A_653 = arith.constant 3 : i32
    %shift_right_arithmetic3A_654 = arith.shrsi %mul3A_2, %shift_right_arithmetic3A_653 : i32
    %add3A_655 = arith.constant 3 : i32
    %add3A_656 = arith.addi %shift_right_arithmetic3A_654, %add3A_655 : i32
    %dma_start3A_657 = arith.constant 27 : i32
    %dma_start3A_658 = arith.constant 0 : i32
    %dma_start3A_659 = arith.constant 0 : i32
    %dma_start3A_660 = tpu.memref_slice %arg6[%dma_start3A_657, %dma_start3A_658, %dma_start3A_659] : memref<32x8x128xf32, #tpu.memory_space<vmem>> -> memref<1x8x16xf32, #tpu.memory_space<vmem>>
    %dma_start3A_661 = tpu.memref_squeeze %dma_start3A_660 : memref<1x8x16xf32, #tpu.memory_space<vmem>> -> memref<8x16xf32, #tpu.memory_space<vmem>>
    %dma_start3A_662 = arith.constant 0 : i32
    %dma_start3A_663 = tpu.memref_slice %arg2[%add3A_656, %dma_start3A_662, %multiple_of3A_652] : memref<128x8x100000xf32, #tpu.memory_space<hbm>> -> memref<1x8x16xf32, #tpu.memory_space<hbm>>
    %dma_start3A_664 = tpu.memref_squeeze %dma_start3A_663 : memref<1x8x16xf32, #tpu.memory_space<hbm>> -> memref<8x16xf32, #tpu.memory_space<hbm>>
    %dma_start3A_665 = arith.constant 0 : i32
    %dma_start3A_666 = arith.constant 0 : i32
    %dma_start3A_667 = tpu.memref_slice %arg6[%dma_start3A_657, %dma_start3A_665, %dma_start3A_666] : memref<32x8x128xf32, #tpu.memory_space<vmem>> -> memref<1x8x16xf32, #tpu.memory_space<vmem>>
    %dma_start3A_668 = tpu.memref_squeeze %dma_start3A_667 : memref<1x8x16xf32, #tpu.memory_space<vmem>> -> memref<8x16xf32, #tpu.memory_space<vmem>>
    %dma_start3A_669 = arith.constant 0 : i32
    %dma_start3A_670 = tpu.memref_slice %arg2[%add3A_656, %dma_start3A_669, %multiple_of3A_652] : memref<128x8x100000xf32, #tpu.memory_space<hbm>> -> memref<1x8x16xf32, #tpu.memory_space<hbm>>
    %dma_start3A_671 = tpu.memref_squeeze %dma_start3A_670 : memref<1x8x16xf32, #tpu.memory_space<hbm>> -> memref<8x16xf32, #tpu.memory_space<hbm>>
    tpu.enqueue_dma source(%dma_start3A_671 : memref<8x16xf32, #tpu.memory_space<hbm>>) target(%dma_start3A_668 : memref<8x16xf32, #tpu.memory_space<vmem>>) target_semaphore(%arg8 : memref<!tpu.dma_semaphore, #tpu.memory_space<semaphore_mem>>)
    %slice3A_672 = vector.extract_strided_slice %get3A_5 {offsets = [12], sizes = [1], strides = [1]} : vector<16xi32> to vector<1xi32>
    %squeeze3A_673 = vector.extract %slice3A_672[0] : i32 from vector<1xi32>
    %and3A_674 = arith.constant -16 : i32
    %and3A_675 = arith.andi %squeeze3A_673, %and3A_674 : i32
    %multiple_of3A_676 = tpu.assume_multiple %and3A_675, 16 : i32
    %shift_right_arithmetic3A_677 = arith.constant 3 : i32
    %shift_right_arithmetic3A_678 = arith.shrsi %mul3A_2, %shift_right_arithmetic3A_677 : i32
    %add3A_679 = arith.constant 3 : i32
    %add3A_680 = arith.addi %shift_right_arithmetic3A_678, %add3A_679 : i32
    %dma_start3A_681 = arith.constant 28 : i32
    %dma_start3A_682 = arith.constant 0 : i32
    %dma_start3A_683 = arith.constant 0 : i32
    %dma_start3A_684 = tpu.memref_slice %arg6[%dma_start3A_681, %dma_start3A_682, %dma_start3A_683] : memref<32x8x128xf32, #tpu.memory_space<vmem>> -> memref<1x8x16xf32, #tpu.memory_space<vmem>>
    %dma_start3A_685 = tpu.memref_squeeze %dma_start3A_684 : memref<1x8x16xf32, #tpu.memory_space<vmem>> -> memref<8x16xf32, #tpu.memory_space<vmem>>
    %dma_start3A_686 = arith.constant 0 : i32
    %dma_start3A_687 = tpu.memref_slice %arg2[%add3A_680, %dma_start3A_686, %multiple_of3A_676] : memref<128x8x100000xf32, #tpu.memory_space<hbm>> -> memref<1x8x16xf32, #tpu.memory_space<hbm>>
    %dma_start3A_688 = tpu.memref_squeeze %dma_start3A_687 : memref<1x8x16xf32, #tpu.memory_space<hbm>> -> memref<8x16xf32, #tpu.memory_space<hbm>>
    %dma_start3A_689 = arith.constant 0 : i32
    %dma_start3A_690 = arith.constant 0 : i32
    %dma_start3A_691 = tpu.memref_slice %arg6[%dma_start3A_681, %dma_start3A_689, %dma_start3A_690] : memref<32x8x128xf32, #tpu.memory_space<vmem>> -> memref<1x8x16xf32, #tpu.memory_space<vmem>>
    %dma_start3A_692 = tpu.memref_squeeze %dma_start3A_691 : memref<1x8x16xf32, #tpu.memory_space<vmem>> -> memref<8x16xf32, #tpu.memory_space<vmem>>
    %dma_start3A_693 = arith.constant 0 : i32
    %dma_start3A_694 = tpu.memref_slice %arg2[%add3A_680, %dma_start3A_693, %multiple_of3A_676] : memref<128x8x100000xf32, #tpu.memory_space<hbm>> -> memref<1x8x16xf32, #tpu.memory_space<hbm>>
    %dma_start3A_695 = tpu.memref_squeeze %dma_start3A_694 : memref<1x8x16xf32, #tpu.memory_space<hbm>> -> memref<8x16xf32, #tpu.memory_space<hbm>>
    tpu.enqueue_dma source(%dma_start3A_695 : memref<8x16xf32, #tpu.memory_space<hbm>>) target(%dma_start3A_692 : memref<8x16xf32, #tpu.memory_space<vmem>>) target_semaphore(%arg8 : memref<!tpu.dma_semaphore, #tpu.memory_space<semaphore_mem>>)
    %slice3A_696 = vector.extract_strided_slice %get3A_5 {offsets = [13], sizes = [1], strides = [1]} : vector<16xi32> to vector<1xi32>
    %squeeze3A_697 = vector.extract %slice3A_696[0] : i32 from vector<1xi32>
    %and3A_698 = arith.constant -16 : i32
    %and3A_699 = arith.andi %squeeze3A_697, %and3A_698 : i32
    %multiple_of3A_700 = tpu.assume_multiple %and3A_699, 16 : i32
    %shift_right_arithmetic3A_701 = arith.constant 3 : i32
    %shift_right_arithmetic3A_702 = arith.shrsi %mul3A_2, %shift_right_arithmetic3A_701 : i32
    %add3A_703 = arith.constant 3 : i32
    %add3A_704 = arith.addi %shift_right_arithmetic3A_702, %add3A_703 : i32
    %dma_start3A_705 = arith.constant 29 : i32
    %dma_start3A_706 = arith.constant 0 : i32
    %dma_start3A_707 = arith.constant 0 : i32
    %dma_start3A_708 = tpu.memref_slice %arg6[%dma_start3A_705, %dma_start3A_706, %dma_start3A_707] : memref<32x8x128xf32, #tpu.memory_space<vmem>> -> memref<1x8x16xf32, #tpu.memory_space<vmem>>
    %dma_start3A_709 = tpu.memref_squeeze %dma_start3A_708 : memref<1x8x16xf32, #tpu.memory_space<vmem>> -> memref<8x16xf32, #tpu.memory_space<vmem>>
    %dma_start3A_710 = arith.constant 0 : i32
    %dma_start3A_711 = tpu.memref_slice %arg2[%add3A_704, %dma_start3A_710, %multiple_of3A_700] : memref<128x8x100000xf32, #tpu.memory_space<hbm>> -> memref<1x8x16xf32, #tpu.memory_space<hbm>>
    %dma_start3A_712 = tpu.memref_squeeze %dma_start3A_711 : memref<1x8x16xf32, #tpu.memory_space<hbm>> -> memref<8x16xf32, #tpu.memory_space<hbm>>
    %dma_start3A_713 = arith.constant 0 : i32
    %dma_start3A_714 = arith.constant 0 : i32
    %dma_start3A_715 = tpu.memref_slice %arg6[%dma_start3A_705, %dma_start3A_713, %dma_start3A_714] : memref<32x8x128xf32, #tpu.memory_space<vmem>> -> memref<1x8x16xf32, #tpu.memory_space<vmem>>
    %dma_start3A_716 = tpu.memref_squeeze %dma_start3A_715 : memref<1x8x16xf32, #tpu.memory_space<vmem>> -> memref<8x16xf32, #tpu.memory_space<vmem>>
    %dma_start3A_717 = arith.constant 0 : i32
    %dma_start3A_718 = tpu.memref_slice %arg2[%add3A_704, %dma_start3A_717, %multiple_of3A_700] : memref<128x8x100000xf32, #tpu.memory_space<hbm>> -> memref<1x8x16xf32, #tpu.memory_space<hbm>>
    %dma_start3A_719 = tpu.memref_squeeze %dma_start3A_718 : memref<1x8x16xf32, #tpu.memory_space<hbm>> -> memref<8x16xf32, #tpu.memory_space<hbm>>
    tpu.enqueue_dma source(%dma_start3A_719 : memref<8x16xf32, #tpu.memory_space<hbm>>) target(%dma_start3A_716 : memref<8x16xf32, #tpu.memory_space<vmem>>) target_semaphore(%arg8 : memref<!tpu.dma_semaphore, #tpu.memory_space<semaphore_mem>>)
    %slice3A_720 = vector.extract_strided_slice %get3A_5 {offsets = [14], sizes = [1], strides = [1]} : vector<16xi32> to vector<1xi32>
    %squeeze3A_721 = vector.extract %slice3A_720[0] : i32 from vector<1xi32>
    %and3A_722 = arith.constant -16 : i32
    %and3A_723 = arith.andi %squeeze3A_721, %and3A_722 : i32
    %multiple_of3A_724 = tpu.assume_multiple %and3A_723, 16 : i32
    %shift_right_arithmetic3A_725 = arith.constant 3 : i32
    %shift_right_arithmetic3A_726 = arith.shrsi %mul3A_2, %shift_right_arithmetic3A_725 : i32
    %add3A_727 = arith.constant 3 : i32
    %add3A_728 = arith.addi %shift_right_arithmetic3A_726, %add3A_727 : i32
    %dma_start3A_729 = arith.constant 30 : i32
    %dma_start3A_730 = arith.constant 0 : i32
    %dma_start3A_731 = arith.constant 0 : i32
    %dma_start3A_732 = tpu.memref_slice %arg6[%dma_start3A_729, %dma_start3A_730, %dma_start3A_731] : memref<32x8x128xf32, #tpu.memory_space<vmem>> -> memref<1x8x16xf32, #tpu.memory_space<vmem>>
    %dma_start3A_733 = tpu.memref_squeeze %dma_start3A_732 : memref<1x8x16xf32, #tpu.memory_space<vmem>> -> memref<8x16xf32, #tpu.memory_space<vmem>>
    %dma_start3A_734 = arith.constant 0 : i32
    %dma_start3A_735 = tpu.memref_slice %arg2[%add3A_728, %dma_start3A_734, %multiple_of3A_724] : memref<128x8x100000xf32, #tpu.memory_space<hbm>> -> memref<1x8x16xf32, #tpu.memory_space<hbm>>
    %dma_start3A_736 = tpu.memref_squeeze %dma_start3A_735 : memref<1x8x16xf32, #tpu.memory_space<hbm>> -> memref<8x16xf32, #tpu.memory_space<hbm>>
    %dma_start3A_737 = arith.constant 0 : i32
    %dma_start3A_738 = arith.constant 0 : i32
    %dma_start3A_739 = tpu.memref_slice %arg6[%dma_start3A_729, %dma_start3A_737, %dma_start3A_738] : memref<32x8x128xf32, #tpu.memory_space<vmem>> -> memref<1x8x16xf32, #tpu.memory_space<vmem>>
    %dma_start3A_740 = tpu.memref_squeeze %dma_start3A_739 : memref<1x8x16xf32, #tpu.memory_space<vmem>> -> memref<8x16xf32, #tpu.memory_space<vmem>>
    %dma_start3A_741 = arith.constant 0 : i32
    %dma_start3A_742 = tpu.memref_slice %arg2[%add3A_728, %dma_start3A_741, %multiple_of3A_724] : memref<128x8x100000xf32, #tpu.memory_space<hbm>> -> memref<1x8x16xf32, #tpu.memory_space<hbm>>
    %dma_start3A_743 = tpu.memref_squeeze %dma_start3A_742 : memref<1x8x16xf32, #tpu.memory_space<hbm>> -> memref<8x16xf32, #tpu.memory_space<hbm>>
    tpu.enqueue_dma source(%dma_start3A_743 : memref<8x16xf32, #tpu.memory_space<hbm>>) target(%dma_start3A_740 : memref<8x16xf32, #tpu.memory_space<vmem>>) target_semaphore(%arg8 : memref<!tpu.dma_semaphore, #tpu.memory_space<semaphore_mem>>)
    %slice3A_744 = vector.extract_strided_slice %get3A_5 {offsets = [15], sizes = [1], strides = [1]} : vector<16xi32> to vector<1xi32>
    %squeeze3A_745 = vector.extract %slice3A_744[0] : i32 from vector<1xi32>
    %and3A_746 = arith.constant -16 : i32
    %and3A_747 = arith.andi %squeeze3A_745, %and3A_746 : i32
    %multiple_of3A_748 = tpu.assume_multiple %and3A_747, 16 : i32
    %shift_right_arithmetic3A_749 = arith.constant 3 : i32
    %shift_right_arithmetic3A_750 = arith.shrsi %mul3A_2, %shift_right_arithmetic3A_749 : i32
    %add3A_751 = arith.constant 3 : i32
    %add3A_752 = arith.addi %shift_right_arithmetic3A_750, %add3A_751 : i32
    %dma_start3A_753 = arith.constant 31 : i32
    %dma_start3A_754 = arith.constant 0 : i32
    %dma_start3A_755 = arith.constant 0 : i32
    %dma_start3A_756 = tpu.memref_slice %arg6[%dma_start3A_753, %dma_start3A_754, %dma_start3A_755] : memref<32x8x128xf32, #tpu.memory_space<vmem>> -> memref<1x8x16xf32, #tpu.memory_space<vmem>>
    %dma_start3A_757 = tpu.memref_squeeze %dma_start3A_756 : memref<1x8x16xf32, #tpu.memory_space<vmem>> -> memref<8x16xf32, #tpu.memory_space<vmem>>
    %dma_start3A_758 = arith.constant 0 : i32
    %dma_start3A_759 = tpu.memref_slice %arg2[%add3A_752, %dma_start3A_758, %multiple_of3A_748] : memref<128x8x100000xf32, #tpu.memory_space<hbm>> -> memref<1x8x16xf32, #tpu.memory_space<hbm>>
    %dma_start3A_760 = tpu.memref_squeeze %dma_start3A_759 : memref<1x8x16xf32, #tpu.memory_space<hbm>> -> memref<8x16xf32, #tpu.memory_space<hbm>>
    %dma_start3A_761 = arith.constant 0 : i32
    %dma_start3A_762 = arith.constant 0 : i32
    %dma_start3A_763 = tpu.memref_slice %arg6[%dma_start3A_753, %dma_start3A_761, %dma_start3A_762] : memref<32x8x128xf32, #tpu.memory_space<vmem>> -> memref<1x8x16xf32, #tpu.memory_space<vmem>>
    %dma_start3A_764 = tpu.memref_squeeze %dma_start3A_763 : memref<1x8x16xf32, #tpu.memory_space<vmem>> -> memref<8x16xf32, #tpu.memory_space<vmem>>
    %dma_start3A_765 = arith.constant 0 : i32
    %dma_start3A_766 = tpu.memref_slice %arg2[%add3A_752, %dma_start3A_765, %multiple_of3A_748] : memref<128x8x100000xf32, #tpu.memory_space<hbm>> -> memref<1x8x16xf32, #tpu.memory_space<hbm>>
    %dma_start3A_767 = tpu.memref_squeeze %dma_start3A_766 : memref<1x8x16xf32, #tpu.memory_space<hbm>> -> memref<8x16xf32, #tpu.memory_space<hbm>>
    tpu.enqueue_dma source(%dma_start3A_767 : memref<8x16xf32, #tpu.memory_space<hbm>>) target(%dma_start3A_764 : memref<8x16xf32, #tpu.memory_space<vmem>>) target_semaphore(%arg8 : memref<!tpu.dma_semaphore, #tpu.memory_space<semaphore_mem>>)
    %dma_wait3A = arith.constant 0 : i32
    %dma_wait3A_768 = arith.constant 0 : i32
    %dma_wait3A_769 = arith.constant 0 : i32
    %dma_wait3A_770 = tpu.memref_slice %arg6[%dma_wait3A, %dma_wait3A_768, %dma_wait3A_769] : memref<32x8x128xf32, #tpu.memory_space<vmem>> -> memref<1x8x16xf32, #tpu.memory_space<vmem>>
    %dma_wait3A_771 = tpu.memref_squeeze %dma_wait3A_770 : memref<1x8x16xf32, #tpu.memory_space<vmem>> -> memref<8x16xf32, #tpu.memory_space<vmem>>
    %dma_wait3A_772 = arith.constant 0 : i32
    %dma_wait3A_773 = tpu.memref_slice %arg2[%add3A_9, %dma_wait3A_772, %multiple_of3A] : memref<128x8x100000xf32, #tpu.memory_space<hbm>> -> memref<1x8x16xf32, #tpu.memory_space<hbm>>
    %dma_wait3A_774 = tpu.memref_squeeze %dma_wait3A_773 : memref<1x8x16xf32, #tpu.memory_space<hbm>> -> memref<8x16xf32, #tpu.memory_space<hbm>>
    %dma_wait3A_775 = arith.constant 0 : i32
    %dma_wait3A_776 = arith.constant 0 : i32
    %dma_wait3A_777 = tpu.memref_slice %arg6[%dma_wait3A, %dma_wait3A_775, %dma_wait3A_776] : memref<32x8x128xf32, #tpu.memory_space<vmem>> -> memref<1x8x16xf32, #tpu.memory_space<vmem>>
    %dma_wait3A_778 = tpu.memref_squeeze %dma_wait3A_777 : memref<1x8x16xf32, #tpu.memory_space<vmem>> -> memref<8x16xf32, #tpu.memory_space<vmem>>
    %dma_wait3A_779 = arith.constant 0 : i32
    %dma_wait3A_780 = tpu.memref_slice %arg2[%add3A_9, %dma_wait3A_779, %multiple_of3A] : memref<128x8x100000xf32, #tpu.memory_space<hbm>> -> memref<1x8x16xf32, #tpu.memory_space<hbm>>
    %dma_wait3A_781 = tpu.memref_squeeze %dma_wait3A_780 : memref<1x8x16xf32, #tpu.memory_space<hbm>> -> memref<8x16xf32, #tpu.memory_space<hbm>>
    tpu.wait_dma2 semaphore(%arg8 : memref<!tpu.dma_semaphore, #tpu.memory_space<semaphore_mem>>) src(%dma_wait3A_781 : memref<8x16xf32, #tpu.memory_space<hbm>>) dst(%dma_wait3A_778 : memref<8x16xf32, #tpu.memory_space<vmem>>)
    %dma_wait3A_782 = arith.constant 1 : i32
    %dma_wait3A_783 = arith.constant 0 : i32
    %dma_wait3A_784 = arith.constant 0 : i32
    %dma_wait3A_785 = tpu.memref_slice %arg6[%dma_wait3A_782, %dma_wait3A_783, %dma_wait3A_784] : memref<32x8x128xf32, #tpu.memory_space<vmem>> -> memref<1x8x16xf32, #tpu.memory_space<vmem>>
    %dma_wait3A_786 = tpu.memref_squeeze %dma_wait3A_785 : memref<1x8x16xf32, #tpu.memory_space<vmem>> -> memref<8x16xf32, #tpu.memory_space<vmem>>
    %dma_wait3A_787 = arith.constant 0 : i32
    %dma_wait3A_788 = tpu.memref_slice %arg2[%add3A_32, %dma_wait3A_787, %multiple_of3A_28] : memref<128x8x100000xf32, #tpu.memory_space<hbm>> -> memref<1x8x16xf32, #tpu.memory_space<hbm>>
    %dma_wait3A_789 = tpu.memref_squeeze %dma_wait3A_788 : memref<1x8x16xf32, #tpu.memory_space<hbm>> -> memref<8x16xf32, #tpu.memory_space<hbm>>
    %dma_wait3A_790 = arith.constant 0 : i32
    %dma_wait3A_791 = arith.constant 0 : i32
    %dma_wait3A_792 = tpu.memref_slice %arg6[%dma_wait3A_782, %dma_wait3A_790, %dma_wait3A_791] : memref<32x8x128xf32, #tpu.memory_space<vmem>> -> memref<1x8x16xf32, #tpu.memory_space<vmem>>
    %dma_wait3A_793 = tpu.memref_squeeze %dma_wait3A_792 : memref<1x8x16xf32, #tpu.memory_space<vmem>> -> memref<8x16xf32, #tpu.memory_space<vmem>>
    %dma_wait3A_794 = arith.constant 0 : i32
    %dma_wait3A_795 = tpu.memref_slice %arg2[%add3A_32, %dma_wait3A_794, %multiple_of3A_28] : memref<128x8x100000xf32, #tpu.memory_space<hbm>> -> memref<1x8x16xf32, #tpu.memory_space<hbm>>
    %dma_wait3A_796 = tpu.memref_squeeze %dma_wait3A_795 : memref<1x8x16xf32, #tpu.memory_space<hbm>> -> memref<8x16xf32, #tpu.memory_space<hbm>>
    tpu.wait_dma2 semaphore(%arg8 : memref<!tpu.dma_semaphore, #tpu.memory_space<semaphore_mem>>) src(%dma_wait3A_796 : memref<8x16xf32, #tpu.memory_space<hbm>>) dst(%dma_wait3A_793 : memref<8x16xf32, #tpu.memory_space<vmem>>)
    %dma_wait3A_797 = arith.constant 2 : i32
    %dma_wait3A_798 = arith.constant 0 : i32
    %dma_wait3A_799 = arith.constant 0 : i32
    %dma_wait3A_800 = tpu.memref_slice %arg6[%dma_wait3A_797, %dma_wait3A_798, %dma_wait3A_799] : memref<32x8x128xf32, #tpu.memory_space<vmem>> -> memref<1x8x16xf32, #tpu.memory_space<vmem>>
    %dma_wait3A_801 = tpu.memref_squeeze %dma_wait3A_800 : memref<1x8x16xf32, #tpu.memory_space<vmem>> -> memref<8x16xf32, #tpu.memory_space<vmem>>
    %dma_wait3A_802 = arith.constant 0 : i32
    %dma_wait3A_803 = tpu.memref_slice %arg2[%add3A_56, %dma_wait3A_802, %multiple_of3A_52] : memref<128x8x100000xf32, #tpu.memory_space<hbm>> -> memref<1x8x16xf32, #tpu.memory_space<hbm>>
    %dma_wait3A_804 = tpu.memref_squeeze %dma_wait3A_803 : memref<1x8x16xf32, #tpu.memory_space<hbm>> -> memref<8x16xf32, #tpu.memory_space<hbm>>
    %dma_wait3A_805 = arith.constant 0 : i32
    %dma_wait3A_806 = arith.constant 0 : i32
    %dma_wait3A_807 = tpu.memref_slice %arg6[%dma_wait3A_797, %dma_wait3A_805, %dma_wait3A_806] : memref<32x8x128xf32, #tpu.memory_space<vmem>> -> memref<1x8x16xf32, #tpu.memory_space<vmem>>
    %dma_wait3A_808 = tpu.memref_squeeze %dma_wait3A_807 : memref<1x8x16xf32, #tpu.memory_space<vmem>> -> memref<8x16xf32, #tpu.memory_space<vmem>>
    %dma_wait3A_809 = arith.constant 0 : i32
    %dma_wait3A_810 = tpu.memref_slice %arg2[%add3A_56, %dma_wait3A_809, %multiple_of3A_52] : memref<128x8x100000xf32, #tpu.memory_space<hbm>> -> memref<1x8x16xf32, #tpu.memory_space<hbm>>
    %dma_wait3A_811 = tpu.memref_squeeze %dma_wait3A_810 : memref<1x8x16xf32, #tpu.memory_space<hbm>> -> memref<8x16xf32, #tpu.memory_space<hbm>>
    tpu.wait_dma2 semaphore(%arg8 : memref<!tpu.dma_semaphore, #tpu.memory_space<semaphore_mem>>) src(%dma_wait3A_811 : memref<8x16xf32, #tpu.memory_space<hbm>>) dst(%dma_wait3A_808 : memref<8x16xf32, #tpu.memory_space<vmem>>)
    %dma_wait3A_812 = arith.constant 3 : i32
    %dma_wait3A_813 = arith.constant 0 : i32
    %dma_wait3A_814 = arith.constant 0 : i32
    %dma_wait3A_815 = tpu.memref_slice %arg6[%dma_wait3A_812, %dma_wait3A_813, %dma_wait3A_814] : memref<32x8x128xf32, #tpu.memory_space<vmem>> -> memref<1x8x16xf32, #tpu.memory_space<vmem>>
    %dma_wait3A_816 = tpu.memref_squeeze %dma_wait3A_815 : memref<1x8x16xf32, #tpu.memory_space<vmem>> -> memref<8x16xf32, #tpu.memory_space<vmem>>
    %dma_wait3A_817 = arith.constant 0 : i32
    %dma_wait3A_818 = tpu.memref_slice %arg2[%add3A_80, %dma_wait3A_817, %multiple_of3A_76] : memref<128x8x100000xf32, #tpu.memory_space<hbm>> -> memref<1x8x16xf32, #tpu.memory_space<hbm>>
    %dma_wait3A_819 = tpu.memref_squeeze %dma_wait3A_818 : memref<1x8x16xf32, #tpu.memory_space<hbm>> -> memref<8x16xf32, #tpu.memory_space<hbm>>
    %dma_wait3A_820 = arith.constant 0 : i32
    %dma_wait3A_821 = arith.constant 0 : i32
    %dma_wait3A_822 = tpu.memref_slice %arg6[%dma_wait3A_812, %dma_wait3A_820, %dma_wait3A_821] : memref<32x8x128xf32, #tpu.memory_space<vmem>> -> memref<1x8x16xf32, #tpu.memory_space<vmem>>
    %dma_wait3A_823 = tpu.memref_squeeze %dma_wait3A_822 : memref<1x8x16xf32, #tpu.memory_space<vmem>> -> memref<8x16xf32, #tpu.memory_space<vmem>>
    %dma_wait3A_824 = arith.constant 0 : i32
    %dma_wait3A_825 = tpu.memref_slice %arg2[%add3A_80, %dma_wait3A_824, %multiple_of3A_76] : memref<128x8x100000xf32, #tpu.memory_space<hbm>> -> memref<1x8x16xf32, #tpu.memory_space<hbm>>
    %dma_wait3A_826 = tpu.memref_squeeze %dma_wait3A_825 : memref<1x8x16xf32, #tpu.memory_space<hbm>> -> memref<8x16xf32, #tpu.memory_space<hbm>>
    tpu.wait_dma2 semaphore(%arg8 : memref<!tpu.dma_semaphore, #tpu.memory_space<semaphore_mem>>) src(%dma_wait3A_826 : memref<8x16xf32, #tpu.memory_space<hbm>>) dst(%dma_wait3A_823 : memref<8x16xf32, #tpu.memory_space<vmem>>)
    %dma_wait3A_827 = arith.constant 4 : i32
    %dma_wait3A_828 = arith.constant 0 : i32
    %dma_wait3A_829 = arith.constant 0 : i32
    %dma_wait3A_830 = tpu.memref_slice %arg6[%dma_wait3A_827, %dma_wait3A_828, %dma_wait3A_829] : memref<32x8x128xf32, #tpu.memory_space<vmem>> -> memref<1x8x16xf32, #tpu.memory_space<vmem>>
    %dma_wait3A_831 = tpu.memref_squeeze %dma_wait3A_830 : memref<1x8x16xf32, #tpu.memory_space<vmem>> -> memref<8x16xf32, #tpu.memory_space<vmem>>
    %dma_wait3A_832 = arith.constant 0 : i32
    %dma_wait3A_833 = tpu.memref_slice %arg2[%add3A_104, %dma_wait3A_832, %multiple_of3A_100] : memref<128x8x100000xf32, #tpu.memory_space<hbm>> -> memref<1x8x16xf32, #tpu.memory_space<hbm>>
    %dma_wait3A_834 = tpu.memref_squeeze %dma_wait3A_833 : memref<1x8x16xf32, #tpu.memory_space<hbm>> -> memref<8x16xf32, #tpu.memory_space<hbm>>
    %dma_wait3A_835 = arith.constant 0 : i32
    %dma_wait3A_836 = arith.constant 0 : i32
    %dma_wait3A_837 = tpu.memref_slice %arg6[%dma_wait3A_827, %dma_wait3A_835, %dma_wait3A_836] : memref<32x8x128xf32, #tpu.memory_space<vmem>> -> memref<1x8x16xf32, #tpu.memory_space<vmem>>
    %dma_wait3A_838 = tpu.memref_squeeze %dma_wait3A_837 : memref<1x8x16xf32, #tpu.memory_space<vmem>> -> memref<8x16xf32, #tpu.memory_space<vmem>>
    %dma_wait3A_839 = arith.constant 0 : i32
    %dma_wait3A_840 = tpu.memref_slice %arg2[%add3A_104, %dma_wait3A_839, %multiple_of3A_100] : memref<128x8x100000xf32, #tpu.memory_space<hbm>> -> memref<1x8x16xf32, #tpu.memory_space<hbm>>
    %dma_wait3A_841 = tpu.memref_squeeze %dma_wait3A_840 : memref<1x8x16xf32, #tpu.memory_space<hbm>> -> memref<8x16xf32, #tpu.memory_space<hbm>>
    tpu.wait_dma2 semaphore(%arg8 : memref<!tpu.dma_semaphore, #tpu.memory_space<semaphore_mem>>) src(%dma_wait3A_841 : memref<8x16xf32, #tpu.memory_space<hbm>>) dst(%dma_wait3A_838 : memref<8x16xf32, #tpu.memory_space<vmem>>)
    %dma_wait3A_842 = arith.constant 5 : i32
    %dma_wait3A_843 = arith.constant 0 : i32
    %dma_wait3A_844 = arith.constant 0 : i32
    %dma_wait3A_845 = tpu.memref_slice %arg6[%dma_wait3A_842, %dma_wait3A_843, %dma_wait3A_844] : memref<32x8x128xf32, #tpu.memory_space<vmem>> -> memref<1x8x16xf32, #tpu.memory_space<vmem>>
    %dma_wait3A_846 = tpu.memref_squeeze %dma_wait3A_845 : memref<1x8x16xf32, #tpu.memory_space<vmem>> -> memref<8x16xf32, #tpu.memory_space<vmem>>
    %dma_wait3A_847 = arith.constant 0 : i32
    %dma_wait3A_848 = tpu.memref_slice %arg2[%add3A_128, %dma_wait3A_847, %multiple_of3A_124] : memref<128x8x100000xf32, #tpu.memory_space<hbm>> -> memref<1x8x16xf32, #tpu.memory_space<hbm>>
    %dma_wait3A_849 = tpu.memref_squeeze %dma_wait3A_848 : memref<1x8x16xf32, #tpu.memory_space<hbm>> -> memref<8x16xf32, #tpu.memory_space<hbm>>
    %dma_wait3A_850 = arith.constant 0 : i32
    %dma_wait3A_851 = arith.constant 0 : i32
    %dma_wait3A_852 = tpu.memref_slice %arg6[%dma_wait3A_842, %dma_wait3A_850, %dma_wait3A_851] : memref<32x8x128xf32, #tpu.memory_space<vmem>> -> memref<1x8x16xf32, #tpu.memory_space<vmem>>
    %dma_wait3A_853 = tpu.memref_squeeze %dma_wait3A_852 : memref<1x8x16xf32, #tpu.memory_space<vmem>> -> memref<8x16xf32, #tpu.memory_space<vmem>>
    %dma_wait3A_854 = arith.constant 0 : i32
    %dma_wait3A_855 = tpu.memref_slice %arg2[%add3A_128, %dma_wait3A_854, %multiple_of3A_124] : memref<128x8x100000xf32, #tpu.memory_space<hbm>> -> memref<1x8x16xf32, #tpu.memory_space<hbm>>
    %dma_wait3A_856 = tpu.memref_squeeze %dma_wait3A_855 : memref<1x8x16xf32, #tpu.memory_space<hbm>> -> memref<8x16xf32, #tpu.memory_space<hbm>>
    tpu.wait_dma2 semaphore(%arg8 : memref<!tpu.dma_semaphore, #tpu.memory_space<semaphore_mem>>) src(%dma_wait3A_856 : memref<8x16xf32, #tpu.memory_space<hbm>>) dst(%dma_wait3A_853 : memref<8x16xf32, #tpu.memory_space<vmem>>)
    %dma_wait3A_857 = arith.constant 6 : i32
    %dma_wait3A_858 = arith.constant 0 : i32
    %dma_wait3A_859 = arith.constant 0 : i32
    %dma_wait3A_860 = tpu.memref_slice %arg6[%dma_wait3A_857, %dma_wait3A_858, %dma_wait3A_859] : memref<32x8x128xf32, #tpu.memory_space<vmem>> -> memref<1x8x16xf32, #tpu.memory_space<vmem>>
    %dma_wait3A_861 = tpu.memref_squeeze %dma_wait3A_860 : memref<1x8x16xf32, #tpu.memory_space<vmem>> -> memref<8x16xf32, #tpu.memory_space<vmem>>
    %dma_wait3A_862 = arith.constant 0 : i32
    %dma_wait3A_863 = tpu.memref_slice %arg2[%add3A_152, %dma_wait3A_862, %multiple_of3A_148] : memref<128x8x100000xf32, #tpu.memory_space<hbm>> -> memref<1x8x16xf32, #tpu.memory_space<hbm>>
    %dma_wait3A_864 = tpu.memref_squeeze %dma_wait3A_863 : memref<1x8x16xf32, #tpu.memory_space<hbm>> -> memref<8x16xf32, #tpu.memory_space<hbm>>
    %dma_wait3A_865 = arith.constant 0 : i32
    %dma_wait3A_866 = arith.constant 0 : i32
    %dma_wait3A_867 = tpu.memref_slice %arg6[%dma_wait3A_857, %dma_wait3A_865, %dma_wait3A_866] : memref<32x8x128xf32, #tpu.memory_space<vmem>> -> memref<1x8x16xf32, #tpu.memory_space<vmem>>
    %dma_wait3A_868 = tpu.memref_squeeze %dma_wait3A_867 : memref<1x8x16xf32, #tpu.memory_space<vmem>> -> memref<8x16xf32, #tpu.memory_space<vmem>>
    %dma_wait3A_869 = arith.constant 0 : i32
    %dma_wait3A_870 = tpu.memref_slice %arg2[%add3A_152, %dma_wait3A_869, %multiple_of3A_148] : memref<128x8x100000xf32, #tpu.memory_space<hbm>> -> memref<1x8x16xf32, #tpu.memory_space<hbm>>
    %dma_wait3A_871 = tpu.memref_squeeze %dma_wait3A_870 : memref<1x8x16xf32, #tpu.memory_space<hbm>> -> memref<8x16xf32, #tpu.memory_space<hbm>>
    tpu.wait_dma2 semaphore(%arg8 : memref<!tpu.dma_semaphore, #tpu.memory_space<semaphore_mem>>) src(%dma_wait3A_871 : memref<8x16xf32, #tpu.memory_space<hbm>>) dst(%dma_wait3A_868 : memref<8x16xf32, #tpu.memory_space<vmem>>)
    %dma_wait3A_872 = arith.constant 7 : i32
    %dma_wait3A_873 = arith.constant 0 : i32
    %dma_wait3A_874 = arith.constant 0 : i32
    %dma_wait3A_875 = tpu.memref_slice %arg6[%dma_wait3A_872, %dma_wait3A_873, %dma_wait3A_874] : memref<32x8x128xf32, #tpu.memory_space<vmem>> -> memref<1x8x16xf32, #tpu.memory_space<vmem>>
    %dma_wait3A_876 = tpu.memref_squeeze %dma_wait3A_875 : memref<1x8x16xf32, #tpu.memory_space<vmem>> -> memref<8x16xf32, #tpu.memory_space<vmem>>
    %dma_wait3A_877 = arith.constant 0 : i32
    %dma_wait3A_878 = tpu.memref_slice %arg2[%add3A_176, %dma_wait3A_877, %multiple_of3A_172] : memref<128x8x100000xf32, #tpu.memory_space<hbm>> -> memref<1x8x16xf32, #tpu.memory_space<hbm>>
    %dma_wait3A_879 = tpu.memref_squeeze %dma_wait3A_878 : memref<1x8x16xf32, #tpu.memory_space<hbm>> -> memref<8x16xf32, #tpu.memory_space<hbm>>
    %dma_wait3A_880 = arith.constant 0 : i32
    %dma_wait3A_881 = arith.constant 0 : i32
    %dma_wait3A_882 = tpu.memref_slice %arg6[%dma_wait3A_872, %dma_wait3A_880, %dma_wait3A_881] : memref<32x8x128xf32, #tpu.memory_space<vmem>> -> memref<1x8x16xf32, #tpu.memory_space<vmem>>
    %dma_wait3A_883 = tpu.memref_squeeze %dma_wait3A_882 : memref<1x8x16xf32, #tpu.memory_space<vmem>> -> memref<8x16xf32, #tpu.memory_space<vmem>>
    %dma_wait3A_884 = arith.constant 0 : i32
    %dma_wait3A_885 = tpu.memref_slice %arg2[%add3A_176, %dma_wait3A_884, %multiple_of3A_172] : memref<128x8x100000xf32, #tpu.memory_space<hbm>> -> memref<1x8x16xf32, #tpu.memory_space<hbm>>
    %dma_wait3A_886 = tpu.memref_squeeze %dma_wait3A_885 : memref<1x8x16xf32, #tpu.memory_space<hbm>> -> memref<8x16xf32, #tpu.memory_space<hbm>>
    tpu.wait_dma2 semaphore(%arg8 : memref<!tpu.dma_semaphore, #tpu.memory_space<semaphore_mem>>) src(%dma_wait3A_886 : memref<8x16xf32, #tpu.memory_space<hbm>>) dst(%dma_wait3A_883 : memref<8x16xf32, #tpu.memory_space<vmem>>)
    %dma_wait3A_887 = arith.constant 8 : i32
    %dma_wait3A_888 = arith.constant 0 : i32
    %dma_wait3A_889 = arith.constant 0 : i32
    %dma_wait3A_890 = tpu.memref_slice %arg6[%dma_wait3A_887, %dma_wait3A_888, %dma_wait3A_889] : memref<32x8x128xf32, #tpu.memory_space<vmem>> -> memref<1x8x16xf32, #tpu.memory_space<vmem>>
    %dma_wait3A_891 = tpu.memref_squeeze %dma_wait3A_890 : memref<1x8x16xf32, #tpu.memory_space<vmem>> -> memref<8x16xf32, #tpu.memory_space<vmem>>
    %dma_wait3A_892 = arith.constant 0 : i32
    %dma_wait3A_893 = tpu.memref_slice %arg2[%add3A_200, %dma_wait3A_892, %multiple_of3A_196] : memref<128x8x100000xf32, #tpu.memory_space<hbm>> -> memref<1x8x16xf32, #tpu.memory_space<hbm>>
    %dma_wait3A_894 = tpu.memref_squeeze %dma_wait3A_893 : memref<1x8x16xf32, #tpu.memory_space<hbm>> -> memref<8x16xf32, #tpu.memory_space<hbm>>
    %dma_wait3A_895 = arith.constant 0 : i32
    %dma_wait3A_896 = arith.constant 0 : i32
    %dma_wait3A_897 = tpu.memref_slice %arg6[%dma_wait3A_887, %dma_wait3A_895, %dma_wait3A_896] : memref<32x8x128xf32, #tpu.memory_space<vmem>> -> memref<1x8x16xf32, #tpu.memory_space<vmem>>
    %dma_wait3A_898 = tpu.memref_squeeze %dma_wait3A_897 : memref<1x8x16xf32, #tpu.memory_space<vmem>> -> memref<8x16xf32, #tpu.memory_space<vmem>>
    %dma_wait3A_899 = arith.constant 0 : i32
    %dma_wait3A_900 = tpu.memref_slice %arg2[%add3A_200, %dma_wait3A_899, %multiple_of3A_196] : memref<128x8x100000xf32, #tpu.memory_space<hbm>> -> memref<1x8x16xf32, #tpu.memory_space<hbm>>
    %dma_wait3A_901 = tpu.memref_squeeze %dma_wait3A_900 : memref<1x8x16xf32, #tpu.memory_space<hbm>> -> memref<8x16xf32, #tpu.memory_space<hbm>>
    tpu.wait_dma2 semaphore(%arg8 : memref<!tpu.dma_semaphore, #tpu.memory_space<semaphore_mem>>) src(%dma_wait3A_901 : memref<8x16xf32, #tpu.memory_space<hbm>>) dst(%dma_wait3A_898 : memref<8x16xf32, #tpu.memory_space<vmem>>)
    %dma_wait3A_902 = arith.constant 9 : i32
    %dma_wait3A_903 = arith.constant 0 : i32
    %dma_wait3A_904 = arith.constant 0 : i32
    %dma_wait3A_905 = tpu.memref_slice %arg6[%dma_wait3A_902, %dma_wait3A_903, %dma_wait3A_904] : memref<32x8x128xf32, #tpu.memory_space<vmem>> -> memref<1x8x16xf32, #tpu.memory_space<vmem>>
    %dma_wait3A_906 = tpu.memref_squeeze %dma_wait3A_905 : memref<1x8x16xf32, #tpu.memory_space<vmem>> -> memref<8x16xf32, #tpu.memory_space<vmem>>
    %dma_wait3A_907 = arith.constant 0 : i32
    %dma_wait3A_908 = tpu.memref_slice %arg2[%add3A_224, %dma_wait3A_907, %multiple_of3A_220] : memref<128x8x100000xf32, #tpu.memory_space<hbm>> -> memref<1x8x16xf32, #tpu.memory_space<hbm>>
    %dma_wait3A_909 = tpu.memref_squeeze %dma_wait3A_908 : memref<1x8x16xf32, #tpu.memory_space<hbm>> -> memref<8x16xf32, #tpu.memory_space<hbm>>
    %dma_wait3A_910 = arith.constant 0 : i32
    %dma_wait3A_911 = arith.constant 0 : i32
    %dma_wait3A_912 = tpu.memref_slice %arg6[%dma_wait3A_902, %dma_wait3A_910, %dma_wait3A_911] : memref<32x8x128xf32, #tpu.memory_space<vmem>> -> memref<1x8x16xf32, #tpu.memory_space<vmem>>
    %dma_wait3A_913 = tpu.memref_squeeze %dma_wait3A_912 : memref<1x8x16xf32, #tpu.memory_space<vmem>> -> memref<8x16xf32, #tpu.memory_space<vmem>>
    %dma_wait3A_914 = arith.constant 0 : i32
    %dma_wait3A_915 = tpu.memref_slice %arg2[%add3A_224, %dma_wait3A_914, %multiple_of3A_220] : memref<128x8x100000xf32, #tpu.memory_space<hbm>> -> memref<1x8x16xf32, #tpu.memory_space<hbm>>
    %dma_wait3A_916 = tpu.memref_squeeze %dma_wait3A_915 : memref<1x8x16xf32, #tpu.memory_space<hbm>> -> memref<8x16xf32, #tpu.memory_space<hbm>>
    tpu.wait_dma2 semaphore(%arg8 : memref<!tpu.dma_semaphore, #tpu.memory_space<semaphore_mem>>) src(%dma_wait3A_916 : memref<8x16xf32, #tpu.memory_space<hbm>>) dst(%dma_wait3A_913 : memref<8x16xf32, #tpu.memory_space<vmem>>)
    %dma_wait3A_917 = arith.constant 10 : i32
    %dma_wait3A_918 = arith.constant 0 : i32
    %dma_wait3A_919 = arith.constant 0 : i32
    %dma_wait3A_920 = tpu.memref_slice %arg6[%dma_wait3A_917, %dma_wait3A_918, %dma_wait3A_919] : memref<32x8x128xf32, #tpu.memory_space<vmem>> -> memref<1x8x16xf32, #tpu.memory_space<vmem>>
    %dma_wait3A_921 = tpu.memref_squeeze %dma_wait3A_920 : memref<1x8x16xf32, #tpu.memory_space<vmem>> -> memref<8x16xf32, #tpu.memory_space<vmem>>
    %dma_wait3A_922 = arith.constant 0 : i32
    %dma_wait3A_923 = tpu.memref_slice %arg2[%add3A_248, %dma_wait3A_922, %multiple_of3A_244] : memref<128x8x100000xf32, #tpu.memory_space<hbm>> -> memref<1x8x16xf32, #tpu.memory_space<hbm>>
    %dma_wait3A_924 = tpu.memref_squeeze %dma_wait3A_923 : memref<1x8x16xf32, #tpu.memory_space<hbm>> -> memref<8x16xf32, #tpu.memory_space<hbm>>
    %dma_wait3A_925 = arith.constant 0 : i32
    %dma_wait3A_926 = arith.constant 0 : i32
    %dma_wait3A_927 = tpu.memref_slice %arg6[%dma_wait3A_917, %dma_wait3A_925, %dma_wait3A_926] : memref<32x8x128xf32, #tpu.memory_space<vmem>> -> memref<1x8x16xf32, #tpu.memory_space<vmem>>
    %dma_wait3A_928 = tpu.memref_squeeze %dma_wait3A_927 : memref<1x8x16xf32, #tpu.memory_space<vmem>> -> memref<8x16xf32, #tpu.memory_space<vmem>>
    %dma_wait3A_929 = arith.constant 0 : i32
    %dma_wait3A_930 = tpu.memref_slice %arg2[%add3A_248, %dma_wait3A_929, %multiple_of3A_244] : memref<128x8x100000xf32, #tpu.memory_space<hbm>> -> memref<1x8x16xf32, #tpu.memory_space<hbm>>
    %dma_wait3A_931 = tpu.memref_squeeze %dma_wait3A_930 : memref<1x8x16xf32, #tpu.memory_space<hbm>> -> memref<8x16xf32, #tpu.memory_space<hbm>>
    tpu.wait_dma2 semaphore(%arg8 : memref<!tpu.dma_semaphore, #tpu.memory_space<semaphore_mem>>) src(%dma_wait3A_931 : memref<8x16xf32, #tpu.memory_space<hbm>>) dst(%dma_wait3A_928 : memref<8x16xf32, #tpu.memory_space<vmem>>)
    %dma_wait3A_932 = arith.constant 11 : i32
    %dma_wait3A_933 = arith.constant 0 : i32
    %dma_wait3A_934 = arith.constant 0 : i32
    %dma_wait3A_935 = tpu.memref_slice %arg6[%dma_wait3A_932, %dma_wait3A_933, %dma_wait3A_934] : memref<32x8x128xf32, #tpu.memory_space<vmem>> -> memref<1x8x16xf32, #tpu.memory_space<vmem>>
    %dma_wait3A_936 = tpu.memref_squeeze %dma_wait3A_935 : memref<1x8x16xf32, #tpu.memory_space<vmem>> -> memref<8x16xf32, #tpu.memory_space<vmem>>
    %dma_wait3A_937 = arith.constant 0 : i32
    %dma_wait3A_938 = tpu.memref_slice %arg2[%add3A_272, %dma_wait3A_937, %multiple_of3A_268] : memref<128x8x100000xf32, #tpu.memory_space<hbm>> -> memref<1x8x16xf32, #tpu.memory_space<hbm>>
    %dma_wait3A_939 = tpu.memref_squeeze %dma_wait3A_938 : memref<1x8x16xf32, #tpu.memory_space<hbm>> -> memref<8x16xf32, #tpu.memory_space<hbm>>
    %dma_wait3A_940 = arith.constant 0 : i32
    %dma_wait3A_941 = arith.constant 0 : i32
    %dma_wait3A_942 = tpu.memref_slice %arg6[%dma_wait3A_932, %dma_wait3A_940, %dma_wait3A_941] : memref<32x8x128xf32, #tpu.memory_space<vmem>> -> memref<1x8x16xf32, #tpu.memory_space<vmem>>
    %dma_wait3A_943 = tpu.memref_squeeze %dma_wait3A_942 : memref<1x8x16xf32, #tpu.memory_space<vmem>> -> memref<8x16xf32, #tpu.memory_space<vmem>>
    %dma_wait3A_944 = arith.constant 0 : i32
    %dma_wait3A_945 = tpu.memref_slice %arg2[%add3A_272, %dma_wait3A_944, %multiple_of3A_268] : memref<128x8x100000xf32, #tpu.memory_space<hbm>> -> memref<1x8x16xf32, #tpu.memory_space<hbm>>
    %dma_wait3A_946 = tpu.memref_squeeze %dma_wait3A_945 : memref<1x8x16xf32, #tpu.memory_space<hbm>> -> memref<8x16xf32, #tpu.memory_space<hbm>>
    tpu.wait_dma2 semaphore(%arg8 : memref<!tpu.dma_semaphore, #tpu.memory_space<semaphore_mem>>) src(%dma_wait3A_946 : memref<8x16xf32, #tpu.memory_space<hbm>>) dst(%dma_wait3A_943 : memref<8x16xf32, #tpu.memory_space<vmem>>)
    %dma_wait3A_947 = arith.constant 12 : i32
    %dma_wait3A_948 = arith.constant 0 : i32
    %dma_wait3A_949 = arith.constant 0 : i32
    %dma_wait3A_950 = tpu.memref_slice %arg6[%dma_wait3A_947, %dma_wait3A_948, %dma_wait3A_949] : memref<32x8x128xf32, #tpu.memory_space<vmem>> -> memref<1x8x16xf32, #tpu.memory_space<vmem>>
    %dma_wait3A_951 = tpu.memref_squeeze %dma_wait3A_950 : memref<1x8x16xf32, #tpu.memory_space<vmem>> -> memref<8x16xf32, #tpu.memory_space<vmem>>
    %dma_wait3A_952 = arith.constant 0 : i32
    %dma_wait3A_953 = tpu.memref_slice %arg2[%add3A_296, %dma_wait3A_952, %multiple_of3A_292] : memref<128x8x100000xf32, #tpu.memory_space<hbm>> -> memref<1x8x16xf32, #tpu.memory_space<hbm>>
    %dma_wait3A_954 = tpu.memref_squeeze %dma_wait3A_953 : memref<1x8x16xf32, #tpu.memory_space<hbm>> -> memref<8x16xf32, #tpu.memory_space<hbm>>
    %dma_wait3A_955 = arith.constant 0 : i32
    %dma_wait3A_956 = arith.constant 0 : i32
    %dma_wait3A_957 = tpu.memref_slice %arg6[%dma_wait3A_947, %dma_wait3A_955, %dma_wait3A_956] : memref<32x8x128xf32, #tpu.memory_space<vmem>> -> memref<1x8x16xf32, #tpu.memory_space<vmem>>
    %dma_wait3A_958 = tpu.memref_squeeze %dma_wait3A_957 : memref<1x8x16xf32, #tpu.memory_space<vmem>> -> memref<8x16xf32, #tpu.memory_space<vmem>>
    %dma_wait3A_959 = arith.constant 0 : i32
    %dma_wait3A_960 = tpu.memref_slice %arg2[%add3A_296, %dma_wait3A_959, %multiple_of3A_292] : memref<128x8x100000xf32, #tpu.memory_space<hbm>> -> memref<1x8x16xf32, #tpu.memory_space<hbm>>
    %dma_wait3A_961 = tpu.memref_squeeze %dma_wait3A_960 : memref<1x8x16xf32, #tpu.memory_space<hbm>> -> memref<8x16xf32, #tpu.memory_space<hbm>>
    tpu.wait_dma2 semaphore(%arg8 : memref<!tpu.dma_semaphore, #tpu.memory_space<semaphore_mem>>) src(%dma_wait3A_961 : memref<8x16xf32, #tpu.memory_space<hbm>>) dst(%dma_wait3A_958 : memref<8x16xf32, #tpu.memory_space<vmem>>)
    %dma_wait3A_962 = arith.constant 13 : i32
    %dma_wait3A_963 = arith.constant 0 : i32
    %dma_wait3A_964 = arith.constant 0 : i32
    %dma_wait3A_965 = tpu.memref_slice %arg6[%dma_wait3A_962, %dma_wait3A_963, %dma_wait3A_964] : memref<32x8x128xf32, #tpu.memory_space<vmem>> -> memref<1x8x16xf32, #tpu.memory_space<vmem>>
    %dma_wait3A_966 = tpu.memref_squeeze %dma_wait3A_965 : memref<1x8x16xf32, #tpu.memory_space<vmem>> -> memref<8x16xf32, #tpu.memory_space<vmem>>
    %dma_wait3A_967 = arith.constant 0 : i32
    %dma_wait3A_968 = tpu.memref_slice %arg2[%add3A_320, %dma_wait3A_967, %multiple_of3A_316] : memref<128x8x100000xf32, #tpu.memory_space<hbm>> -> memref<1x8x16xf32, #tpu.memory_space<hbm>>
    %dma_wait3A_969 = tpu.memref_squeeze %dma_wait3A_968 : memref<1x8x16xf32, #tpu.memory_space<hbm>> -> memref<8x16xf32, #tpu.memory_space<hbm>>
    %dma_wait3A_970 = arith.constant 0 : i32
    %dma_wait3A_971 = arith.constant 0 : i32
    %dma_wait3A_972 = tpu.memref_slice %arg6[%dma_wait3A_962, %dma_wait3A_970, %dma_wait3A_971] : memref<32x8x128xf32, #tpu.memory_space<vmem>> -> memref<1x8x16xf32, #tpu.memory_space<vmem>>
    %dma_wait3A_973 = tpu.memref_squeeze %dma_wait3A_972 : memref<1x8x16xf32, #tpu.memory_space<vmem>> -> memref<8x16xf32, #tpu.memory_space<vmem>>
    %dma_wait3A_974 = arith.constant 0 : i32
    %dma_wait3A_975 = tpu.memref_slice %arg2[%add3A_320, %dma_wait3A_974, %multiple_of3A_316] : memref<128x8x100000xf32, #tpu.memory_space<hbm>> -> memref<1x8x16xf32, #tpu.memory_space<hbm>>
    %dma_wait3A_976 = tpu.memref_squeeze %dma_wait3A_975 : memref<1x8x16xf32, #tpu.memory_space<hbm>> -> memref<8x16xf32, #tpu.memory_space<hbm>>
    tpu.wait_dma2 semaphore(%arg8 : memref<!tpu.dma_semaphore, #tpu.memory_space<semaphore_mem>>) src(%dma_wait3A_976 : memref<8x16xf32, #tpu.memory_space<hbm>>) dst(%dma_wait3A_973 : memref<8x16xf32, #tpu.memory_space<vmem>>)
    %dma_wait3A_977 = arith.constant 14 : i32
    %dma_wait3A_978 = arith.constant 0 : i32
    %dma_wait3A_979 = arith.constant 0 : i32
    %dma_wait3A_980 = tpu.memref_slice %arg6[%dma_wait3A_977, %dma_wait3A_978, %dma_wait3A_979] : memref<32x8x128xf32, #tpu.memory_space<vmem>> -> memref<1x8x16xf32, #tpu.memory_space<vmem>>
    %dma_wait3A_981 = tpu.memref_squeeze %dma_wait3A_980 : memref<1x8x16xf32, #tpu.memory_space<vmem>> -> memref<8x16xf32, #tpu.memory_space<vmem>>
    %dma_wait3A_982 = arith.constant 0 : i32
    %dma_wait3A_983 = tpu.memref_slice %arg2[%add3A_344, %dma_wait3A_982, %multiple_of3A_340] : memref<128x8x100000xf32, #tpu.memory_space<hbm>> -> memref<1x8x16xf32, #tpu.memory_space<hbm>>
    %dma_wait3A_984 = tpu.memref_squeeze %dma_wait3A_983 : memref<1x8x16xf32, #tpu.memory_space<hbm>> -> memref<8x16xf32, #tpu.memory_space<hbm>>
    %dma_wait3A_985 = arith.constant 0 : i32
    %dma_wait3A_986 = arith.constant 0 : i32
    %dma_wait3A_987 = tpu.memref_slice %arg6[%dma_wait3A_977, %dma_wait3A_985, %dma_wait3A_986] : memref<32x8x128xf32, #tpu.memory_space<vmem>> -> memref<1x8x16xf32, #tpu.memory_space<vmem>>
    %dma_wait3A_988 = tpu.memref_squeeze %dma_wait3A_987 : memref<1x8x16xf32, #tpu.memory_space<vmem>> -> memref<8x16xf32, #tpu.memory_space<vmem>>
    %dma_wait3A_989 = arith.constant 0 : i32
    %dma_wait3A_990 = tpu.memref_slice %arg2[%add3A_344, %dma_wait3A_989, %multiple_of3A_340] : memref<128x8x100000xf32, #tpu.memory_space<hbm>> -> memref<1x8x16xf32, #tpu.memory_space<hbm>>
    %dma_wait3A_991 = tpu.memref_squeeze %dma_wait3A_990 : memref<1x8x16xf32, #tpu.memory_space<hbm>> -> memref<8x16xf32, #tpu.memory_space<hbm>>
    tpu.wait_dma2 semaphore(%arg8 : memref<!tpu.dma_semaphore, #tpu.memory_space<semaphore_mem>>) src(%dma_wait3A_991 : memref<8x16xf32, #tpu.memory_space<hbm>>) dst(%dma_wait3A_988 : memref<8x16xf32, #tpu.memory_space<vmem>>)
    %dma_wait3A_992 = arith.constant 15 : i32
    %dma_wait3A_993 = arith.constant 0 : i32
    %dma_wait3A_994 = arith.constant 0 : i32
    %dma_wait3A_995 = tpu.memref_slice %arg6[%dma_wait3A_992, %dma_wait3A_993, %dma_wait3A_994] : memref<32x8x128xf32, #tpu.memory_space<vmem>> -> memref<1x8x16xf32, #tpu.memory_space<vmem>>
    %dma_wait3A_996 = tpu.memref_squeeze %dma_wait3A_995 : memref<1x8x16xf32, #tpu.memory_space<vmem>> -> memref<8x16xf32, #tpu.memory_space<vmem>>
    %dma_wait3A_997 = arith.constant 0 : i32
    %dma_wait3A_998 = tpu.memref_slice %arg2[%add3A_368, %dma_wait3A_997, %multiple_of3A_364] : memref<128x8x100000xf32, #tpu.memory_space<hbm>> -> memref<1x8x16xf32, #tpu.memory_space<hbm>>
    %dma_wait3A_999 = tpu.memref_squeeze %dma_wait3A_998 : memref<1x8x16xf32, #tpu.memory_space<hbm>> -> memref<8x16xf32, #tpu.memory_space<hbm>>
    %dma_wait3A_1000 = arith.constant 0 : i32
    %dma_wait3A_1001 = arith.constant 0 : i32
    %dma_wait3A_1002 = tpu.memref_slice %arg6[%dma_wait3A_992, %dma_wait3A_1000, %dma_wait3A_1001] : memref<32x8x128xf32, #tpu.memory_space<vmem>> -> memref<1x8x16xf32, #tpu.memory_space<vmem>>
    %dma_wait3A_1003 = tpu.memref_squeeze %dma_wait3A_1002 : memref<1x8x16xf32, #tpu.memory_space<vmem>> -> memref<8x16xf32, #tpu.memory_space<vmem>>
    %dma_wait3A_1004 = arith.constant 0 : i32
    %dma_wait3A_1005 = tpu.memref_slice %arg2[%add3A_368, %dma_wait3A_1004, %multiple_of3A_364] : memref<128x8x100000xf32, #tpu.memory_space<hbm>> -> memref<1x8x16xf32, #tpu.memory_space<hbm>>
    %dma_wait3A_1006 = tpu.memref_squeeze %dma_wait3A_1005 : memref<1x8x16xf32, #tpu.memory_space<hbm>> -> memref<8x16xf32, #tpu.memory_space<hbm>>
    tpu.wait_dma2 semaphore(%arg8 : memref<!tpu.dma_semaphore, #tpu.memory_space<semaphore_mem>>) src(%dma_wait3A_1006 : memref<8x16xf32, #tpu.memory_space<hbm>>) dst(%dma_wait3A_1003 : memref<8x16xf32, #tpu.memory_space<vmem>>)
    %dma_wait3A_1007 = arith.constant 16 : i32
    %dma_wait3A_1008 = arith.constant 0 : i32
    %dma_wait3A_1009 = arith.constant 0 : i32
    %dma_wait3A_1010 = tpu.memref_slice %arg6[%dma_wait3A_1007, %dma_wait3A_1008, %dma_wait3A_1009] : memref<32x8x128xf32, #tpu.memory_space<vmem>> -> memref<1x8x16xf32, #tpu.memory_space<vmem>>
    %dma_wait3A_1011 = tpu.memref_squeeze %dma_wait3A_1010 : memref<1x8x16xf32, #tpu.memory_space<vmem>> -> memref<8x16xf32, #tpu.memory_space<vmem>>
    %dma_wait3A_1012 = arith.constant 0 : i32
    %dma_wait3A_1013 = tpu.memref_slice %arg2[%add3A_392, %dma_wait3A_1012, %multiple_of3A_388] : memref<128x8x100000xf32, #tpu.memory_space<hbm>> -> memref<1x8x16xf32, #tpu.memory_space<hbm>>
    %dma_wait3A_1014 = tpu.memref_squeeze %dma_wait3A_1013 : memref<1x8x16xf32, #tpu.memory_space<hbm>> -> memref<8x16xf32, #tpu.memory_space<hbm>>
    %dma_wait3A_1015 = arith.constant 0 : i32
    %dma_wait3A_1016 = arith.constant 0 : i32
    %dma_wait3A_1017 = tpu.memref_slice %arg6[%dma_wait3A_1007, %dma_wait3A_1015, %dma_wait3A_1016] : memref<32x8x128xf32, #tpu.memory_space<vmem>> -> memref<1x8x16xf32, #tpu.memory_space<vmem>>
    %dma_wait3A_1018 = tpu.memref_squeeze %dma_wait3A_1017 : memref<1x8x16xf32, #tpu.memory_space<vmem>> -> memref<8x16xf32, #tpu.memory_space<vmem>>
    %dma_wait3A_1019 = arith.constant 0 : i32
    %dma_wait3A_1020 = tpu.memref_slice %arg2[%add3A_392, %dma_wait3A_1019, %multiple_of3A_388] : memref<128x8x100000xf32, #tpu.memory_space<hbm>> -> memref<1x8x16xf32, #tpu.memory_space<hbm>>
    %dma_wait3A_1021 = tpu.memref_squeeze %dma_wait3A_1020 : memref<1x8x16xf32, #tpu.memory_space<hbm>> -> memref<8x16xf32, #tpu.memory_space<hbm>>
    tpu.wait_dma2 semaphore(%arg8 : memref<!tpu.dma_semaphore, #tpu.memory_space<semaphore_mem>>) src(%dma_wait3A_1021 : memref<8x16xf32, #tpu.memory_space<hbm>>) dst(%dma_wait3A_1018 : memref<8x16xf32, #tpu.memory_space<vmem>>)
    %dma_wait3A_1022 = arith.constant 17 : i32
    %dma_wait3A_1023 = arith.constant 0 : i32
    %dma_wait3A_1024 = arith.constant 0 : i32
    %dma_wait3A_1025 = tpu.memref_slice %arg6[%dma_wait3A_1022, %dma_wait3A_1023, %dma_wait3A_1024] : memref<32x8x128xf32, #tpu.memory_space<vmem>> -> memref<1x8x16xf32, #tpu.memory_space<vmem>>
    %dma_wait3A_1026 = tpu.memref_squeeze %dma_wait3A_1025 : memref<1x8x16xf32, #tpu.memory_space<vmem>> -> memref<8x16xf32, #tpu.memory_space<vmem>>
    %dma_wait3A_1027 = arith.constant 0 : i32
    %dma_wait3A_1028 = tpu.memref_slice %arg2[%add3A_416, %dma_wait3A_1027, %multiple_of3A_412] : memref<128x8x100000xf32, #tpu.memory_space<hbm>> -> memref<1x8x16xf32, #tpu.memory_space<hbm>>
    %dma_wait3A_1029 = tpu.memref_squeeze %dma_wait3A_1028 : memref<1x8x16xf32, #tpu.memory_space<hbm>> -> memref<8x16xf32, #tpu.memory_space<hbm>>
    %dma_wait3A_1030 = arith.constant 0 : i32
    %dma_wait3A_1031 = arith.constant 0 : i32
    %dma_wait3A_1032 = tpu.memref_slice %arg6[%dma_wait3A_1022, %dma_wait3A_1030, %dma_wait3A_1031] : memref<32x8x128xf32, #tpu.memory_space<vmem>> -> memref<1x8x16xf32, #tpu.memory_space<vmem>>
    %dma_wait3A_1033 = tpu.memref_squeeze %dma_wait3A_1032 : memref<1x8x16xf32, #tpu.memory_space<vmem>> -> memref<8x16xf32, #tpu.memory_space<vmem>>
    %dma_wait3A_1034 = arith.constant 0 : i32
    %dma_wait3A_1035 = tpu.memref_slice %arg2[%add3A_416, %dma_wait3A_1034, %multiple_of3A_412] : memref<128x8x100000xf32, #tpu.memory_space<hbm>> -> memref<1x8x16xf32, #tpu.memory_space<hbm>>
    %dma_wait3A_1036 = tpu.memref_squeeze %dma_wait3A_1035 : memref<1x8x16xf32, #tpu.memory_space<hbm>> -> memref<8x16xf32, #tpu.memory_space<hbm>>
    tpu.wait_dma2 semaphore(%arg8 : memref<!tpu.dma_semaphore, #tpu.memory_space<semaphore_mem>>) src(%dma_wait3A_1036 : memref<8x16xf32, #tpu.memory_space<hbm>>) dst(%dma_wait3A_1033 : memref<8x16xf32, #tpu.memory_space<vmem>>)
    %dma_wait3A_1037 = arith.constant 18 : i32
    %dma_wait3A_1038 = arith.constant 0 : i32
    %dma_wait3A_1039 = arith.constant 0 : i32
    %dma_wait3A_1040 = tpu.memref_slice %arg6[%dma_wait3A_1037, %dma_wait3A_1038, %dma_wait3A_1039] : memref<32x8x128xf32, #tpu.memory_space<vmem>> -> memref<1x8x16xf32, #tpu.memory_space<vmem>>
    %dma_wait3A_1041 = tpu.memref_squeeze %dma_wait3A_1040 : memref<1x8x16xf32, #tpu.memory_space<vmem>> -> memref<8x16xf32, #tpu.memory_space<vmem>>
    %dma_wait3A_1042 = arith.constant 0 : i32
    %dma_wait3A_1043 = tpu.memref_slice %arg2[%add3A_440, %dma_wait3A_1042, %multiple_of3A_436] : memref<128x8x100000xf32, #tpu.memory_space<hbm>> -> memref<1x8x16xf32, #tpu.memory_space<hbm>>
    %dma_wait3A_1044 = tpu.memref_squeeze %dma_wait3A_1043 : memref<1x8x16xf32, #tpu.memory_space<hbm>> -> memref<8x16xf32, #tpu.memory_space<hbm>>
    %dma_wait3A_1045 = arith.constant 0 : i32
    %dma_wait3A_1046 = arith.constant 0 : i32
    %dma_wait3A_1047 = tpu.memref_slice %arg6[%dma_wait3A_1037, %dma_wait3A_1045, %dma_wait3A_1046] : memref<32x8x128xf32, #tpu.memory_space<vmem>> -> memref<1x8x16xf32, #tpu.memory_space<vmem>>
    %dma_wait3A_1048 = tpu.memref_squeeze %dma_wait3A_1047 : memref<1x8x16xf32, #tpu.memory_space<vmem>> -> memref<8x16xf32, #tpu.memory_space<vmem>>
    %dma_wait3A_1049 = arith.constant 0 : i32
    %dma_wait3A_1050 = tpu.memref_slice %arg2[%add3A_440, %dma_wait3A_1049, %multiple_of3A_436] : memref<128x8x100000xf32, #tpu.memory_space<hbm>> -> memref<1x8x16xf32, #tpu.memory_space<hbm>>
    %dma_wait3A_1051 = tpu.memref_squeeze %dma_wait3A_1050 : memref<1x8x16xf32, #tpu.memory_space<hbm>> -> memref<8x16xf32, #tpu.memory_space<hbm>>
    tpu.wait_dma2 semaphore(%arg8 : memref<!tpu.dma_semaphore, #tpu.memory_space<semaphore_mem>>) src(%dma_wait3A_1051 : memref<8x16xf32, #tpu.memory_space<hbm>>) dst(%dma_wait3A_1048 : memref<8x16xf32, #tpu.memory_space<vmem>>)
    %dma_wait3A_1052 = arith.constant 19 : i32
    %dma_wait3A_1053 = arith.constant 0 : i32
    %dma_wait3A_1054 = arith.constant 0 : i32
    %dma_wait3A_1055 = tpu.memref_slice %arg6[%dma_wait3A_1052, %dma_wait3A_1053, %dma_wait3A_1054] : memref<32x8x128xf32, #tpu.memory_space<vmem>> -> memref<1x8x16xf32, #tpu.memory_space<vmem>>
    %dma_wait3A_1056 = tpu.memref_squeeze %dma_wait3A_1055 : memref<1x8x16xf32, #tpu.memory_space<vmem>> -> memref<8x16xf32, #tpu.memory_space<vmem>>
    %dma_wait3A_1057 = arith.constant 0 : i32
    %dma_wait3A_1058 = tpu.memref_slice %arg2[%add3A_464, %dma_wait3A_1057, %multiple_of3A_460] : memref<128x8x100000xf32, #tpu.memory_space<hbm>> -> memref<1x8x16xf32, #tpu.memory_space<hbm>>
    %dma_wait3A_1059 = tpu.memref_squeeze %dma_wait3A_1058 : memref<1x8x16xf32, #tpu.memory_space<hbm>> -> memref<8x16xf32, #tpu.memory_space<hbm>>
    %dma_wait3A_1060 = arith.constant 0 : i32
    %dma_wait3A_1061 = arith.constant 0 : i32
    %dma_wait3A_1062 = tpu.memref_slice %arg6[%dma_wait3A_1052, %dma_wait3A_1060, %dma_wait3A_1061] : memref<32x8x128xf32, #tpu.memory_space<vmem>> -> memref<1x8x16xf32, #tpu.memory_space<vmem>>
    %dma_wait3A_1063 = tpu.memref_squeeze %dma_wait3A_1062 : memref<1x8x16xf32, #tpu.memory_space<vmem>> -> memref<8x16xf32, #tpu.memory_space<vmem>>
    %dma_wait3A_1064 = arith.constant 0 : i32
    %dma_wait3A_1065 = tpu.memref_slice %arg2[%add3A_464, %dma_wait3A_1064, %multiple_of3A_460] : memref<128x8x100000xf32, #tpu.memory_space<hbm>> -> memref<1x8x16xf32, #tpu.memory_space<hbm>>
    %dma_wait3A_1066 = tpu.memref_squeeze %dma_wait3A_1065 : memref<1x8x16xf32, #tpu.memory_space<hbm>> -> memref<8x16xf32, #tpu.memory_space<hbm>>
    tpu.wait_dma2 semaphore(%arg8 : memref<!tpu.dma_semaphore, #tpu.memory_space<semaphore_mem>>) src(%dma_wait3A_1066 : memref<8x16xf32, #tpu.memory_space<hbm>>) dst(%dma_wait3A_1063 : memref<8x16xf32, #tpu.memory_space<vmem>>)
    %dma_wait3A_1067 = arith.constant 20 : i32
    %dma_wait3A_1068 = arith.constant 0 : i32
    %dma_wait3A_1069 = arith.constant 0 : i32
    %dma_wait3A_1070 = tpu.memref_slice %arg6[%dma_wait3A_1067, %dma_wait3A_1068, %dma_wait3A_1069] : memref<32x8x128xf32, #tpu.memory_space<vmem>> -> memref<1x8x16xf32, #tpu.memory_space<vmem>>
    %dma_wait3A_1071 = tpu.memref_squeeze %dma_wait3A_1070 : memref<1x8x16xf32, #tpu.memory_space<vmem>> -> memref<8x16xf32, #tpu.memory_space<vmem>>
    %dma_wait3A_1072 = arith.constant 0 : i32
    %dma_wait3A_1073 = tpu.memref_slice %arg2[%add3A_488, %dma_wait3A_1072, %multiple_of3A_484] : memref<128x8x100000xf32, #tpu.memory_space<hbm>> -> memref<1x8x16xf32, #tpu.memory_space<hbm>>
    %dma_wait3A_1074 = tpu.memref_squeeze %dma_wait3A_1073 : memref<1x8x16xf32, #tpu.memory_space<hbm>> -> memref<8x16xf32, #tpu.memory_space<hbm>>
    %dma_wait3A_1075 = arith.constant 0 : i32
    %dma_wait3A_1076 = arith.constant 0 : i32
    %dma_wait3A_1077 = tpu.memref_slice %arg6[%dma_wait3A_1067, %dma_wait3A_1075, %dma_wait3A_1076] : memref<32x8x128xf32, #tpu.memory_space<vmem>> -> memref<1x8x16xf32, #tpu.memory_space<vmem>>
    %dma_wait3A_1078 = tpu.memref_squeeze %dma_wait3A_1077 : memref<1x8x16xf32, #tpu.memory_space<vmem>> -> memref<8x16xf32, #tpu.memory_space<vmem>>
    %dma_wait3A_1079 = arith.constant 0 : i32
    %dma_wait3A_1080 = tpu.memref_slice %arg2[%add3A_488, %dma_wait3A_1079, %multiple_of3A_484] : memref<128x8x100000xf32, #tpu.memory_space<hbm>> -> memref<1x8x16xf32, #tpu.memory_space<hbm>>
    %dma_wait3A_1081 = tpu.memref_squeeze %dma_wait3A_1080 : memref<1x8x16xf32, #tpu.memory_space<hbm>> -> memref<8x16xf32, #tpu.memory_space<hbm>>
    tpu.wait_dma2 semaphore(%arg8 : memref<!tpu.dma_semaphore, #tpu.memory_space<semaphore_mem>>) src(%dma_wait3A_1081 : memref<8x16xf32, #tpu.memory_space<hbm>>) dst(%dma_wait3A_1078 : memref<8x16xf32, #tpu.memory_space<vmem>>)
    %dma_wait3A_1082 = arith.constant 21 : i32
    %dma_wait3A_1083 = arith.constant 0 : i32
    %dma_wait3A_1084 = arith.constant 0 : i32
    %dma_wait3A_1085 = tpu.memref_slice %arg6[%dma_wait3A_1082, %dma_wait3A_1083, %dma_wait3A_1084] : memref<32x8x128xf32, #tpu.memory_space<vmem>> -> memref<1x8x16xf32, #tpu.memory_space<vmem>>
    %dma_wait3A_1086 = tpu.memref_squeeze %dma_wait3A_1085 : memref<1x8x16xf32, #tpu.memory_space<vmem>> -> memref<8x16xf32, #tpu.memory_space<vmem>>
    %dma_wait3A_1087 = arith.constant 0 : i32
    %dma_wait3A_1088 = tpu.memref_slice %arg2[%add3A_512, %dma_wait3A_1087, %multiple_of3A_508] : memref<128x8x100000xf32, #tpu.memory_space<hbm>> -> memref<1x8x16xf32, #tpu.memory_space<hbm>>
    %dma_wait3A_1089 = tpu.memref_squeeze %dma_wait3A_1088 : memref<1x8x16xf32, #tpu.memory_space<hbm>> -> memref<8x16xf32, #tpu.memory_space<hbm>>
    %dma_wait3A_1090 = arith.constant 0 : i32
    %dma_wait3A_1091 = arith.constant 0 : i32
    %dma_wait3A_1092 = tpu.memref_slice %arg6[%dma_wait3A_1082, %dma_wait3A_1090, %dma_wait3A_1091] : memref<32x8x128xf32, #tpu.memory_space<vmem>> -> memref<1x8x16xf32, #tpu.memory_space<vmem>>
    %dma_wait3A_1093 = tpu.memref_squeeze %dma_wait3A_1092 : memref<1x8x16xf32, #tpu.memory_space<vmem>> -> memref<8x16xf32, #tpu.memory_space<vmem>>
    %dma_wait3A_1094 = arith.constant 0 : i32
    %dma_wait3A_1095 = tpu.memref_slice %arg2[%add3A_512, %dma_wait3A_1094, %multiple_of3A_508] : memref<128x8x100000xf32, #tpu.memory_space<hbm>> -> memref<1x8x16xf32, #tpu.memory_space<hbm>>
    %dma_wait3A_1096 = tpu.memref_squeeze %dma_wait3A_1095 : memref<1x8x16xf32, #tpu.memory_space<hbm>> -> memref<8x16xf32, #tpu.memory_space<hbm>>
    tpu.wait_dma2 semaphore(%arg8 : memref<!tpu.dma_semaphore, #tpu.memory_space<semaphore_mem>>) src(%dma_wait3A_1096 : memref<8x16xf32, #tpu.memory_space<hbm>>) dst(%dma_wait3A_1093 : memref<8x16xf32, #tpu.memory_space<vmem>>)
    %dma_wait3A_1097 = arith.constant 22 : i32
    %dma_wait3A_1098 = arith.constant 0 : i32
    %dma_wait3A_1099 = arith.constant 0 : i32
    %dma_wait3A_1100 = tpu.memref_slice %arg6[%dma_wait3A_1097, %dma_wait3A_1098, %dma_wait3A_1099] : memref<32x8x128xf32, #tpu.memory_space<vmem>> -> memref<1x8x16xf32, #tpu.memory_space<vmem>>
    %dma_wait3A_1101 = tpu.memref_squeeze %dma_wait3A_1100 : memref<1x8x16xf32, #tpu.memory_space<vmem>> -> memref<8x16xf32, #tpu.memory_space<vmem>>
    %dma_wait3A_1102 = arith.constant 0 : i32
    %dma_wait3A_1103 = tpu.memref_slice %arg2[%add3A_536, %dma_wait3A_1102, %multiple_of3A_532] : memref<128x8x100000xf32, #tpu.memory_space<hbm>> -> memref<1x8x16xf32, #tpu.memory_space<hbm>>
    %dma_wait3A_1104 = tpu.memref_squeeze %dma_wait3A_1103 : memref<1x8x16xf32, #tpu.memory_space<hbm>> -> memref<8x16xf32, #tpu.memory_space<hbm>>
    %dma_wait3A_1105 = arith.constant 0 : i32
    %dma_wait3A_1106 = arith.constant 0 : i32
    %dma_wait3A_1107 = tpu.memref_slice %arg6[%dma_wait3A_1097, %dma_wait3A_1105, %dma_wait3A_1106] : memref<32x8x128xf32, #tpu.memory_space<vmem>> -> memref<1x8x16xf32, #tpu.memory_space<vmem>>
    %dma_wait3A_1108 = tpu.memref_squeeze %dma_wait3A_1107 : memref<1x8x16xf32, #tpu.memory_space<vmem>> -> memref<8x16xf32, #tpu.memory_space<vmem>>
    %dma_wait3A_1109 = arith.constant 0 : i32
    %dma_wait3A_1110 = tpu.memref_slice %arg2[%add3A_536, %dma_wait3A_1109, %multiple_of3A_532] : memref<128x8x100000xf32, #tpu.memory_space<hbm>> -> memref<1x8x16xf32, #tpu.memory_space<hbm>>
    %dma_wait3A_1111 = tpu.memref_squeeze %dma_wait3A_1110 : memref<1x8x16xf32, #tpu.memory_space<hbm>> -> memref<8x16xf32, #tpu.memory_space<hbm>>
    tpu.wait_dma2 semaphore(%arg8 : memref<!tpu.dma_semaphore, #tpu.memory_space<semaphore_mem>>) src(%dma_wait3A_1111 : memref<8x16xf32, #tpu.memory_space<hbm>>) dst(%dma_wait3A_1108 : memref<8x16xf32, #tpu.memory_space<vmem>>)
    %dma_wait3A_1112 = arith.constant 23 : i32
    %dma_wait3A_1113 = arith.constant 0 : i32
    %dma_wait3A_1114 = arith.constant 0 : i32
    %dma_wait3A_1115 = tpu.memref_slice %arg6[%dma_wait3A_1112, %dma_wait3A_1113, %dma_wait3A_1114] : memref<32x8x128xf32, #tpu.memory_space<vmem>> -> memref<1x8x16xf32, #tpu.memory_space<vmem>>
    %dma_wait3A_1116 = tpu.memref_squeeze %dma_wait3A_1115 : memref<1x8x16xf32, #tpu.memory_space<vmem>> -> memref<8x16xf32, #tpu.memory_space<vmem>>
    %dma_wait3A_1117 = arith.constant 0 : i32
    %dma_wait3A_1118 = tpu.memref_slice %arg2[%add3A_560, %dma_wait3A_1117, %multiple_of3A_556] : memref<128x8x100000xf32, #tpu.memory_space<hbm>> -> memref<1x8x16xf32, #tpu.memory_space<hbm>>
    %dma_wait3A_1119 = tpu.memref_squeeze %dma_wait3A_1118 : memref<1x8x16xf32, #tpu.memory_space<hbm>> -> memref<8x16xf32, #tpu.memory_space<hbm>>
    %dma_wait3A_1120 = arith.constant 0 : i32
    %dma_wait3A_1121 = arith.constant 0 : i32
    %dma_wait3A_1122 = tpu.memref_slice %arg6[%dma_wait3A_1112, %dma_wait3A_1120, %dma_wait3A_1121] : memref<32x8x128xf32, #tpu.memory_space<vmem>> -> memref<1x8x16xf32, #tpu.memory_space<vmem>>
    %dma_wait3A_1123 = tpu.memref_squeeze %dma_wait3A_1122 : memref<1x8x16xf32, #tpu.memory_space<vmem>> -> memref<8x16xf32, #tpu.memory_space<vmem>>
    %dma_wait3A_1124 = arith.constant 0 : i32
    %dma_wait3A_1125 = tpu.memref_slice %arg2[%add3A_560, %dma_wait3A_1124, %multiple_of3A_556] : memref<128x8x100000xf32, #tpu.memory_space<hbm>> -> memref<1x8x16xf32, #tpu.memory_space<hbm>>
    %dma_wait3A_1126 = tpu.memref_squeeze %dma_wait3A_1125 : memref<1x8x16xf32, #tpu.memory_space<hbm>> -> memref<8x16xf32, #tpu.memory_space<hbm>>
    tpu.wait_dma2 semaphore(%arg8 : memref<!tpu.dma_semaphore, #tpu.memory_space<semaphore_mem>>) src(%dma_wait3A_1126 : memref<8x16xf32, #tpu.memory_space<hbm>>) dst(%dma_wait3A_1123 : memref<8x16xf32, #tpu.memory_space<vmem>>)
    %dma_wait3A_1127 = arith.constant 24 : i32
    %dma_wait3A_1128 = arith.constant 0 : i32
    %dma_wait3A_1129 = arith.constant 0 : i32
    %dma_wait3A_1130 = tpu.memref_slice %arg6[%dma_wait3A_1127, %dma_wait3A_1128, %dma_wait3A_1129] : memref<32x8x128xf32, #tpu.memory_space<vmem>> -> memref<1x8x16xf32, #tpu.memory_space<vmem>>
    %dma_wait3A_1131 = tpu.memref_squeeze %dma_wait3A_1130 : memref<1x8x16xf32, #tpu.memory_space<vmem>> -> memref<8x16xf32, #tpu.memory_space<vmem>>
    %dma_wait3A_1132 = arith.constant 0 : i32
    %dma_wait3A_1133 = tpu.memref_slice %arg2[%add3A_584, %dma_wait3A_1132, %multiple_of3A_580] : memref<128x8x100000xf32, #tpu.memory_space<hbm>> -> memref<1x8x16xf32, #tpu.memory_space<hbm>>
    %dma_wait3A_1134 = tpu.memref_squeeze %dma_wait3A_1133 : memref<1x8x16xf32, #tpu.memory_space<hbm>> -> memref<8x16xf32, #tpu.memory_space<hbm>>
    %dma_wait3A_1135 = arith.constant 0 : i32
    %dma_wait3A_1136 = arith.constant 0 : i32
    %dma_wait3A_1137 = tpu.memref_slice %arg6[%dma_wait3A_1127, %dma_wait3A_1135, %dma_wait3A_1136] : memref<32x8x128xf32, #tpu.memory_space<vmem>> -> memref<1x8x16xf32, #tpu.memory_space<vmem>>
    %dma_wait3A_1138 = tpu.memref_squeeze %dma_wait3A_1137 : memref<1x8x16xf32, #tpu.memory_space<vmem>> -> memref<8x16xf32, #tpu.memory_space<vmem>>
    %dma_wait3A_1139 = arith.constant 0 : i32
    %dma_wait3A_1140 = tpu.memref_slice %arg2[%add3A_584, %dma_wait3A_1139, %multiple_of3A_580] : memref<128x8x100000xf32, #tpu.memory_space<hbm>> -> memref<1x8x16xf32, #tpu.memory_space<hbm>>
    %dma_wait3A_1141 = tpu.memref_squeeze %dma_wait3A_1140 : memref<1x8x16xf32, #tpu.memory_space<hbm>> -> memref<8x16xf32, #tpu.memory_space<hbm>>
    tpu.wait_dma2 semaphore(%arg8 : memref<!tpu.dma_semaphore, #tpu.memory_space<semaphore_mem>>) src(%dma_wait3A_1141 : memref<8x16xf32, #tpu.memory_space<hbm>>) dst(%dma_wait3A_1138 : memref<8x16xf32, #tpu.memory_space<vmem>>)
    %dma_wait3A_1142 = arith.constant 25 : i32
    %dma_wait3A_1143 = arith.constant 0 : i32
    %dma_wait3A_1144 = arith.constant 0 : i32
    %dma_wait3A_1145 = tpu.memref_slice %arg6[%dma_wait3A_1142, %dma_wait3A_1143, %dma_wait3A_1144] : memref<32x8x128xf32, #tpu.memory_space<vmem>> -> memref<1x8x16xf32, #tpu.memory_space<vmem>>
    %dma_wait3A_1146 = tpu.memref_squeeze %dma_wait3A_1145 : memref<1x8x16xf32, #tpu.memory_space<vmem>> -> memref<8x16xf32, #tpu.memory_space<vmem>>
    %dma_wait3A_1147 = arith.constant 0 : i32
    %dma_wait3A_1148 = tpu.memref_slice %arg2[%add3A_608, %dma_wait3A_1147, %multiple_of3A_604] : memref<128x8x100000xf32, #tpu.memory_space<hbm>> -> memref<1x8x16xf32, #tpu.memory_space<hbm>>
    %dma_wait3A_1149 = tpu.memref_squeeze %dma_wait3A_1148 : memref<1x8x16xf32, #tpu.memory_space<hbm>> -> memref<8x16xf32, #tpu.memory_space<hbm>>
    %dma_wait3A_1150 = arith.constant 0 : i32
    %dma_wait3A_1151 = arith.constant 0 : i32
    %dma_wait3A_1152 = tpu.memref_slice %arg6[%dma_wait3A_1142, %dma_wait3A_1150, %dma_wait3A_1151] : memref<32x8x128xf32, #tpu.memory_space<vmem>> -> memref<1x8x16xf32, #tpu.memory_space<vmem>>
    %dma_wait3A_1153 = tpu.memref_squeeze %dma_wait3A_1152 : memref<1x8x16xf32, #tpu.memory_space<vmem>> -> memref<8x16xf32, #tpu.memory_space<vmem>>
    %dma_wait3A_1154 = arith.constant 0 : i32
    %dma_wait3A_1155 = tpu.memref_slice %arg2[%add3A_608, %dma_wait3A_1154, %multiple_of3A_604] : memref<128x8x100000xf32, #tpu.memory_space<hbm>> -> memref<1x8x16xf32, #tpu.memory_space<hbm>>
    %dma_wait3A_1156 = tpu.memref_squeeze %dma_wait3A_1155 : memref<1x8x16xf32, #tpu.memory_space<hbm>> -> memref<8x16xf32, #tpu.memory_space<hbm>>
    tpu.wait_dma2 semaphore(%arg8 : memref<!tpu.dma_semaphore, #tpu.memory_space<semaphore_mem>>) src(%dma_wait3A_1156 : memref<8x16xf32, #tpu.memory_space<hbm>>) dst(%dma_wait3A_1153 : memref<8x16xf32, #tpu.memory_space<vmem>>)
    %dma_wait3A_1157 = arith.constant 26 : i32
    %dma_wait3A_1158 = arith.constant 0 : i32
    %dma_wait3A_1159 = arith.constant 0 : i32
    %dma_wait3A_1160 = tpu.memref_slice %arg6[%dma_wait3A_1157, %dma_wait3A_1158, %dma_wait3A_1159] : memref<32x8x128xf32, #tpu.memory_space<vmem>> -> memref<1x8x16xf32, #tpu.memory_space<vmem>>
    %dma_wait3A_1161 = tpu.memref_squeeze %dma_wait3A_1160 : memref<1x8x16xf32, #tpu.memory_space<vmem>> -> memref<8x16xf32, #tpu.memory_space<vmem>>
    %dma_wait3A_1162 = arith.constant 0 : i32
    %dma_wait3A_1163 = tpu.memref_slice %arg2[%add3A_632, %dma_wait3A_1162, %multiple_of3A_628] : memref<128x8x100000xf32, #tpu.memory_space<hbm>> -> memref<1x8x16xf32, #tpu.memory_space<hbm>>
    %dma_wait3A_1164 = tpu.memref_squeeze %dma_wait3A_1163 : memref<1x8x16xf32, #tpu.memory_space<hbm>> -> memref<8x16xf32, #tpu.memory_space<hbm>>
    %dma_wait3A_1165 = arith.constant 0 : i32
    %dma_wait3A_1166 = arith.constant 0 : i32
    %dma_wait3A_1167 = tpu.memref_slice %arg6[%dma_wait3A_1157, %dma_wait3A_1165, %dma_wait3A_1166] : memref<32x8x128xf32, #tpu.memory_space<vmem>> -> memref<1x8x16xf32, #tpu.memory_space<vmem>>
    %dma_wait3A_1168 = tpu.memref_squeeze %dma_wait3A_1167 : memref<1x8x16xf32, #tpu.memory_space<vmem>> -> memref<8x16xf32, #tpu.memory_space<vmem>>
    %dma_wait3A_1169 = arith.constant 0 : i32
    %dma_wait3A_1170 = tpu.memref_slice %arg2[%add3A_632, %dma_wait3A_1169, %multiple_of3A_628] : memref<128x8x100000xf32, #tpu.memory_space<hbm>> -> memref<1x8x16xf32, #tpu.memory_space<hbm>>
    %dma_wait3A_1171 = tpu.memref_squeeze %dma_wait3A_1170 : memref<1x8x16xf32, #tpu.memory_space<hbm>> -> memref<8x16xf32, #tpu.memory_space<hbm>>
    tpu.wait_dma2 semaphore(%arg8 : memref<!tpu.dma_semaphore, #tpu.memory_space<semaphore_mem>>) src(%dma_wait3A_1171 : memref<8x16xf32, #tpu.memory_space<hbm>>) dst(%dma_wait3A_1168 : memref<8x16xf32, #tpu.memory_space<vmem>>)
    %dma_wait3A_1172 = arith.constant 27 : i32
    %dma_wait3A_1173 = arith.constant 0 : i32
    %dma_wait3A_1174 = arith.constant 0 : i32
    %dma_wait3A_1175 = tpu.memref_slice %arg6[%dma_wait3A_1172, %dma_wait3A_1173, %dma_wait3A_1174] : memref<32x8x128xf32, #tpu.memory_space<vmem>> -> memref<1x8x16xf32, #tpu.memory_space<vmem>>
    %dma_wait3A_1176 = tpu.memref_squeeze %dma_wait3A_1175 : memref<1x8x16xf32, #tpu.memory_space<vmem>> -> memref<8x16xf32, #tpu.memory_space<vmem>>
    %dma_wait3A_1177 = arith.constant 0 : i32
    %dma_wait3A_1178 = tpu.memref_slice %arg2[%add3A_656, %dma_wait3A_1177, %multiple_of3A_652] : memref<128x8x100000xf32, #tpu.memory_space<hbm>> -> memref<1x8x16xf32, #tpu.memory_space<hbm>>
    %dma_wait3A_1179 = tpu.memref_squeeze %dma_wait3A_1178 : memref<1x8x16xf32, #tpu.memory_space<hbm>> -> memref<8x16xf32, #tpu.memory_space<hbm>>
    %dma_wait3A_1180 = arith.constant 0 : i32
    %dma_wait3A_1181 = arith.constant 0 : i32
    %dma_wait3A_1182 = tpu.memref_slice %arg6[%dma_wait3A_1172, %dma_wait3A_1180, %dma_wait3A_1181] : memref<32x8x128xf32, #tpu.memory_space<vmem>> -> memref<1x8x16xf32, #tpu.memory_space<vmem>>
    %dma_wait3A_1183 = tpu.memref_squeeze %dma_wait3A_1182 : memref<1x8x16xf32, #tpu.memory_space<vmem>> -> memref<8x16xf32, #tpu.memory_space<vmem>>
    %dma_wait3A_1184 = arith.constant 0 : i32
    %dma_wait3A_1185 = tpu.memref_slice %arg2[%add3A_656, %dma_wait3A_1184, %multiple_of3A_652] : memref<128x8x100000xf32, #tpu.memory_space<hbm>> -> memref<1x8x16xf32, #tpu.memory_space<hbm>>
    %dma_wait3A_1186 = tpu.memref_squeeze %dma_wait3A_1185 : memref<1x8x16xf32, #tpu.memory_space<hbm>> -> memref<8x16xf32, #tpu.memory_space<hbm>>
    tpu.wait_dma2 semaphore(%arg8 : memref<!tpu.dma_semaphore, #tpu.memory_space<semaphore_mem>>) src(%dma_wait3A_1186 : memref<8x16xf32, #tpu.memory_space<hbm>>) dst(%dma_wait3A_1183 : memref<8x16xf32, #tpu.memory_space<vmem>>)
    %dma_wait3A_1187 = arith.constant 28 : i32
    %dma_wait3A_1188 = arith.constant 0 : i32
    %dma_wait3A_1189 = arith.constant 0 : i32
    %dma_wait3A_1190 = tpu.memref_slice %arg6[%dma_wait3A_1187, %dma_wait3A_1188, %dma_wait3A_1189] : memref<32x8x128xf32, #tpu.memory_space<vmem>> -> memref<1x8x16xf32, #tpu.memory_space<vmem>>
    %dma_wait3A_1191 = tpu.memref_squeeze %dma_wait3A_1190 : memref<1x8x16xf32, #tpu.memory_space<vmem>> -> memref<8x16xf32, #tpu.memory_space<vmem>>
    %dma_wait3A_1192 = arith.constant 0 : i32
    %dma_wait3A_1193 = tpu.memref_slice %arg2[%add3A_680, %dma_wait3A_1192, %multiple_of3A_676] : memref<128x8x100000xf32, #tpu.memory_space<hbm>> -> memref<1x8x16xf32, #tpu.memory_space<hbm>>
    %dma_wait3A_1194 = tpu.memref_squeeze %dma_wait3A_1193 : memref<1x8x16xf32, #tpu.memory_space<hbm>> -> memref<8x16xf32, #tpu.memory_space<hbm>>
    %dma_wait3A_1195 = arith.constant 0 : i32
    %dma_wait3A_1196 = arith.constant 0 : i32
    %dma_wait3A_1197 = tpu.memref_slice %arg6[%dma_wait3A_1187, %dma_wait3A_1195, %dma_wait3A_1196] : memref<32x8x128xf32, #tpu.memory_space<vmem>> -> memref<1x8x16xf32, #tpu.memory_space<vmem>>
    %dma_wait3A_1198 = tpu.memref_squeeze %dma_wait3A_1197 : memref<1x8x16xf32, #tpu.memory_space<vmem>> -> memref<8x16xf32, #tpu.memory_space<vmem>>
    %dma_wait3A_1199 = arith.constant 0 : i32
    %dma_wait3A_1200 = tpu.memref_slice %arg2[%add3A_680, %dma_wait3A_1199, %multiple_of3A_676] : memref<128x8x100000xf32, #tpu.memory_space<hbm>> -> memref<1x8x16xf32, #tpu.memory_space<hbm>>
    %dma_wait3A_1201 = tpu.memref_squeeze %dma_wait3A_1200 : memref<1x8x16xf32, #tpu.memory_space<hbm>> -> memref<8x16xf32, #tpu.memory_space<hbm>>
    tpu.wait_dma2 semaphore(%arg8 : memref<!tpu.dma_semaphore, #tpu.memory_space<semaphore_mem>>) src(%dma_wait3A_1201 : memref<8x16xf32, #tpu.memory_space<hbm>>) dst(%dma_wait3A_1198 : memref<8x16xf32, #tpu.memory_space<vmem>>)
    %dma_wait3A_1202 = arith.constant 29 : i32
    %dma_wait3A_1203 = arith.constant 0 : i32
    %dma_wait3A_1204 = arith.constant 0 : i32
    %dma_wait3A_1205 = tpu.memref_slice %arg6[%dma_wait3A_1202, %dma_wait3A_1203, %dma_wait3A_1204] : memref<32x8x128xf32, #tpu.memory_space<vmem>> -> memref<1x8x16xf32, #tpu.memory_space<vmem>>
    %dma_wait3A_1206 = tpu.memref_squeeze %dma_wait3A_1205 : memref<1x8x16xf32, #tpu.memory_space<vmem>> -> memref<8x16xf32, #tpu.memory_space<vmem>>
    %dma_wait3A_1207 = arith.constant 0 : i32
    %dma_wait3A_1208 = tpu.memref_slice %arg2[%add3A_704, %dma_wait3A_1207, %multiple_of3A_700] : memref<128x8x100000xf32, #tpu.memory_space<hbm>> -> memref<1x8x16xf32, #tpu.memory_space<hbm>>
    %dma_wait3A_1209 = tpu.memref_squeeze %dma_wait3A_1208 : memref<1x8x16xf32, #tpu.memory_space<hbm>> -> memref<8x16xf32, #tpu.memory_space<hbm>>
    %dma_wait3A_1210 = arith.constant 0 : i32
    %dma_wait3A_1211 = arith.constant 0 : i32
    %dma_wait3A_1212 = tpu.memref_slice %arg6[%dma_wait3A_1202, %dma_wait3A_1210, %dma_wait3A_1211] : memref<32x8x128xf32, #tpu.memory_space<vmem>> -> memref<1x8x16xf32, #tpu.memory_space<vmem>>
    %dma_wait3A_1213 = tpu.memref_squeeze %dma_wait3A_1212 : memref<1x8x16xf32, #tpu.memory_space<vmem>> -> memref<8x16xf32, #tpu.memory_space<vmem>>
    %dma_wait3A_1214 = arith.constant 0 : i32
    %dma_wait3A_1215 = tpu.memref_slice %arg2[%add3A_704, %dma_wait3A_1214, %multiple_of3A_700] : memref<128x8x100000xf32, #tpu.memory_space<hbm>> -> memref<1x8x16xf32, #tpu.memory_space<hbm>>
    %dma_wait3A_1216 = tpu.memref_squeeze %dma_wait3A_1215 : memref<1x8x16xf32, #tpu.memory_space<hbm>> -> memref<8x16xf32, #tpu.memory_space<hbm>>
    tpu.wait_dma2 semaphore(%arg8 : memref<!tpu.dma_semaphore, #tpu.memory_space<semaphore_mem>>) src(%dma_wait3A_1216 : memref<8x16xf32, #tpu.memory_space<hbm>>) dst(%dma_wait3A_1213 : memref<8x16xf32, #tpu.memory_space<vmem>>)
    %dma_wait3A_1217 = arith.constant 30 : i32
    %dma_wait3A_1218 = arith.constant 0 : i32
    %dma_wait3A_1219 = arith.constant 0 : i32
    %dma_wait3A_1220 = tpu.memref_slice %arg6[%dma_wait3A_1217, %dma_wait3A_1218, %dma_wait3A_1219] : memref<32x8x128xf32, #tpu.memory_space<vmem>> -> memref<1x8x16xf32, #tpu.memory_space<vmem>>
    %dma_wait3A_1221 = tpu.memref_squeeze %dma_wait3A_1220 : memref<1x8x16xf32, #tpu.memory_space<vmem>> -> memref<8x16xf32, #tpu.memory_space<vmem>>
    %dma_wait3A_1222 = arith.constant 0 : i32
    %dma_wait3A_1223 = tpu.memref_slice %arg2[%add3A_728, %dma_wait3A_1222, %multiple_of3A_724] : memref<128x8x100000xf32, #tpu.memory_space<hbm>> -> memref<1x8x16xf32, #tpu.memory_space<hbm>>
    %dma_wait3A_1224 = tpu.memref_squeeze %dma_wait3A_1223 : memref<1x8x16xf32, #tpu.memory_space<hbm>> -> memref<8x16xf32, #tpu.memory_space<hbm>>
    %dma_wait3A_1225 = arith.constant 0 : i32
    %dma_wait3A_1226 = arith.constant 0 : i32
    %dma_wait3A_1227 = tpu.memref_slice %arg6[%dma_wait3A_1217, %dma_wait3A_1225, %dma_wait3A_1226] : memref<32x8x128xf32, #tpu.memory_space<vmem>> -> memref<1x8x16xf32, #tpu.memory_space<vmem>>
    %dma_wait3A_1228 = tpu.memref_squeeze %dma_wait3A_1227 : memref<1x8x16xf32, #tpu.memory_space<vmem>> -> memref<8x16xf32, #tpu.memory_space<vmem>>
    %dma_wait3A_1229 = arith.constant 0 : i32
    %dma_wait3A_1230 = tpu.memref_slice %arg2[%add3A_728, %dma_wait3A_1229, %multiple_of3A_724] : memref<128x8x100000xf32, #tpu.memory_space<hbm>> -> memref<1x8x16xf32, #tpu.memory_space<hbm>>
    %dma_wait3A_1231 = tpu.memref_squeeze %dma_wait3A_1230 : memref<1x8x16xf32, #tpu.memory_space<hbm>> -> memref<8x16xf32, #tpu.memory_space<hbm>>
    tpu.wait_dma2 semaphore(%arg8 : memref<!tpu.dma_semaphore, #tpu.memory_space<semaphore_mem>>) src(%dma_wait3A_1231 : memref<8x16xf32, #tpu.memory_space<hbm>>) dst(%dma_wait3A_1228 : memref<8x16xf32, #tpu.memory_space<vmem>>)
    %dma_wait3A_1232 = arith.constant 31 : i32
    %dma_wait3A_1233 = arith.constant 0 : i32
    %dma_wait3A_1234 = arith.constant 0 : i32
    %dma_wait3A_1235 = tpu.memref_slice %arg6[%dma_wait3A_1232, %dma_wait3A_1233, %dma_wait3A_1234] : memref<32x8x128xf32, #tpu.memory_space<vmem>> -> memref<1x8x16xf32, #tpu.memory_space<vmem>>
    %dma_wait3A_1236 = tpu.memref_squeeze %dma_wait3A_1235 : memref<1x8x16xf32, #tpu.memory_space<vmem>> -> memref<8x16xf32, #tpu.memory_space<vmem>>
    %dma_wait3A_1237 = arith.constant 0 : i32
    %dma_wait3A_1238 = tpu.memref_slice %arg2[%add3A_752, %dma_wait3A_1237, %multiple_of3A_748] : memref<128x8x100000xf32, #tpu.memory_space<hbm>> -> memref<1x8x16xf32, #tpu.memory_space<hbm>>
    %dma_wait3A_1239 = tpu.memref_squeeze %dma_wait3A_1238 : memref<1x8x16xf32, #tpu.memory_space<hbm>> -> memref<8x16xf32, #tpu.memory_space<hbm>>
    %dma_wait3A_1240 = arith.constant 0 : i32
    %dma_wait3A_1241 = arith.constant 0 : i32
    %dma_wait3A_1242 = tpu.memref_slice %arg6[%dma_wait3A_1232, %dma_wait3A_1240, %dma_wait3A_1241] : memref<32x8x128xf32, #tpu.memory_space<vmem>> -> memref<1x8x16xf32, #tpu.memory_space<vmem>>
    %dma_wait3A_1243 = tpu.memref_squeeze %dma_wait3A_1242 : memref<1x8x16xf32, #tpu.memory_space<vmem>> -> memref<8x16xf32, #tpu.memory_space<vmem>>
    %dma_wait3A_1244 = arith.constant 0 : i32
    %dma_wait3A_1245 = tpu.memref_slice %arg2[%add3A_752, %dma_wait3A_1244, %multiple_of3A_748] : memref<128x8x100000xf32, #tpu.memory_space<hbm>> -> memref<1x8x16xf32, #tpu.memory_space<hbm>>
    %dma_wait3A_1246 = tpu.memref_squeeze %dma_wait3A_1245 : memref<1x8x16xf32, #tpu.memory_space<hbm>> -> memref<8x16xf32, #tpu.memory_space<hbm>>
    tpu.wait_dma2 semaphore(%arg8 : memref<!tpu.dma_semaphore, #tpu.memory_space<semaphore_mem>>) src(%dma_wait3A_1246 : memref<8x16xf32, #tpu.memory_space<hbm>>) dst(%dma_wait3A_1243 : memref<8x16xf32, #tpu.memory_space<vmem>>)
    %iota3A = tpu.iota {dimensions = array<i32: 0>} : vector<16xi32>
    %and3A_1247 = arith.constant 15 : i32
    %and3A_1248 = vector.broadcast %and3A_1247 : i32 to vector<16xi32>
    %and3A_1249 = arith.andi %get3A_3, %and3A_1248 : vector<16xi32>
    %add3A_1250 = arith.constant 0 : i32
    %add3A_1251 = vector.broadcast %add3A_1250 : i32 to vector<16xi32>
    %add3A_1252 = arith.addi %iota3A, %add3A_1251 : vector<16xi32>
    %and3A_1253 = arith.constant 7 : i32
    %and3A_1254 = vector.broadcast %and3A_1253 : i32 to vector<16xi32>
    %and3A_1255 = arith.andi %iota3A, %and3A_1254 : vector<16xi32>
    %gather3A = tpu.vector_load_idx %arg6[%add3A_1252, %and3A_1255, %and3A_1249] : memref<32x8x128xf32, #tpu.memory_space<vmem>>[vector<16xi32>, vector<16xi32>, vector<16xi32>], vector<16xf32>,
    %swap3A = arith.constant 0 : index
    %swap3A_1256 = tpu.vector_load %arg7[%swap3A] {strides = array<i32>} : memref<32xf32, #tpu.memory_space<vmem>>, vector<16xf32>,
    tpu.vector_store %arg7[%swap3A], %gather3A {strides = array<i32>} : memref<32xf32, #tpu.memory_space<vmem>>, vector<16xf32>,
    %and3A_1257 = arith.constant 15 : i32
    %and3A_1258 = vector.broadcast %and3A_1257 : i32 to vector<16xi32>
    %and3A_1259 = arith.andi %get3A_5, %and3A_1258 : vector<16xi32>
    %add3A_1260 = arith.constant 16 : i32
    %add3A_1261 = vector.broadcast %add3A_1260 : i32 to vector<16xi32>
    %add3A_1262 = arith.addi %iota3A, %add3A_1261 : vector<16xi32>
    %and3A_1263 = arith.constant 7 : i32
    %and3A_1264 = vector.broadcast %and3A_1263 : i32 to vector<16xi32>
    %and3A_1265 = arith.andi %iota3A, %and3A_1264 : vector<16xi32>
    %gather3A_1266 = tpu.vector_load_idx %arg6[%add3A_1262, %and3A_1265, %and3A_1259] : memref<32x8x128xf32, #tpu.memory_space<vmem>>[vector<16xi32>, vector<16xi32>, vector<16xi32>], vector<16xf32>,
    %swap3A_1267 = arith.constant 16 : index
    %swap3A_1268 = tpu.vector_load %arg7[%swap3A_1267] {strides = array<i32>} : memref<32xf32, #tpu.memory_space<vmem>>, vector<16xf32>,
    tpu.vector_store %arg7[%swap3A_1267], %gather3A_1266 {strides = array<i32>} : memref<32xf32, #tpu.memory_space<vmem>>, vector<16xf32>,
    "tpu.region"() ({
      %run_scoped3A = tpu.sem_alloc : memref<!tpu.dma_semaphore, #tpu.memory_space<semaphore_mem>>
      %dma_start3A_1269 = tpu.memref_slice %arg4[%mul3A_2] : memref<1024xf32, #tpu.memory_space<hbm>> -> memref<32xf32, #tpu.memory_space<hbm>>
      %dma_start3A_1270 = tpu.memref_slice %arg4[%mul3A_2] : memref<1024xf32, #tpu.memory_space<hbm>> -> memref<32xf32, #tpu.memory_space<hbm>>
      tpu.enqueue_dma source(%arg7 : memref<32xf32, #tpu.memory_space<vmem>>) target(%dma_start3A_1270 : memref<32xf32, #tpu.memory_space<hbm>>) target_semaphore(%run_scoped3A : memref<!tpu.dma_semaphore, #tpu.memory_space<semaphore_mem>>)
      %dma_wait3A_1271 = tpu.memref_slice %arg4[%mul3A_2] : memref<1024xf32, #tpu.memory_space<hbm>> -> memref<32xf32, #tpu.memory_space<hbm>>
      %dma_wait3A_1272 = tpu.memref_slice %arg4[%mul3A_2] : memref<1024xf32, #tpu.memory_space<hbm>> -> memref<32xf32, #tpu.memory_space<hbm>>
      tpu.wait_dma2 semaphore(%run_scoped3A : memref<!tpu.dma_semaphore, #tpu.memory_space<semaphore_mem>>) src(%arg7 : memref<32xf32, #tpu.memory_space<vmem>>) dst(%dma_wait3A_1272 : memref<32xf32, #tpu.memory_space<hbm>>)
      tpu.yield
    }) : () -> ()
    return
  }
}

module attributes {stable_mosaic.version = 14 : i64} {
  func.func @_tc_finalize(%arg0: memref<8x128xf32, #tpu.memory_space<vmem>>, %arg1: memref<8x128xf32, #tpu.memory_space<vmem>>, %arg2: memref<1x1xf32, #tpu.memory_space<vmem>>) attributes {dimension_semantics = [], scalar_prefetch = 0 : i64, scratch_operands = 0 : i64, tpu.core_type = #tpu.core_type<tc>} {
    %get3A = arith.constant 0 : index
    %get3A_0 = arith.constant 0 : index
    %get3A_1 = vector.load %arg0[%get3A, %get3A_0] : memref<8x128xf32, #tpu.memory_space<vmem>>, vector<8x128xf32>
    %get3A_2 = arith.constant 0 : index
    %get3A_3 = arith.constant 0 : index
    %get3A_4 = vector.load %arg1[%get3A_2, %get3A_3] : memref<8x128xf32, #tpu.memory_space<vmem>>, vector<8x128xf32>
    %mul3A = arith.mulf %get3A_1, %get3A_4 : vector<8x128xf32>
    %reduce_sum3A = vector.shape_cast %mul3A : vector<8x128xf32> to vector<1x8x128xf32>
    %reduce_sum3A_5 = arith.constant dense<0.000000e+00> : vector<1xf32>
    %reduce_sum3A_6 = vector.multi_reduction <add>, %reduce_sum3A, %reduce_sum3A_5 [1, 2] : vector<1x8x128xf32> to vector<1xf32>
    %reduce_sum3A_7 = vector.shape_cast %reduce_sum3A_6 : vector<1xf32> to vector<1x1x1xf32>
    %reduce_sum3A_8 = vector.extract %reduce_sum3A_7[0, 0, 0] : f32 from vector<1x1x1xf32>
    %neg3A = arith.constant 0.000000e+00 : f32
    %neg3A_9 = arith.subf %neg3A, %reduce_sum3A_8 : f32
    %reduce_sum3A_10 = vector.shape_cast %get3A_4 : vector<8x128xf32> to vector<1x8x128xf32>
    %reduce_sum3A_11 = arith.constant dense<0.000000e+00> : vector<1xf32>
    %reduce_sum3A_12 = vector.multi_reduction <add>, %reduce_sum3A_10, %reduce_sum3A_11 [1, 2] : vector<1x8x128xf32> to vector<1xf32>
    %reduce_sum3A_13 = vector.shape_cast %reduce_sum3A_12 : vector<1xf32> to vector<1x1x1xf32>
    %reduce_sum3A_14 = vector.extract %reduce_sum3A_13[0, 0, 0] : f32 from vector<1x1x1xf32>
    %div3A = arith.divf %neg3A_9, %reduce_sum3A_14 : f32
    %broadcast_in_dim3A = arith.constant 0.000000e+00 : f32
    %broadcast_in_dim3A_15 = vector.broadcast %broadcast_in_dim3A : f32 to vector<1x1xf32>
    %add3A = vector.broadcast %div3A : f32 to vector<1x1xf32>
    %add3A_16 = arith.addf %broadcast_in_dim3A_15, %add3A : vector<1x1xf32>
    %swap3A = arith.constant 0 : index
    %swap3A_17 = arith.constant 0 : index
    %swap3A_18 = vector.load %arg2[%swap3A, %swap3A_17] : memref<1x1xf32, #tpu.memory_space<vmem>>, vector<1x1xf32>
    tpu.vector_store %arg2[%swap3A, %swap3A_17], %add3A_16 {strides = array<i32>} : memref<1x1xf32, #tpu.memory_space<vmem>>, vector<1x1xf32>,
    return
  }
}

</mosaic_0001>

<sc_bundles>
// kernel: kernel.4.cloned.1.call-start
scs
__scs_entry_jumppad:
0x0: {  	(pc) =	sbr.rel $0x88, $3  }
0x1: {  	(tag) =	ssettag $0x0;
	lr =	simm.s32 $0x1  }
0x2: {  	[smem:$0x3F9E] =	sst lr;
	_ =	strace $0xD0000000  }
0x3: {  	_ = 	snop  }
0x4: {  	_ = 	snop  }
0x5: {  	_ = 	snop  }
0x6: {  	_ = 	snop  }
0x7: {  	_ = 	snop  }
__scs_overlays_trampoline_lowered:
0x8: {  	[smem:$0x3FAD] =	sst s0  }
0x9: {  	[smem:$0x3FAE] =	sst s1  }
0xa: {  	[smem:$0x3FAF] =	sst s2  }
0xb: {  	[smem:$0x3FB0] =	sst s3  }
0xc: {  	[smem:$0x3FB1] =	sst s4  }
0xd: {  	[smem:$0x3FB2] =	sst s5  }
0xe: {  	[smem:$0x3FB3] =	sst s6  }
0xf: {  	[smem:$0x3FB4] =	sst s7  }
0x10: {  	[smem:$0x3FB5] =	sst s8  }
0x11: {  	[smem:$0x3FB6] =	sst s9;
	s0 =	simm.s32 @!p0 $0x0  }
0x12: {  	s1 =	sld [smem:$0x3F9C];
	s0 =	simm.s32 @p0 $0x1  }
0x13: {  	[smem:$0x3FB7] =	sst s0;
	s0 =	simm.s32 @!p1 $0x0  }
0x14: {  	s2 =	sld [smem:$0x3F9B];
	s0 =	simm.s32 @p1 $0x1  }
0x15: {  	[smem:$0x3FB8] =	sst s0;
	s0 =	simm.s32 @!p2 $0x0  }
0x16: {  	s3 =	sld [smem:$0x3FDB];
	s0 =	simm.s32 @p2 $0x1  }
0x17: {  	s4 =	simm.s32 $0x1BF5;
	[smem:$0x3FBA] =	sst s0  }
0x18: {  	s0 =	sld [smem:$0x3F9D];
	_ =	swait.ge [sflag:s4], $0x0  }
0x19: {  	s7 =	sld [smem:$0x3F9E]  }
0x1a: {  	s8 =	sadd.s32 $0xFFFFE003, lr  }
0x1b: {  	s9 =	sadd.s32 $0xFFFFFEF7, lr;
	s5 =	simm.s32 $0xFFFFFFFF;
	p2 =	slt.u32 s8, $0xFFFFF086  }
0x1c: {  	p1 =	slt.u32 s9, $0xF7A;
	s5 =	simm.s32 @!p2 $0x0  }
0x1d: {  	s5 =	simm.s32 @p1 $0x1;
	p0 =	seq.s32 s7, s2  }
0x1e: {  	s7 =	smul.u32 @!p0 $0xF7A, s2;
	p2 =	seq.s32 @!p0 s5, $0x0  }
0x1f: {  	s9 =	smul.u32 $0xF7A, s1;
	s8 =	simm.s32 @!p0 $0x1BF5;
	p2 =	por !p2, p0  }
0x20: {  	[sflag:s8] =	ssyncset.s32 @!p0 $0xFFFFF086;
	s6 =	sadd.s32 @!p0 s3, s7;
	s7 =	simm.s32 @!p0 $0x108  }
0x21: {  	s3 =	sadd.s32 s3, s9;
	s6 =	sadd.s32 @!p0 $0x88, s6;
	s7 =	simm.s32 @p2 $0x1082  }
0x22: {  	[simem:s7], [sflag:s8] =	dma.local @!p0 [hbm:s6], $0xF7A  }
0x23: {  	s9 =	sor.u32 $0xD0000000, s2;
	s6 =	simm.s32 $0x108;
	_ =	swait.ge @!p0 [sflag:s8], $0x0  }
0x24: {  	s3 =	sadd.s32 $0x88, s3;
	s6 =	simm.s32 @!p1 $0x1082;
	[sflag:s4] =	ssyncset.s32 $0xFFFFF086  }
0x25: {  	[simem:s6], [sflag:s4] =	dma.local [hbm:s3], $0xF7A  }
0x26: {  	[smem:$0x3F9E] =	sst s1;
	(tag) =	ssettag s2;
	_ =	strace s9  }
0x27: {  	s1 =	sld [smem:$0x3FAE]  }
0x28: {  	s2 =	sld [smem:$0x3FAF]  }
0x29: {  	s4 =	sld [smem:$0x3FB1]  }
0x2a: {  	p0 =	seq.s32 s5, $0x0;
	s5 =	sld [smem:$0x3FB2]  }
0x2b: {  	s6 =	sld [smem:$0x3FB3]  }
0x2c: {  	s7 =	sld [smem:$0x3FB4]  }
0x2d: {  	s3 =	simm.s32 $0x108;
	s8 =	sld [smem:$0x3FB5]  }
0x2e: {  	s3 =	simm.s32 @!p0 $0x1082;
	s9 =	sld [smem:$0x3FB6]  }
0x2f: {  	lr =	sadd.s32 s0, s3;
	s0 =	sld [smem:$0x3FAD]  }
0x30: {  	s3 =	sld [smem:$0x3FB0]  }
0x31: {  	[smem:$0x3FB9] =	sst s10  }
0x32: {  	s10 =	sld [smem:$0x3FB7];
	_ =	sdelay $0x3  }
0x33: {  	p0 =	seq.s32 s10, $0x1;
	s10 =	sld [smem:$0x3FB9];
	_ =	sdelay $0x3  }
0x34: {  	[smem:$0x3FB9] =	sst s10  }
0x35: {  	s10 =	sld [smem:$0x3FB8];
	_ =	sdelay $0x3  }
0x36: {  	p1 =	seq.s32 s10, $0x1;
	s10 =	sld [smem:$0x3FB9];
	_ =	sdelay $0x3  }
0x37: {  	[smem:$0x3FB9] =	sst s10  }
0x38: {  	s10 =	sld [smem:$0x3FBA]  }
0x39: {  	_ = 	snop;
	(pc) =	sbr.ind lr, $3  }
0x3a: {  	_ = 	snop  }
0x3b: {  	_ = 	snop  }
0x3c: {  	p2 =	seq.s32 s10, $0x1;
	s10 =	sld [smem:$0x3FB9]  }
0x3d: {  	_ =	shalt  }
0x3e: {  	_ =	shalt  }
0x3f: {  	_ =	shalt  }
0x40: {  	_ =	shalt  }
0x41: {  	_ =	shalt  }
0x42: {  	_ =	shalt  }
0x43: {  	_ =	shalt  }
0x44: {  	_ =	shalt  }
0x45: {  	_ =	shalt  }
0x46: {  	_ =	shalt  }
0x47: {  	_ =	shalt  }
0x48: {  	_ =	shalt  }
0x49: {  	_ =	shalt  }
0x4a: {  	_ =	shalt  }
0x4b: {  	_ =	shalt  }
0x4c: {  	_ =	shalt  }
0x4d: {  	_ =	shalt  }
0x4e: {  	_ =	shalt  }
0x4f: {  	_ =	shalt  }
0x50: {  	_ =	shalt  }
0x51: {  	_ =	shalt  }
0x52: {  	_ =	shalt  }
0x53: {  	_ =	shalt  }
0x54: {  	_ =	shalt  }
0x55: {  	_ =	shalt  }
0x56: {  	_ =	shalt  }
0x57: {  	_ =	shalt  }
0x58: {  	_ =	shalt  }
0x59: {  	_ =	shalt  }
0x5a: {  	_ =	shalt  }
0x5b: {  	_ =	shalt  }
0x5c: {  	_ =	shalt  }
0x5d: {  	_ =	shalt  }
0x5e: {  	_ =	shalt  }
0x5f: {  	_ =	shalt  }
0x60: {  	_ =	shalt  }
0x61: {  	_ =	shalt  }
0x62: {  	_ =	shalt  }
0x63: {  	_ =	shalt  }
0x64: {  	_ =	shalt  }
0x65: {  	_ =	shalt  }
0x66: {  	_ =	shalt  }
0x67: {  	_ =	shalt  }
0x68: {  	_ =	shalt  }
0x69: {  	_ =	shalt  }
0x6a: {  	_ =	shalt  }
0x6b: {  	_ =	shalt  }
0x6c: {  	_ =	shalt  }
0x6d: {  	_ =	shalt  }
0x6e: {  	_ =	shalt  }
0x6f: {  	_ =	shalt  }
0x70: {  	_ =	shalt  }
0x71: {  	_ =	shalt  }
0x72: {  	_ =	shalt  }
0x73: {  	_ =	shalt  }
0x74: {  	_ =	shalt  }
0x75: {  	_ =	shalt  }
0x76: {  	_ =	shalt  }
0x77: {  	_ =	shalt  }
0x78: {  	_ =	shalt  }
0x79: {  	_ =	shalt  }
0x7a: {  	_ =	shalt  }
0x7b: {  	_ =	shalt  }
0x7c: {  	_ =	shalt  }
0x7d: {  	_ =	shalt  }
0x7e: {  	_ =	shalt  }
0x7f: {  	_ =	shalt  }
0x80: {  	_ =	shalt  }
0x81: {  	_ =	shalt  }
0x82: {  	_ =	shalt  }
0x83: {  	_ =	shalt  }
0x84: {  	_ =	shalt  }
0x85: {  	_ =	shalt  }
0x86: {  	_ =	shalt  }
0x87: {  	_ =	shalt  }
.Lfunc_end0:
.L_simem_size_0:
called_computation_lowered:
.L_overlay_start_0:
0x88: {  	s2 =	sld [smem:$0x3FD9]  }
0x89: {  	s3 =	sld [smem:$0x3FFE];
	_ =	sdelay $0x1  }
0x8a: {  	s1 =	srdreg.scid  }
0x8b: {  	s0 =	sand.u32 $0x1, s1  }
0x8c: {  	s17 =	sshll.u32 s0, $0xA;
	s2 =	sadd.s32 s3, s2  }
0x8d: {  	s2 =	sadd.s32 s2, s17  }
0x8e: {  	[smem:$0x3FC5] =	sst s2  }
0x8f: {  	_ = 	snop  }
0x90: {  	s2 =	sld [smem:$0x3FC9];
	(tm) =	ssettm $0x1  }
0x91: {  	s18 =	sld [smem:$0x3FFB];
	_ =	sdelay $0x3  }
0x92: {  	_ =	strace s18  }
0x93: {  	s3 =	sld [smem:$0x3FFC];
	_ =	sdelay $0x3  }
0x94: {  	_ =	strace s3  }
0x95: {  	s3 =	sld [smem:$0x3FFD];
	_ =	sdelay $0x3  }
0x96: {  	_ =	strace s3  }
0x97: {  	_ =	strace $0x8FFFFFFF  }
0x98: {  	s19 =	sld [smem:$0x3FDB];
	_ =	sdelay $0x1  }
0x99: {  	s4 =	simm.s32 $_scs_section_size  }
0x9a: {  	s5 =	simm.s32 $_size__tile_overlayer_lowered;
	s6 =	simm.s32 $_tile_overlayer_lowered  }
0x9b: {  	s22 =	simm.s32 $0x1BFF;
	s21 =	sshll.u32 s6, $0x1;
	s3 =	sadd.s32 s4, s19  }
0x9c: {  	s7 =	simm.s32 $0x0;
	s20 =	sshll.u32 s5, $0x1;
	s5 =	sadd.s32 s21, s3  }
0x9d: {  	[timem:s7], [sflag:s22] =	dma.local [hbm:s5], s20  }
0x9e: {  	_ =	swait.ge [sflag:s22], s20  }
0x9f: {  	s4 =	ssub.s32 $0x0, s20;
	[sflag:s22] =	ssyncset.done $0x0  }
0xa0: {  	[sflag:s22] =	ssyncadd.s32 s4;
	_ =	sdelay $0x1  }
0xa1: {  	s23 =	simm.s32 $0x1B8B  }
0xa2: {  	_ =	swait.ge [sflag:s23], $0x1  }
0xa3: {  	[sflag:s23] =	ssyncset.done $0x0  }
0xa4: {  	s25 =	simm.s32 $0x1B8E;
	s24 =	sld [smem:$0x3FFE];
	[sflag:s23] =	ssyncadd.s32 $0xFFFFFFFF  }
0xa5: {  	s26 =	simm.s32 $execute0_lowered;
	[smem:$0x3FD2] =	sst s25  }
0xa6: {  	s5 =	sshll.u32 s26, $0x1;
	_ =	strace $0x80000046;
	[dreg:$0x1] =	wrdreg $0xFFFFFFFF  }
0xa7: {  	s28 =	simm.s32 $_size_execute0_lowered;
	s3 =	sadd.s32 s3, s5;
	[dreg:$0x0] =	wrdreg $0x0  }
0xa8: {  	s5 =	sshll.u32 s28, $0x1;
	[dreg:$0x2] =	wrdreg s3  }
0xa9: {  	[dreg:$0x3] =	wrdreg s5  }
0xaa: {  	[dreg:$0x4] =	wrdreg $0xC0  }
0xab: {  	_ =	task [dreg:s7], $0x5FFFF  }
0xac: {  	[dreg:$0x1] =	wrdreg $0xFFFFFFFF  }
0xad: {  	[dreg:$0x0] =	wrdreg $0x60  }
0xae: {  	[dreg:$0x2] =	wrdreg s2  }
0xaf: {  	[dreg:$0x3] =	wrdreg s24  }
0xb0: {  	[dreg:$0x4] =	wrdreg $0x9  }
0xb1: {  	_ =	task.clear_ibuf [dreg:s7], $0x5FFFF;
	_ =	strace $0x90000046  }
0xb2: {  	s29 =	simm.s32 $0x9;
	_ =	strace $0x80000048  }
0xb3: {  	_ =	swait.ge [sflag:s29], $0x1  }
0xb4: {  	[sflag:s29] =	ssyncadd.s32 $0xFFFFFFFF  }
0xb5: {  	_ =	strace $0x90000048  }
0xb6: {  	_ =	sfence  }
0xb7: {  	s30 =	sld [smem:$0x0];
	_ =	sdelay $0x2  }
0xb8: {  	s31 =	sshll.u32 s1, $0xD;
	s1 =	sshrl.u32 s1, $0x2  }
0xb9: {  	s3 =	sand.u32 $0x4000, s31;
	s1 =	sadd.s32 s1, s30  }
0xba: {  	s0 =	sor.u32 s3, s0;
	s1 =	sshll.u32 s1, $0x11  }
0xbb: {  	s0 =	sor.u32 s1, s0  }
0xbc: {  	s0 =	sadd.s32 $0x8F2B, s0  }
0xbd: {  	[sflag:s0] =	ssyncadd.remote.s32 $0x1  }
0xbe: {  	_ =	sfence.sel $0xFFFF  }
0xbf: {  	[dreg:$0x0] =	wrdreg $0xFFFFFFFF;
	(pc) =	sbr.abs _section_cstart, $3  }
0xc0: {  	[dreg:$0x1] =	wrdreg $0xFFFFFFFF  }
0xc1: {  	_ =	task.clear_ibuf [dreg:s7], $0x2FFFF;
	_ =	strace $0x9FFFFFFF  }
0xc2: {  	(tm) =	ssettm $0x7FFFFFFF  }
0xc3: {  	_ =	shalt  }
tec
execute0_lowered:
.L_overlay_start_1:
0x0: {  	(tag) =	ssettag $0x1  }
0x1: {  	s2 =	rddreg [dreg:$0x0]  }
0x2: {  	s1 =	srdreg.scid;
	s6 =	rddreg [dreg:$0x1]  }
0x3: {  	s3 =	simm.s32 $0x0;
	s5 =	sand.u32 $0x1, s1;
	s1 =	rddreg [dreg:$0x2]  }
0x4: {  	s18 =	simm.s32 $0x100;
	[smem:$0x7FF] =	sst s3  }
0x5: {  	s19 =	simm.s32 $0x180;
	_ =	strace $0x80000047;
	[dreg:$0x5] =	wrdreg s18  }
0x6: {  	s20 =	simm.s32 $0x200;
	[dreg:$0x6] =	wrdreg s19  }
0x7: {  	s21 =	simm.s32 $0x280;
	[dreg:$0x7] =	wrdreg s20  }
0x8: {  	s22 =	simm.s32 $0x300;
	[dreg:$0x8] =	wrdreg s21  }
0x9: {  	s23 =	simm.s32 $0x380;
	[dreg:$0x9] =	wrdreg s22  }
0xa: {  	s24 =	simm.s32 $0x400;
	[dreg:$0xa] =	wrdreg s23  }
0xb: {  	s25 =	simm.s32 $0x480;
	[dreg:$0xb] =	wrdreg s24  }
0xc: {  	s26 =	simm.s32 $0x500;
	[dreg:$0xc] =	wrdreg s25  }
0xd: {  	s28 =	simm.s32 $0x580;
	[dreg:$0xd] =	wrdreg s26  }
0xe: {  	s29 =	simm.s32 $0x600;
	[dreg:$0xe] =	wrdreg s28  }
0xf: {  	s30 =	simm.s32 $0x680;
	[dreg:$0xf] =	wrdreg s29  }
0x10: {  	s31 =	simm.s32 $0x700;
	[dreg:$0x10] =	wrdreg s30  }
0x11: {  	s8 =	simm.s32 $0x800;
	[dreg:$0x11] =	wrdreg s31  }
0x12: {  	s9 =	simm.s32 $0x880;
	[dreg:$0x13] =	wrdreg s8  }
0x13: {  	s10 =	simm.s32 $0x900;
	[dreg:$0x14] =	wrdreg s9  }
0x14: {  	s11 =	simm.s32 $0x980;
	[dreg:$0x15] =	wrdreg s10  }
0x15: {  	s12 =	simm.s32 $0xA00;
	[dreg:$0x16] =	wrdreg s11  }
0x16: {  	s13 =	simm.s32 $0xA80;
	[dreg:$0x17] =	wrdreg s12  }
0x17: {  	s14 =	simm.s32 $0xB00;
	[dreg:$0x18] =	wrdreg s13  }
0x18: {  	s15 =	simm.s32 $0xB80;
	[dreg:$0x19] =	wrdreg s14  }
0x19: {  	s16 =	simm.s32 $0xC00;
	[dreg:$0x1a] =	wrdreg s15  }
0x1a: {  	[dreg:$0x1b] =	wrdreg s16;
	s18 =	simm.s32 $0xD00  }
0x1b: {  	s19 =	simm.s32 $0xD80;
	[dreg:$0x1d] =	wrdreg s18  }
0x1c: {  	s20 =	simm.s32 $0xE00;
	[dreg:$0x1e] =	wrdreg s19  }
0x1d: {  	s21 =	simm.s32 $0xE80;
	[dreg:$0x1f] =	wrdreg s20  }
0x1e: {  	s22 =	simm.s32 $0xF00;
	[smem:$0x719] =	sst s21  }
0x1f: {  	s23 =	simm.s32 $0xF80;
	[smem:$0x71A] =	sst s22  }
0x20: {  	s24 =	simm.s32 $0x1000;
	[smem:$0x71B] =	sst s23  }
0x21: {  	s25 =	simm.s32 $0x1080;
	[smem:$0x71C] =	sst s24  }
0x22: {  	s26 =	simm.s32 $0x1100;
	[smem:$0x71D] =	sst s25  }
0x23: {  	s28 =	simm.s32 $0x1180;
	[smem:$0x71E] =	sst s26  }
0x24: {  	s29 =	simm.s32 $0x1200;
	[smem:$0x71F] =	sst s28  }
0x25: {  	s30 =	simm.s32 $0x1280;
	[smem:$0x720] =	sst s29  }
0x26: {  	s31 =	simm.s32 $0x1300;
	[smem:$0x721] =	sst s30  }
0x27: {  	s8 =	simm.s32 $0x1400;
	[smem:$0x722] =	sst s31  }
0x28: {  	s9 =	simm.s32 $0x1480;
	[smem:$0x724] =	sst s8  }
0x29: {  	s10 =	simm.s32 $0x1500;
	[smem:$0x725] =	sst s9  }
0x2a: {  	s11 =	simm.s32 $0x1580;
	[smem:$0x726] =	sst s10  }
0x2b: {  	s12 =	simm.s32 $0x1600;
	[smem:$0x727] =	sst s11  }
0x2c: {  	s13 =	simm.s32 $0x1680;
	[smem:$0x728] =	sst s12  }
0x2d: {  	s0 =	stileid.u32;
	s14 =	simm.s32 $0x1700;
	[smem:$0x729] =	sst s13  }
0x2e: {  	s4 =	sshll.u32 s0, $0x3;
	s15 =	simm.s32 $0x1780;
	[smem:$0x72A] =	sst s14  }
0x2f: {  	s7 =	sshll.u32 s5, $0x2;
	s16 =	simm.s32 $0x1800;
	[smem:$0x72B] =	sst s15  }
0x30: {  	s4 =	sor.u32 s7, s4;
	s7 =	simm.s32 $0x780;
	[smem:$0x72C] =	sst s16  }
0x31: {  	s18 =	simm.s32 $0x1900;
	[dreg:$0x12] =	wrdreg s7  }
0x32: {  	s19 =	simm.s32 $0x1980;
	[smem:$0x72E] =	sst s18  }
0x33: {  	s20 =	simm.s32 $0x1A00;
	[smem:$0x72F] =	sst s19  }
0x34: {  	s21 =	simm.s32 $0x1A80;
	[smem:$0x730] =	sst s20  }
0x35: {  	s22 =	simm.s32 $0x1B00;
	[smem:$0x731] =	sst s21  }
0x36: {  	s23 =	simm.s32 $0x1B80;
	[smem:$0x732] =	sst s22  }
0x37: {  	s24 =	simm.s32 $0x1C00;
	[smem:$0x733] =	sst s23  }
0x38: {  	s25 =	simm.s32 $0x1C80;
	[smem:$0x734] =	sst s24  }
0x39: {  	s26 =	simm.s32 $0x1D00;
	[smem:$0x735] =	sst s25  }
0x3a: {  	s28 =	simm.s32 $0x1D80;
	[smem:$0x736] =	sst s26  }
0x3b: {  	s29 =	simm.s32 $0x1E00;
	[smem:$0x737] =	sst s28  }
0x3c: {  	s30 =	simm.s32 $0x1E80;
	[smem:$0x738] =	sst s29  }
0x3d: {  	s31 =	simm.s32 $0x1F00;
	[smem:$0x739] =	sst s30  }
0x3e: {  	s8 =	simm.s32 $0x2000;
	[smem:$0x73A] =	sst s31  }
0x3f: {  	s9 =	simm.s32 $0x2080;
	[smem:$0x73C] =	sst s8  }
0x40: {  	s10 =	simm.s32 $0x2100;
	[smem:$0x73D] =	sst s9  }
0x41: {  	s11 =	simm.s32 $0x2180;
	[smem:$0x73E] =	sst s10  }
0x42: {  	s12 =	simm.s32 $0x2200;
	[smem:$0x73F] =	sst s11  }
0x43: {  	s13 =	simm.s32 $0x2280;
	[smem:$0x740] =	sst s12  }
0x44: {  	s14 =	simm.s32 $0x2300;
	[smem:$0x741] =	sst s13  }
0x45: {  	s15 =	simm.s32 $0x2380;
	[smem:$0x742] =	sst s14  }
0x46: {  	s16 =	simm.s32 $0x2400;
	[smem:$0x743] =	sst s15  }
0x47: {  	s7 =	simm.s32 $0x1380;
	[smem:$0x744] =	sst s16  }
0x48: {  	s18 =	simm.s32 $0x2500;
	[smem:$0x723] =	sst s7  }
0x49: {  	s19 =	simm.s32 $0x2580;
	[smem:$0x746] =	sst s18  }
0x4a: {  	s20 =	simm.s32 $0x2600;
	[smem:$0x747] =	sst s19  }
0x4b: {  	s21 =	simm.s32 $0x2680;
	[smem:$0x748] =	sst s20  }
0x4c: {  	s22 =	simm.s32 $0x2700;
	[smem:$0x749] =	sst s21  }
0x4d: {  	s23 =	simm.s32 $0x2780;
	[smem:$0x74A] =	sst s22  }
0x4e: {  	s24 =	simm.s32 $0x2800;
	[smem:$0x74B] =	sst s23  }
0x4f: {  	s25 =	simm.s32 $0x2880;
	[smem:$0x74C] =	sst s24  }
0x50: {  	s26 =	simm.s32 $0x2900;
	[smem:$0x74D] =	sst s25  }
0x51: {  	s28 =	simm.s32 $0x2980;
	[smem:$0x74E] =	sst s26  }
0x52: {  	s29 =	simm.s32 $0x2A00;
	[smem:$0x74F] =	sst s28  }
0x53: {  	s30 =	simm.s32 $0x2A80;
	[smem:$0x750] =	sst s29  }
0x54: {  	s31 =	simm.s32 $0x2B00;
	[smem:$0x751] =	sst s30  }
0x55: {  	s8 =	simm.s32 $0x2C00;
	[smem:$0x752] =	sst s31  }
0x56: {  	s9 =	simm.s32 $0x2C80;
	[smem:$0x754] =	sst s8  }
0x57: {  	s10 =	simm.s32 $0x2D00;
	[smem:$0x755] =	sst s9  }
0x58: {  	s11 =	simm.s32 $0x2D80;
	[smem:$0x756] =	sst s10  }
0x59: {  	s12 =	simm.s32 $0x2E00;
	[smem:$0x757] =	sst s11  }
0x5a: {  	s13 =	simm.s32 $0x2E80;
	[smem:$0x758] =	sst s12  }
0x5b: {  	s14 =	simm.s32 $0x2F00;
	[smem:$0x759] =	sst s13  }
0x5c: {  	s15 =	simm.s32 $0x2F80;
	[smem:$0x75A] =	sst s14  }
0x5d: {  	s6 =	sadd.s32 s4, s6;
	s16 =	simm.s32 $0x3000;
	[smem:$0x75B] =	sst s15  }
0x5e: {  	s17 =	sadd.s32 $0x800, s6;
	[smem:$0x75C] =	sst s16  }
0x5f: {  	s6 =	sadd.s32 $0xA00, s6;
	[dreg:$0x3] =	wrdreg s17  }
0x60: {  	s7 =	simm.s32 $0x1F80;
	[dreg:$0x4] =	wrdreg s6  }
0x61: {  	s18 =	simm.s32 $0x3100;
	[smem:$0x73B] =	sst s7  }
0x62: {  	s19 =	simm.s32 $0x3180;
	[smem:$0x75E] =	sst s18  }
0x63: {  	s20 =	simm.s32 $0x3200;
	[smem:$0x75F] =	sst s19  }
0x64: {  	s21 =	simm.s32 $0x3280;
	[smem:$0x760] =	sst s20  }
0x65: {  	s22 =	simm.s32 $0x3300;
	[smem:$0x761] =	sst s21  }
0x66: {  	s23 =	simm.s32 $0x3380;
	[smem:$0x762] =	sst s22  }
0x67: {  	s24 =	simm.s32 $0x3400;
	[smem:$0x763] =	sst s23  }
0x68: {  	s25 =	simm.s32 $0x3480;
	[smem:$0x764] =	sst s24  }
0x69: {  	s26 =	simm.s32 $0x3500;
	[smem:$0x765] =	sst s25  }
0x6a: {  	s28 =	simm.s32 $0x3580;
	[smem:$0x766] =	sst s26  }
0x6b: {  	s29 =	simm.s32 $0x3600;
	[smem:$0x767] =	sst s28  }
0x6c: {  	s30 =	simm.s32 $0x3680;
	[smem:$0x768] =	sst s29  }
0x6d: {  	s31 =	simm.s32 $0x3700;
	[smem:$0x769] =	sst s30  }
0x6e: {  	s8 =	simm.s32 $0x3800;
	[smem:$0x76A] =	sst s31  }
0x6f: {  	s9 =	simm.s32 $0x3880;
	[smem:$0x76C] =	sst s8  }
0x70: {  	s10 =	simm.s32 $0x3900;
	[smem:$0x76D] =	sst s9  }
0x71: {  	s11 =	simm.s32 $0x3980;
	[smem:$0x76E] =	sst s10  }
0x72: {  	s12 =	simm.s32 $0x3A00;
	[smem:$0x76F] =	sst s11  }
0x73: {  	s13 =	simm.s32 $0x3A80;
	[smem:$0x770] =	sst s12  }
0x74: {  	s14 =	simm.s32 $0x3B00;
	[smem:$0x771] =	sst s13  }
0x75: {  	s15 =	simm.s32 $0x3B80;
	[smem:$0x772] =	sst s14  }
0x76: {  	s16 =	simm.s32 $0x3C00;
	[smem:$0x773] =	sst s15  }
0x77: {  	s17 =	simm.s32 $0xC80;
	[smem:$0x774] =	sst s16  }
0x78: {  	s7 =	simm.s32 $0x2B80;
	[dreg:$0x1c] =	wrdreg s17  }
0x79: {  	s18 =	simm.s32 $0x3D00;
	[smem:$0x753] =	sst s7  }
0x7a: {  	s19 =	simm.s32 $0x3D80;
	[smem:$0x776] =	sst s18  }
0x7b: {  	s20 =	simm.s32 $0x3E00;
	[smem:$0x777] =	sst s19  }
0x7c: {  	s21 =	simm.s32 $0x3E80;
	[smem:$0x778] =	sst s20  }
0x7d: {  	s22 =	simm.s32 $0x3F00;
	[smem:$0x779] =	sst s21  }
0x7e: {  	s23 =	simm.s32 $0x3F80;
	[smem:$0x77A] =	sst s22  }
0x7f: {  	s24 =	simm.s32 $0x4000;
	[smem:$0x77B] =	sst s23  }
0x80: {  	s25 =	simm.s32 $0x4080;
	[smem:$0x77C] =	sst s24  }
0x81: {  	s26 =	simm.s32 $0x4100;
	[smem:$0x77D] =	sst s25  }
0x82: {  	s28 =	simm.s32 $0x4180;
	[smem:$0x77E] =	sst s26  }
0x83: {  	s29 =	simm.s32 $0x4200;
	[smem:$0x77F] =	sst s28  }
0x84: {  	s30 =	simm.s32 $0x4280;
	[smem:$0x780] =	sst s29  }
0x85: {  	s31 =	simm.s32 $0x4300;
	[smem:$0x781] =	sst s30  }
0x86: {  	s8 =	simm.s32 $0x4400;
	[smem:$0x782] =	sst s31  }
0x87: {  	s9 =	simm.s32 $0x4480;
	[smem:$0x784] =	sst s8  }
0x88: {  	s10 =	simm.s32 $0x4500;
	[smem:$0x785] =	sst s9  }
0x89: {  	s11 =	simm.s32 $0x4580;
	[smem:$0x786] =	sst s10  }
0x8a: {  	s12 =	simm.s32 $0x4600;
	[smem:$0x787] =	sst s11  }
0x8b: {  	s13 =	simm.s32 $0x4680;
	[smem:$0x788] =	sst s12  }
0x8c: {  	s14 =	simm.s32 $0x4700;
	[smem:$0x789] =	sst s13  }
0x8d: {  	s15 =	simm.s32 $0x4780;
	[smem:$0x78A] =	sst s14  }
0x8e: {  	s16 =	simm.s32 $0x4800;
	[smem:$0x78B] =	sst s15  }
0x8f: {  	s17 =	simm.s32 $0x1880;
	[smem:$0x78C] =	sst s16  }
0x90: {  	s7 =	simm.s32 $0x3780;
	[smem:$0x72D] =	sst s17  }
0x91: {  	s18 =	simm.s32 $0x4900;
	[smem:$0x76B] =	sst s7  }
0x92: {  	s19 =	simm.s32 $0x4980;
	[smem:$0x78E] =	sst s18  }
0x93: {  	s20 =	simm.s32 $0x4A00;
	[smem:$0x78F] =	sst s19  }
0x94: {  	s21 =	simm.s32 $0x4A80;
	[smem:$0x790] =	sst s20  }
0x95: {  	s22 =	simm.s32 $0x4B00;
	[smem:$0x791] =	sst s21  }
0x96: {  	s23 =	simm.s32 $0x4B80;
	[smem:$0x792] =	sst s22  }
0x97: {  	s24 =	simm.s32 $0x4C00;
	[smem:$0x793] =	sst s23  }
0x98: {  	s25 =	simm.s32 $0x4C80;
	[smem:$0x794] =	sst s24  }
0x99: {  	s26 =	simm.s32 $0x4D00;
	[smem:$0x795] =	sst s25  }
0x9a: {  	s28 =	simm.s32 $0x4D80;
	[smem:$0x796] =	sst s26  }
0x9b: {  	s29 =	simm.s32 $0x4E00;
	[smem:$0x797] =	sst s28  }
0x9c: {  	s30 =	simm.s32 $0x4E80;
	[smem:$0x798] =	sst s29  }
0x9d: {  	s31 =	simm.s32 $0x4F00;
	[smem:$0x799] =	sst s30  }
0x9e: {  	s8 =	simm.s32 $0x5000;
	[smem:$0x79A] =	sst s31  }
0x9f: {  	s9 =	simm.s32 $0x5080;
	[smem:$0x79C] =	sst s8  }
0xa0: {  	s10 =	simm.s32 $0x5100;
	[smem:$0x79D] =	sst s9  }
0xa1: {  	s11 =	simm.s32 $0x5180;
	[smem:$0x79E] =	sst s10  }
0xa2: {  	s12 =	simm.s32 $0x5200;
	[smem:$0x79F] =	sst s11  }
0xa3: {  	s13 =	simm.s32 $0x5280;
	[smem:$0x7A0] =	sst s12  }
0xa4: {  	s14 =	simm.s32 $0x5300;
	[smem:$0x7A1] =	sst s13  }
0xa5: {  	s15 =	simm.s32 $0x5380;
	[smem:$0x7A2] =	sst s14  }
0xa6: {  	s16 =	simm.s32 $0x5400;
	[smem:$0x7A3] =	sst s15  }
0xa7: {  	s17 =	simm.s32 $0x2480;
	[smem:$0x7A4] =	sst s16  }
0xa8: {  	s7 =	simm.s32 $0x4380;
	[smem:$0x745] =	sst s17  }
0xa9: {  	s18 =	simm.s32 $0x5500;
	[smem:$0x783] =	sst s7  }
0xaa: {  	s19 =	simm.s32 $0x5580;
	[smem:$0x7A6] =	sst s18  }
0xab: {  	s20 =	simm.s32 $0x5600;
	[smem:$0x7A7] =	sst s19  }
0xac: {  	s21 =	simm.s32 $0x5680;
	[smem:$0x7A8] =	sst s20  }
0xad: {  	s22 =	simm.s32 $0x5700;
	[smem:$0x7A9] =	sst s21  }
0xae: {  	s23 =	simm.s32 $0x5780;
	[smem:$0x7AA] =	sst s22  }
0xaf: {  	s24 =	simm.s32 $0x5800;
	[smem:$0x7AB] =	sst s23  }
0xb0: {  	s25 =	simm.s32 $0x5880;
	[smem:$0x7AC] =	sst s24  }
0xb1: {  	s26 =	simm.s32 $0x5900;
	[smem:$0x7AD] =	sst s25  }
0xb2: {  	s28 =	simm.s32 $0x5980;
	[smem:$0x7AE] =	sst s26  }
0xb3: {  	s29 =	simm.s32 $0x5A00;
	[smem:$0x7AF] =	sst s28  }
0xb4: {  	s30 =	simm.s32 $0x5A80;
	[smem:$0x7B0] =	sst s29  }
0xb5: {  	s31 =	simm.s32 $0x5B00;
	[smem:$0x7B1] =	sst s30  }
0xb6: {  	s8 =	simm.s32 $0x5C00;
	[smem:$0x7B2] =	sst s31  }
0xb7: {  	s9 =	simm.s32 $0x5C80;
	[smem:$0x7B4] =	sst s8  }
0xb8: {  	s10 =	simm.s32 $0x5D00;
	[smem:$0x7B5] =	sst s9  }
0xb9: {  	s11 =	simm.s32 $0x5D80;
	[smem:$0x7B6] =	sst s10  }
0xba: {  	s12 =	simm.s32 $0x5E00;
	[smem:$0x7B7] =	sst s11  }
0xbb: {  	s13 =	simm.s32 $0x5E80;
	[smem:$0x7B8] =	sst s12  }
0xbc: {  	s14 =	simm.s32 $0x5F00;
	[smem:$0x7B9] =	sst s13  }
0xbd: {  	s15 =	simm.s32 $0x5F80;
	[smem:$0x7BA] =	sst s14  }
0xbe: {  	s16 =	simm.s32 $0x6000;
	[smem:$0x7BB] =	sst s15  }
0xbf: {  	s17 =	simm.s32 $0x3080;
	[smem:$0x7BC] =	sst s16  }
0xc0: {  	s7 =	simm.s32 $0x4F80;
	[smem:$0x75D] =	sst s17  }
0xc1: {  	s18 =	simm.s32 $0x6100;
	[smem:$0x79B] =	sst s7  }
0xc2: {  	s19 =	simm.s32 $0x6180;
	[smem:$0x7BE] =	sst s18  }
0xc3: {  	s20 =	simm.s32 $0x6200;
	[smem:$0x7BF] =	sst s19  }
0xc4: {  	s21 =	simm.s32 $0x6280;
	[smem:$0x7C0] =	sst s20  }
0xc5: {  	s22 =	simm.s32 $0x6300;
	[smem:$0x7C1] =	sst s21  }
0xc6: {  	s23 =	simm.s32 $0x6380;
	[smem:$0x7C2] =	sst s22  }
0xc7: {  	s24 =	simm.s32 $0x6400;
	[smem:$0x7C3] =	sst s23  }
0xc8: {  	s25 =	simm.s32 $0x6480;
	[smem:$0x7C4] =	sst s24  }
0xc9: {  	s26 =	simm.s32 $0x6500;
	[smem:$0x7C5] =	sst s25  }
0xca: {  	s28 =	simm.s32 $0x6580;
	[smem:$0x7C6] =	sst s26  }
0xcb: {  	s29 =	simm.s32 $0x6600;
	[smem:$0x7C7] =	sst s28  }
0xcc: {  	s30 =	simm.s32 $0x6680;
	[smem:$0x7C8] =	sst s29  }
0xcd: {  	s31 =	simm.s32 $0x6700;
	[smem:$0x7C9] =	sst s30  }
0xce: {  	s8 =	simm.s32 $0x6800;
	[smem:$0x7CA] =	sst s31  }
0xcf: {  	s9 =	simm.s32 $0x6880;
	[smem:$0x7CC] =	sst s8  }
0xd0: {  	s10 =	simm.s32 $0x6900;
	[smem:$0x7CD] =	sst s9  }
0xd1: {  	s11 =	simm.s32 $0x6980;
	[smem:$0x7CE] =	sst s10  }
0xd2: {  	s12 =	simm.s32 $0x6A00;
	[smem:$0x7CF] =	sst s11  }
0xd3: {  	s13 =	simm.s32 $0x6A80;
	[smem:$0x7D0] =	sst s12  }
0xd4: {  	s14 =	simm.s32 $0x6B00;
	[smem:$0x7D1] =	sst s13  }
0xd5: {  	s15 =	simm.s32 $0x6B80;
	[smem:$0x7D2] =	sst s14  }
0xd6: {  	s16 =	simm.s32 $0x6C00;
	[smem:$0x7D3] =	sst s15  }
0xd7: {  	s17 =	simm.s32 $0x3C80;
	[smem:$0x7D4] =	sst s16  }
0xd8: {  	s7 =	simm.s32 $0x5B80;
	[smem:$0x775] =	sst s17  }
0xd9: {  	s18 =	simm.s32 $0x6D00;
	[smem:$0x7B3] =	sst s7  }
0xda: {  	s19 =	simm.s32 $0x6D80;
	[smem:$0x7D6] =	sst s18  }
0xdb: {  	s20 =	simm.s32 $0x6E00;
	[smem:$0x7D7] =	sst s19  }
0xdc: {  	s21 =	simm.s32 $0x6E80;
	[smem:$0x7D8] =	sst s20  }
0xdd: {  	s22 =	simm.s32 $0x6F00;
	[smem:$0x7D9] =	sst s21  }
0xde: {  	s23 =	simm.s32 $0x6F80;
	[smem:$0x7DA] =	sst s22  }
0xdf: {  	s24 =	simm.s32 $0x7000;
	[smem:$0x7DB] =	sst s23  }
0xe0: {  	s25 =	simm.s32 $0x7080;
	[smem:$0x7DC] =	sst s24  }
0xe1: {  	s26 =	simm.s32 $0x7100;
	[smem:$0x7DD] =	sst s25  }
0xe2: {  	s28 =	simm.s32 $0x7180;
	[smem:$0x7DE] =	sst s26  }
0xe3: {  	s29 =	simm.s32 $0x7200;
	[smem:$0x7DF] =	sst s28  }
0xe4: {  	s30 =	simm.s32 $0x7280;
	[smem:$0x7E0] =	sst s29  }
0xe5: {  	s31 =	simm.s32 $0x7300;
	[smem:$0x7E1] =	sst s30  }
0xe6: {  	s8 =	simm.s32 $0x7400;
	[smem:$0x7E2] =	sst s31  }
0xe7: {  	s9 =	simm.s32 $0x7480;
	[smem:$0x7E4] =	sst s8  }
0xe8: {  	s10 =	simm.s32 $0x7500;
	[smem:$0x7E5] =	sst s9  }
0xe9: {  	s11 =	simm.s32 $0x7580;
	[smem:$0x7E6] =	sst s10  }
0xea: {  	s12 =	simm.s32 $0x7600;
	[smem:$0x7E7] =	sst s11  }
0xeb: {  	s13 =	simm.s32 $0x7680;
	[smem:$0x7E8] =	sst s12  }
0xec: {  	s14 =	simm.s32 $0x7700;
	[smem:$0x7E9] =	sst s13  }
0xed: {  	s15 =	simm.s32 $0x7780;
	[smem:$0x7EA] =	sst s14  }
0xee: {  	s16 =	simm.s32 $0x7800;
	[smem:$0x7EB] =	sst s15  }
0xef: {  	s17 =	simm.s32 $0x4880;
	[smem:$0x7EC] =	sst s16  }
0xf0: {  	s7 =	simm.s32 $0x6780;
	[smem:$0x78D] =	sst s17  }
0xf1: {  	s18 =	simm.s32 $0x7900;
	[smem:$0x7CB] =	sst s7  }
0xf2: {  	s19 =	simm.s32 $0x7980;
	[smem:$0x7EE] =	sst s18  }
0xf3: {  	s20 =	simm.s32 $0x7A00;
	[smem:$0x7EF] =	sst s19  }
0xf4: {  	s21 =	simm.s32 $0x7A80;
	[smem:$0x7F0] =	sst s20  }
0xf5: {  	s22 =	simm.s32 $0x7B00;
	[smem:$0x7F1] =	sst s21  }
0xf6: {  	s23 =	simm.s32 $0x7B80;
	[smem:$0x7F2] =	sst s22  }
0xf7: {  	v0 =	vimm.s32 $0x3F80;
	vm0 =	vcmask $0x300;
	v1 =	vimm.s32 $0x7F80;
	s24 =	simm.s32 $0x7C00;
	[smem:$0x7F3] =	sst s23  }
0xf8: {  	vm1 =	vcmask $0x704;
	v0 =	vsel vm0, $0x0, v0;
	v1 =	vsel vm0, $0x4000, v1;
	s25 =	simm.s32 $0x7C80;
	[smem:$0x7F4] =	sst s24  }
0xf9: {  	vm15 =	vcmask $0xB08;
	v0 =	vsel vm1, $0x480, v0;
	v1 =	vsel vm1, $0x4480, v1;
	s28 =	simm.s32 $0x7D00;
	[smem:$0x7F5] =	sst s25  }
0xfa: {  	vm4 =	vcmask $0xF0C;
	v0 =	vsel vm15, $0x900, v0;
	v1 =	vsel vm15, $0x4900, v1;
	s29 =	simm.s32 $0x7D80;
	[smem:$0x7F6] =	sst s28  }
0xfb: {  	vm5 =	vcmask $0x1310;
	v0 =	vsel vm4, $0xD80, v0;
	v1 =	vsel vm4, $0x4D80, v1;
	s30 =	simm.s32 $0x7E00;
	[smem:$0x7F7] =	sst s29  }
0xfc: {  	vm6 =	vcmask $0x1714;
	v0 =	vsel vm5, $0x1200, v0;
	v1 =	vsel vm5, $0x5200, v1;
	s31 =	simm.s32 $0x7F80;
	[smem:$0x7F8] =	sst s30  }
0xfd: {  	vm7 =	vcmask $0x1B18;
	s4 =	smul.u32 $0xC3800, s4;
	v0 =	vsel vm6, $0x1680, v0;
	v1 =	vsel vm6, $0x5680, v1;
	s9 =	simm.s32 $0x7E80;
	[smem:$0x7F9] =	sst s31  }
0xfe: {  	vm8 =	vcmask $0x1F1C;
	s5 =	ssub.s32 $0x2, s5;
	v0 =	vsel vm7, $0x1B00, v0;
	v1 =	vsel vm7, $0x5B00, v1;
	s10 =	simm.s32 $0x7F00;
	[smem:$0x7FA] =	sst s9  }
0xff: {  	vm9 =	vcmask $0x2320;
	s6 =	sadd.s32 $0x187000, s4;
	v0 =	vsel vm8, $0x1F80, v0;
	v1 =	vsel vm8, $0x5F80, v1;
	s11 =	simm.s32 $0x8000;
	[smem:$0x7FB] =	sst s10  }
0x100: {  	vm10 =	vcmask $0x2724;
	v0 =	vsel vm9, $0x2000, v0;
	v1 =	vsel vm9, $0x6000, v1;
	s26 =	sshrl.u32 s5, $0x1;
	s12 =	simm.s32 $0x8080;
	[smem:$0x7FC] =	sst s11  }
0x101: {  	vm11 =	vcmask $0x2B28;
	v0 =	vsel vm10, $0x2480, v0;
	v1 =	vsel vm10, $0x6480, v1;
	s17 =	simm.s32 $0x5480;
	s7 =	simm.s32 $0x7380;
	[smem:$0x7FD] =	sst s12  }
0x102: {  	vm12 =	vcmask $0x2F2C;
	v0 =	vsel vm11, $0x2900, v0;
	v1 =	vsel vm11, $0x6900, v1;
	s8 =	ssub.s32 s5, s26;
	s5 =	sadd.s32 $0xC3800, s4;
	[smem:$0x7A5] =	sst s17  }
0x103: {  	vm13 =	vcmask $0x3330;
	v0 =	vsel vm12, $0x2D80, v0;
	v1 =	vsel vm12, $0x6D80, v1;
	s9 =	simm.s32 $0x2;
	s17 =	simm.s32 $0x6080;
	[smem:$0x7E3] =	sst s7  }
0x104: {  	vm14 =	vcmask $0x3734;
	s10 =	simm.s32 $0x80;
	v0 =	vsel vm13, $0x3200, v0;
	v1 =	vsel vm13, $0x7200, v1;
	[smem:$0x7BD] =	sst s17;
	s17 =	simm.s32 $0x6C80  }
0x105: {  	vm15 =	vcmask $0x3B38;
	s11 =	simm.s32 $0x1;
	v1 =	vsel vm14, $0x7680, v1;
	v0 =	vsel vm14, $0x3680, v0;
	[smem:$0x7D5] =	sst s17;
	s17 =	simm.s32 $0x7880  }
0x106: {  	s7 =	sadd.s32 $0x24A800, s4;
	s8 =	smax.u32 s8, $0x1;
	v0 =	vsel vm15, $0x3B00, v0;
	v1 =	vsel vm15, $0x7B00, v1;
	[smem:$0x7ED] =	sst s17  }
.LBB2_1:
0x107: {  	s12 =	rddreg [dreg:$0x3]  }
0x108: {  	[tilespmem:s3], [sflag:$0x2] =	stream.linear.gather [hbm4b:s12+s3], $0x20, $0x38;
	[tilespmem:$0x8100] =	vst v63  }
0x109: {  	_ =	swait.ge [sflag:s9], $0x20  }
0x10a: {  	[sflag:s9] =	ssyncset.done $0x0  }
0x10b: {  	[sflag:s9] =	ssyncadd.s32 $0xFFFFFFE0  }
0x10c: {  	v2 =	vld [tilespmem:$0x0];
	_ =	sdelay $0x4  }
0x10d: {  	(v2sf) =	vpush v2, $0x0;
	_ =	sdelay $0xe  }
0x10e: {  	s19 =	spop (v2sf)  }
0x10f: {  	(v2sf) =	vpush v2, $0x1;
	s13 =	sshll.u32 s19, $0x3  }
0x110: {  	s13 =	sand.u32 $0xFFFFFC00, s13  }
0x111: {  	s12 =	sand.u32 $0x70, s19;
	s13 =	sadd.s32 s4, s13  }
0x112: {  	s12 =	sor.u32 s12, s13  }
0x113: {  	s12 =	sshrl.u32 s12, $0x3  }
0x114: {  	s12 =	sadd.s32 s2, s12  }
0x115: {  	v3 =	vld [tilespmem:$0x10];
	[tilespmem:s10], [sflag:$0x1] =	stream.linear.gather [hbm4b:s12+s3], $0x10, $0x38  }
0x116: {  	s20 =	rddreg [dreg:$0x5];
	s14 =	sadd.s32 $0x10, s12  }
0x117: {  	[tilespmem:s20], [sflag:$0x1] =	stream.linear.gather [hbm4b:s14+s3], $0x10, $0x38;
	[tilespmem:$0x8100] =	vst v63  }
0x118: {  	s15 =	rddreg [dreg:$0x6];
	s21 =	sadd.s32 $0x20, s12  }
0x119: {  	[tilespmem:s15], [sflag:$0x1] =	stream.linear.gather [hbm4b:s21+s3], $0x10, $0x38;
	[tilespmem:$0x8100] =	vst v63  }
0x11a: {  	s22 =	rddreg [dreg:$0x7];
	s23 =	sadd.s32 $0x30, s12  }
0x11b: {  	[tilespmem:s22], [sflag:$0x1] =	stream.linear.gather [hbm4b:s23+s3], $0x10, $0x38;
	[tilespmem:$0x8100] =	vst v63  }
0x11c: {  	s24 =	rddreg [dreg:$0x8];
	s25 =	sadd.s32 $0x40, s12  }
0x11d: {  	[tilespmem:s24], [sflag:$0x1] =	stream.linear.gather [hbm4b:s25+s3], $0x10, $0x38;
	[tilespmem:$0x8100] =	vst v63  }
0x11e: {  	s26 =	rddreg [dreg:$0x9];
	s28 =	sadd.s32 $0x50, s12;
	s15 =	spop (v2sf)  }
0x11f: {  	[tilespmem:s26], [sflag:$0x1] =	stream.linear.gather [hbm4b:s28+s3], $0x10, $0x38;
	[tilespmem:$0x8100] =	vst v63  }
0x120: {  	s29 =	rddreg [dreg:$0xa];
	s30 =	sadd.s32 $0x60, s12;
	s16 =	sshll.u32 s15, $0x3  }
0x121: {  	[tilespmem:s29], [sflag:$0x1] =	stream.linear.gather [hbm4b:s30+s3], $0x10, $0x38;
	[tilespmem:$0x8100] =	vst v63  }
0x122: {  	s31 =	rddreg [dreg:$0xb];
	s12 =	sadd.s32 $0x70, s12;
	(v2sf) =	vpush v2, $0x2;
	s13 =	sand.u32 $0xFFFFFC00, s16  }
0x123: {  	[tilespmem:s31], [sflag:$0x1] =	stream.linear.gather [hbm4b:s12+s3], $0x10, $0x38;
	[tilespmem:$0x8100] =	vst v63  }
0x124: {  	s13 =	sadd.s32 s4, s13;
	s12 =	sand.u32 $0x70, s15  }
0x125: {  	s12 =	sor.u32 s12, s13  }
0x126: {  	s12 =	sshrl.u32 s12, $0x3  }
0x127: {  	s17 =	rddreg [dreg:$0xc];
	s12 =	sadd.s32 s2, s12  }
0x128: {  	[tilespmem:s17], [sflag:$0x1] =	stream.linear.gather [hbm4b:s12+s3], $0x10, $0x38;
	[tilespmem:$0x8100] =	vst v63  }
0x129: {  	s18 =	rddreg [dreg:$0xd];
	s19 =	sadd.s32 $0x10, s12  }
0x12a: {  	[tilespmem:s18], [sflag:$0x1] =	stream.linear.gather [hbm4b:s19+s3], $0x10, $0x38;
	[tilespmem:$0x8100] =	vst v63  }
0x12b: {  	s20 =	rddreg [dreg:$0xe];
	s21 =	sadd.s32 $0x20, s12  }
0x12c: {  	[tilespmem:s20], [sflag:$0x1] =	stream.linear.gather [hbm4b:s21+s3], $0x10, $0x38;
	[tilespmem:$0x8100] =	vst v63  }
0x12d: {  	s22 =	rddreg [dreg:$0xf];
	s23 =	sadd.s32 $0x30, s12  }
0x12e: {  	[tilespmem:s22], [sflag:$0x1] =	stream.linear.gather [hbm4b:s23+s3], $0x10, $0x38;
	[tilespmem:$0x8100] =	vst v63  }
0x12f: {  	s24 =	rddreg [dreg:$0x10];
	s25 =	sadd.s32 $0x40, s12  }
0x130: {  	[tilespmem:s24], [sflag:$0x1] =	stream.linear.gather [hbm4b:s25+s3], $0x10, $0x38;
	[tilespmem:$0x8100] =	vst v63  }
0x131: {  	s26 =	rddreg [dreg:$0x11];
	s28 =	sadd.s32 $0x50, s12;
	s15 =	spop (v2sf)  }
0x132: {  	[tilespmem:s26], [sflag:$0x1] =	stream.linear.gather [hbm4b:s28+s3], $0x10, $0x38;
	[tilespmem:$0x8100] =	vst v63  }
0x133: {  	s29 =	rddreg [dreg:$0x12];
	s30 =	sadd.s32 $0x60, s12;
	s16 =	sshll.u32 s15, $0x3  }
0x134: {  	[tilespmem:s29], [sflag:$0x1] =	stream.linear.gather [hbm4b:s30+s3], $0x10, $0x38;
	[tilespmem:$0x8100] =	vst v63  }
0x135: {  	s31 =	rddreg [dreg:$0x13];
	s12 =	sadd.s32 $0x70, s12;
	(v2sf) =	vpush v2, $0x3;
	s13 =	sand.u32 $0xFFFFFC00, s16  }
0x136: {  	[tilespmem:s31], [sflag:$0x1] =	stream.linear.gather [hbm4b:s12+s3], $0x10, $0x38;
	[tilespmem:$0x8100] =	vst v63  }
0x137: {  	s13 =	sadd.s32 s4, s13;
	s12 =	sand.u32 $0x70, s15  }
0x138: {  	s12 =	sor.u32 s12, s13  }
0x139: {  	s12 =	sshrl.u32 s12, $0x3  }
0x13a: {  	s17 =	rddreg [dreg:$0x14];
	s12 =	sadd.s32 s2, s12  }
0x13b: {  	[tilespmem:s17], [sflag:$0x1] =	stream.linear.gather [hbm4b:s12+s3], $0x10, $0x38;
	[tilespmem:$0x8100] =	vst v63  }
0x13c: {  	s18 =	rddreg [dreg:$0x15];
	s19 =	sadd.s32 $0x10, s12  }
0x13d: {  	[tilespmem:s18], [sflag:$0x1] =	stream.linear.gather [hbm4b:s19+s3], $0x10, $0x38;
	[tilespmem:$0x8100] =	vst v63  }
0x13e: {  	s20 =	rddreg [dreg:$0x16];
	s21 =	sadd.s32 $0x20, s12  }
0x13f: {  	[tilespmem:s20], [sflag:$0x1] =	stream.linear.gather [hbm4b:s21+s3], $0x10, $0x38;
	[tilespmem:$0x8100] =	vst v63  }
0x140: {  	s22 =	rddreg [dreg:$0x17];
	s23 =	sadd.s32 $0x30, s12  }
0x141: {  	[tilespmem:s22], [sflag:$0x1] =	stream.linear.gather [hbm4b:s23+s3], $0x10, $0x38;
	[tilespmem:$0x8100] =	vst v63  }
0x142: {  	s24 =	rddreg [dreg:$0x18];
	s25 =	sadd.s32 $0x40, s12  }
0x143: {  	[tilespmem:s24], [sflag:$0x1] =	stream.linear.gather [hbm4b:s25+s3], $0x10, $0x38;
	[tilespmem:$0x8100] =	vst v63  }
0x144: {  	s26 =	rddreg [dreg:$0x19];
	s28 =	sadd.s32 $0x50, s12;
	s15 =	spop (v2sf)  }
0x145: {  	[tilespmem:s26], [sflag:$0x1] =	stream.linear.gather [hbm4b:s28+s3], $0x10, $0x38;
	[tilespmem:$0x8100] =	vst v63  }
0x146: {  	s29 =	rddreg [dreg:$0x1a];
	s30 =	sadd.s32 $0x60, s12;
	s16 =	sshll.u32 s15, $0x3  }
0x147: {  	[tilespmem:s29], [sflag:$0x1] =	stream.linear.gather [hbm4b:s30+s3], $0x10, $0x38;
	[tilespmem:$0x8100] =	vst v63  }
0x148: {  	s31 =	rddreg [dreg:$0x1b];
	s12 =	sadd.s32 $0x70, s12;
	(v2sf) =	vpush v2, $0x4;
	s13 =	sand.u32 $0xFFFFFC00, s16  }
0x149: {  	[tilespmem:s31], [sflag:$0x1] =	stream.linear.gather [hbm4b:s12+s3], $0x10, $0x38;
	[tilespmem:$0x8100] =	vst v63  }
0x14a: {  	s13 =	sadd.s32 s4, s13;
	s12 =	sand.u32 $0x70, s15  }
0x14b: {  	s12 =	sor.u32 s12, s13  }
0x14c: {  	s17 =	rddreg [dreg:$0x1c];
	s12 =	sshrl.u32 s12, $0x3  }
0x14d: {  	s18 =	rddreg [dreg:$0x1d];
	s12 =	sadd.s32 s2, s12  }
0x14e: {  	[tilespmem:s17], [sflag:$0x1] =	stream.linear.gather [hbm4b:s12+s3], $0x10, $0x38;
	[tilespmem:$0x8100] =	vst v63  }
0x14f: {  	s20 =	rddreg [dreg:$0x1e];
	s19 =	sadd.s32 $0x10, s12  }
0x150: {  	[tilespmem:s18], [sflag:$0x1] =	stream.linear.gather [hbm4b:s19+s3], $0x10, $0x38;
	[tilespmem:$0x8100] =	vst v63  }
0x151: {  	s22 =	rddreg [dreg:$0x1f];
	s21 =	sadd.s32 $0x20, s12  }
0x152: {  	[tilespmem:s20], [sflag:$0x1] =	stream.linear.gather [hbm4b:s21+s3], $0x10, $0x38;
	[tilespmem:$0x8100] =	vst v63  }
0x153: {  	s24 =	sld [smem:$0x719];
	s23 =	sadd.s32 $0x30, s12  }
0x154: {  	[tilespmem:s22], [sflag:$0x1] =	stream.linear.gather [hbm4b:s23+s3], $0x10, $0x38;
	[tilespmem:$0x8100] =	vst v63  }
0x155: {  	s26 =	sld [smem:$0x71A];
	s25 =	sadd.s32 $0x40, s12  }
0x156: {  	[tilespmem:s24], [sflag:$0x1] =	stream.linear.gather [hbm4b:s25+s3], $0x10, $0x38;
	[tilespmem:$0x8100] =	vst v63  }
0x157: {  	s29 =	sld [smem:$0x71B];
	s15 =	spop (v2sf);
	s28 =	sadd.s32 $0x50, s12  }
0x158: {  	[tilespmem:s26], [sflag:$0x1] =	stream.linear.gather [hbm4b:s28+s3], $0x10, $0x38;
	[tilespmem:$0x8100] =	vst v63  }
0x159: {  	s31 =	sld [smem:$0x71C];
	s30 =	sadd.s32 $0x60, s12;
	s16 =	sshll.u32 s15, $0x3  }
0x15a: {  	[tilespmem:s29], [sflag:$0x1] =	stream.linear.gather [hbm4b:s30+s3], $0x10, $0x38;
	[tilespmem:$0x8100] =	vst v63  }
0x15b: {  	(v2sf) =	vpush v2, $0x5;
	s12 =	sadd.s32 $0x70, s12;
	s13 =	sand.u32 $0xFFFFFC00, s16  }
0x15c: {  	[tilespmem:s31], [sflag:$0x1] =	stream.linear.gather [hbm4b:s12+s3], $0x10, $0x38;
	[tilespmem:$0x8100] =	vst v63  }
0x15d: {  	s13 =	sadd.s32 s4, s13;
	s12 =	sand.u32 $0x70, s15  }
0x15e: {  	s17 =	sld [smem:$0x71D];
	s12 =	sor.u32 s12, s13  }
0x15f: {  	s12 =	sshrl.u32 s12, $0x3  }
0x160: {  	s18 =	sld [smem:$0x71E];
	s12 =	sadd.s32 s2, s12  }
0x161: {  	[tilespmem:s17], [sflag:$0x1] =	stream.linear.gather [hbm4b:s12+s3], $0x10, $0x38;
	[tilespmem:$0x8100] =	vst v63  }
0x162: {  	s20 =	sld [smem:$0x71F];
	s19 =	sadd.s32 $0x10, s12  }
0x163: {  	[tilespmem:s18], [sflag:$0x1] =	stream.linear.gather [hbm4b:s19+s3], $0x10, $0x38;
	[tilespmem:$0x8100] =	vst v63  }
0x164: {  	s22 =	sld [smem:$0x720];
	s21 =	sadd.s32 $0x20, s12  }
0x165: {  	[tilespmem:s20], [sflag:$0x1] =	stream.linear.gather [hbm4b:s21+s3], $0x10, $0x38;
	[tilespmem:$0x8100] =	vst v63  }
0x166: {  	s24 =	sld [smem:$0x721];
	s23 =	sadd.s32 $0x30, s12  }
0x167: {  	[tilespmem:s22], [sflag:$0x1] =	stream.linear.gather [hbm4b:s23+s3], $0x10, $0x38;
	[tilespmem:$0x8100] =	vst v63  }
0x168: {  	s26 =	sld [smem:$0x722];
	s25 =	sadd.s32 $0x40, s12  }
0x169: {  	[tilespmem:s24], [sflag:$0x1] =	stream.linear.gather [hbm4b:s25+s3], $0x10, $0x38;
	[tilespmem:$0x8100] =	vst v63  }
0x16a: {  	s29 =	sld [smem:$0x723];
	s15 =	spop (v2sf);
	s28 =	sadd.s32 $0x50, s12  }
0x16b: {  	[tilespmem:s26], [sflag:$0x1] =	stream.linear.gather [hbm4b:s28+s3], $0x10, $0x38;
	[tilespmem:$0x8100] =	vst v63  }
0x16c: {  	s31 =	sld [smem:$0x724];
	s16 =	sshll.u32 s15, $0x3;
	s30 =	sadd.s32 $0x60, s12  }
0x16d: {  	[tilespmem:s29], [sflag:$0x1] =	stream.linear.gather [hbm4b:s30+s3], $0x10, $0x38;
	[tilespmem:$0x8100] =	vst v63  }
0x16e: {  	(v2sf) =	vpush v2, $0x6;
	s13 =	sand.u32 $0xFFFFFC00, s16;
	s12 =	sadd.s32 $0x70, s12  }
0x16f: {  	[tilespmem:s31], [sflag:$0x1] =	stream.linear.gather [hbm4b:s12+s3], $0x10, $0x38;
	[tilespmem:$0x8100] =	vst v63  }
0x170: {  	s13 =	sadd.s32 s4, s13;
	s12 =	sand.u32 $0x70, s15  }
0x171: {  	s17 =	sld [smem:$0x725];
	s12 =	sor.u32 s12, s13  }
0x172: {  	s12 =	sshrl.u32 s12, $0x3  }
0x173: {  	s18 =	sld [smem:$0x726];
	s12 =	sadd.s32 s2, s12  }
0x174: {  	[tilespmem:s17], [sflag:$0x1] =	stream.linear.gather [hbm4b:s12+s3], $0x10, $0x38;
	[tilespmem:$0x8100] =	vst v63  }
0x175: {  	s20 =	sld [smem:$0x727];
	s19 =	sadd.s32 $0x10, s12  }
0x176: {  	[tilespmem:s18], [sflag:$0x1] =	stream.linear.gather [hbm4b:s19+s3], $0x10, $0x38;
	[tilespmem:$0x8100] =	vst v63  }
0x177: {  	s22 =	sld [smem:$0x728];
	s21 =	sadd.s32 $0x20, s12  }
0x178: {  	[tilespmem:s20], [sflag:$0x1] =	stream.linear.gather [hbm4b:s21+s3], $0x10, $0x38;
	[tilespmem:$0x8100] =	vst v63  }
0x179: {  	s24 =	sld [smem:$0x729];
	s23 =	sadd.s32 $0x30, s12  }
0x17a: {  	[tilespmem:s22], [sflag:$0x1] =	stream.linear.gather [hbm4b:s23+s3], $0x10, $0x38;
	[tilespmem:$0x8100] =	vst v63  }
0x17b: {  	s26 =	sld [smem:$0x72A];
	s25 =	sadd.s32 $0x40, s12  }
0x17c: {  	[tilespmem:s24], [sflag:$0x1] =	stream.linear.gather [hbm4b:s25+s3], $0x10, $0x38;
	[tilespmem:$0x8100] =	vst v63  }
0x17d: {  	s29 =	sld [smem:$0x72B];
	s15 =	spop (v2sf);
	s28 =	sadd.s32 $0x50, s12  }
0x17e: {  	[tilespmem:s26], [sflag:$0x1] =	stream.linear.gather [hbm4b:s28+s3], $0x10, $0x38;
	[tilespmem:$0x8100] =	vst v63  }
0x17f: {  	s31 =	sld [smem:$0x72C];
	s16 =	sshll.u32 s15, $0x3;
	s30 =	sadd.s32 $0x60, s12  }
0x180: {  	[tilespmem:s29], [sflag:$0x1] =	stream.linear.gather [hbm4b:s30+s3], $0x10, $0x38;
	[tilespmem:$0x8100] =	vst v63  }
0x181: {  	(v2sf) =	vpush v2, $0x7;
	s13 =	sand.u32 $0xFFFFFC00, s16;
	s12 =	sadd.s32 $0x70, s12  }
0x182: {  	[tilespmem:s31], [sflag:$0x1] =	stream.linear.gather [hbm4b:s12+s3], $0x10, $0x38;
	[tilespmem:$0x8100] =	vst v63  }
0x183: {  	s13 =	sadd.s32 s4, s13;
	s12 =	sand.u32 $0x70, s15  }
0x184: {  	s17 =	sld [smem:$0x72D];
	s12 =	sor.u32 s12, s13  }
0x185: {  	s12 =	sshrl.u32 s12, $0x3  }
0x186: {  	s18 =	sld [smem:$0x72E];
	s12 =	sadd.s32 s2, s12  }
0x187: {  	[tilespmem:s17], [sflag:$0x1] =	stream.linear.gather [hbm4b:s12+s3], $0x10, $0x38;
	[tilespmem:$0x8100] =	vst v63  }
0x188: {  	s20 =	sld [smem:$0x72F];
	s19 =	sadd.s32 $0x10, s12  }
0x189: {  	[tilespmem:s18], [sflag:$0x1] =	stream.linear.gather [hbm4b:s19+s3], $0x10, $0x38;
	[tilespmem:$0x8100] =	vst v63  }
0x18a: {  	s22 =	sld [smem:$0x730];
	s21 =	sadd.s32 $0x20, s12  }
0x18b: {  	[tilespmem:s20], [sflag:$0x1] =	stream.linear.gather [hbm4b:s21+s3], $0x10, $0x38;
	[tilespmem:$0x8100] =	vst v63  }
0x18c: {  	s24 =	sld [smem:$0x731];
	s23 =	sadd.s32 $0x30, s12  }
0x18d: {  	[tilespmem:s22], [sflag:$0x1] =	stream.linear.gather [hbm4b:s23+s3], $0x10, $0x38;
	[tilespmem:$0x8100] =	vst v63  }
0x18e: {  	s26 =	sld [smem:$0x732];
	s25 =	sadd.s32 $0x40, s12  }
0x18f: {  	[tilespmem:s24], [sflag:$0x1] =	stream.linear.gather [hbm4b:s25+s3], $0x10, $0x38;
	[tilespmem:$0x8100] =	vst v63  }
0x190: {  	s29 =	sld [smem:$0x733];
	s15 =	spop (v2sf);
	s28 =	sadd.s32 $0x50, s12  }
0x191: {  	[tilespmem:s26], [sflag:$0x1] =	stream.linear.gather [hbm4b:s28+s3], $0x10, $0x38;
	[tilespmem:$0x8100] =	vst v63  }
0x192: {  	s31 =	sld [smem:$0x734];
	s16 =	sshll.u32 s15, $0x3;
	s30 =	sadd.s32 $0x60, s12  }
0x193: {  	[tilespmem:s29], [sflag:$0x1] =	stream.linear.gather [hbm4b:s30+s3], $0x10, $0x38;
	[tilespmem:$0x8100] =	vst v63  }
0x194: {  	(v2sf) =	vpush v2, $0x8;
	s13 =	sand.u32 $0xFFFFFC00, s16;
	s12 =	sadd.s32 $0x70, s12  }
0x195: {  	[tilespmem:s31], [sflag:$0x1] =	stream.linear.gather [hbm4b:s12+s3], $0x10, $0x38;
	[tilespmem:$0x8100] =	vst v63  }
0x196: {  	s13 =	sadd.s32 s4, s13;
	s12 =	sand.u32 $0x70, s15  }
0x197: {  	s17 =	sld [smem:$0x735];
	s12 =	sor.u32 s12, s13  }
0x198: {  	s12 =	sshrl.u32 s12, $0x3  }
0x199: {  	s18 =	sld [smem:$0x736];
	s12 =	sadd.s32 s2, s12  }
0x19a: {  	[tilespmem:s17], [sflag:$0x1] =	stream.linear.gather [hbm4b:s12+s3], $0x10, $0x38;
	[tilespmem:$0x8100] =	vst v63  }
0x19b: {  	s20 =	sld [smem:$0x737];
	s19 =	sadd.s32 $0x10, s12  }
0x19c: {  	[tilespmem:s18], [sflag:$0x1] =	stream.linear.gather [hbm4b:s19+s3], $0x10, $0x38;
	[tilespmem:$0x8100] =	vst v63  }
0x19d: {  	s22 =	sld [smem:$0x738];
	s21 =	sadd.s32 $0x20, s12  }
0x19e: {  	[tilespmem:s20], [sflag:$0x1] =	stream.linear.gather [hbm4b:s21+s3], $0x10, $0x38;
	[tilespmem:$0x8100] =	vst v63  }
0x19f: {  	s24 =	sld [smem:$0x739];
	s23 =	sadd.s32 $0x30, s12  }
0x1a0: {  	[tilespmem:s22], [sflag:$0x1] =	stream.linear.gather [hbm4b:s23+s3], $0x10, $0x38;
	[tilespmem:$0x8100] =	vst v63  }
0x1a1: {  	s26 =	sld [smem:$0x73A];
	s25 =	sadd.s32 $0x40, s12  }
0x1a2: {  	[tilespmem:s24], [sflag:$0x1] =	stream.linear.gather [hbm4b:s25+s3], $0x10, $0x38;
	[tilespmem:$0x8100] =	vst v63  }
0x1a3: {  	s16 =	spop (v2sf);
	s29 =	sld [smem:$0x73B];
	s28 =	sadd.s32 $0x50, s12  }
0x1a4: {  	[tilespmem:s26], [sflag:$0x1] =	stream.linear.gather [hbm4b:s28+s3], $0x10, $0x38;
	[tilespmem:$0x8100] =	vst v63  }
0x1a5: {  	s31 =	sld [smem:$0x73C];
	s30 =	sadd.s32 $0x60, s12;
	s17 =	sshll.u32 s16, $0x3  }
0x1a6: {  	[tilespmem:s29], [sflag:$0x1] =	stream.linear.gather [hbm4b:s30+s3], $0x10, $0x38;
	[tilespmem:$0x8100] =	vst v63  }
0x1a7: {  	s12 =	sadd.s32 $0x70, s12;
	s13 =	sand.u32 $0xFFFFFC00, s17  }
0x1a8: {  	[tilespmem:s31], [sflag:$0x1] =	stream.linear.gather [hbm4b:s12+s3], $0x10, $0x38;
	[tilespmem:$0x8100] =	vst v63  }
0x1a9: {  	s13 =	sadd.s32 s5, s13;
	s12 =	sand.u32 $0x70, s16  }
0x1aa: {  	s18 =	sld [smem:$0x73D];
	s12 =	sor.u32 s12, s13  }
0x1ab: {  	s12 =	sshrl.u32 s12, $0x3  }
0x1ac: {  	s19 =	sld [smem:$0x73E];
	s12 =	sadd.s32 s2, s12  }
0x1ad: {  	[tilespmem:s18], [sflag:$0x1] =	stream.linear.gather [hbm4b:s12+s3], $0x10, $0x38;
	[tilespmem:$0x8100] =	vst v63  }
0x1ae: {  	s20 =	sadd.s32 $0x10, s12  }
0x1af: {  	[tilespmem:s19], [sflag:$0x1] =	stream.linear.gather [hbm4b:s20+s3], $0x10, $0x38;
	[tilespmem:$0x8100] =	vst v63  }
0x1b0: {  	(v2sf) =	vpush v2, $0x9  }
0x1b1: {  	s13 =	sld [smem:$0x73F];
	_ =	sdelay $0x1  }
0x1b2: {  	s21 =	sadd.s32 $0x20, s12;
	s22 =	sld [smem:$0x740]  }
0x1b3: {  	[tilespmem:s13], [sflag:$0x1] =	stream.linear.gather [hbm4b:s21+s3], $0x10, $0x38;
	[tilespmem:$0x8100] =	vst v63  }
0x1b4: {  	s23 =	sadd.s32 $0x30, s12;
	s24 =	sld [smem:$0x741]  }
0x1b5: {  	[tilespmem:s22], [sflag:$0x1] =	stream.linear.gather [hbm4b:s23+s3], $0x10, $0x38;
	[tilespmem:$0x8100] =	vst v63  }
0x1b6: {  	s25 =	sadd.s32 $0x40, s12;
	s26 =	sld [smem:$0x742]  }
0x1b7: {  	[tilespmem:s24], [sflag:$0x1] =	stream.linear.gather [hbm4b:s25+s3], $0x10, $0x38;
	[tilespmem:$0x8100] =	vst v63  }
0x1b8: {  	s28 =	sadd.s32 $0x50, s12;
	s29 =	sld [smem:$0x743]  }
0x1b9: {  	[tilespmem:s26], [sflag:$0x1] =	stream.linear.gather [hbm4b:s28+s3], $0x10, $0x38;
	[tilespmem:$0x8100] =	vst v63  }
0x1ba: {  	s30 =	sadd.s32 $0x60, s12;
	s31 =	sld [smem:$0x744]  }
0x1bb: {  	[tilespmem:s29], [sflag:$0x1] =	stream.linear.gather [hbm4b:s30+s3], $0x10, $0x38;
	[tilespmem:$0x8100] =	vst v63  }
0x1bc: {  	s12 =	sadd.s32 $0x70, s12  }
0x1bd: {  	[tilespmem:s31], [sflag:$0x1] =	stream.linear.gather [hbm4b:s12+s3], $0x10, $0x38;
	[tilespmem:$0x8100] =	vst v63  }
0x1be: {  	s15 =	spop (v2sf)  }
0x1bf: {  	(v2sf) =	vpush v2, $0xA;
	s16 =	sshll.u32 s15, $0x3  }
0x1c0: {  	s13 =	sand.u32 $0xFFFFFC00, s16  }
0x1c1: {  	s12 =	sand.u32 $0x70, s15;
	s13 =	sadd.s32 s5, s13  }
0x1c2: {  	s17 =	sld [smem:$0x745];
	s12 =	sor.u32 s12, s13  }
0x1c3: {  	s12 =	sshrl.u32 s12, $0x3  }
0x1c4: {  	s18 =	sld [smem:$0x746];
	s12 =	sadd.s32 s2, s12  }
0x1c5: {  	[tilespmem:s17], [sflag:$0x1] =	stream.linear.gather [hbm4b:s12+s3], $0x10, $0x38;
	[tilespmem:$0x8100] =	vst v63  }
0x1c6: {  	s20 =	sld [smem:$0x747];
	s19 =	sadd.s32 $0x10, s12  }
0x1c7: {  	[tilespmem:s18], [sflag:$0x1] =	stream.linear.gather [hbm4b:s19+s3], $0x10, $0x38;
	[tilespmem:$0x8100] =	vst v63  }
0x1c8: {  	s22 =	sld [smem:$0x748];
	s21 =	sadd.s32 $0x20, s12  }
0x1c9: {  	[tilespmem:s20], [sflag:$0x1] =	stream.linear.gather [hbm4b:s21+s3], $0x10, $0x38;
	[tilespmem:$0x8100] =	vst v63  }
0x1ca: {  	s24 =	sld [smem:$0x749];
	s23 =	sadd.s32 $0x30, s12  }
0x1cb: {  	[tilespmem:s22], [sflag:$0x1] =	stream.linear.gather [hbm4b:s23+s3], $0x10, $0x38;
	[tilespmem:$0x8100] =	vst v63  }
0x1cc: {  	s26 =	sld [smem:$0x74A];
	s25 =	sadd.s32 $0x40, s12  }
0x1cd: {  	[tilespmem:s24], [sflag:$0x1] =	stream.linear.gather [hbm4b:s25+s3], $0x10, $0x38;
	[tilespmem:$0x8100] =	vst v63  }
0x1ce: {  	s29 =	sld [smem:$0x74B];
	s28 =	sadd.s32 $0x50, s12;
	s15 =	spop (v2sf)  }
0x1cf: {  	[tilespmem:s26], [sflag:$0x1] =	stream.linear.gather [hbm4b:s28+s3], $0x10, $0x38;
	[tilespmem:$0x8100] =	vst v63  }
0x1d0: {  	s31 =	sld [smem:$0x74C];
	s30 =	sadd.s32 $0x60, s12;
	s16 =	sshll.u32 s15, $0x3  }
0x1d1: {  	[tilespmem:s29], [sflag:$0x1] =	stream.linear.gather [hbm4b:s30+s3], $0x10, $0x38;
	[tilespmem:$0x8100] =	vst v63  }
0x1d2: {  	s12 =	sadd.s32 $0x70, s12;
	(v2sf) =	vpush v2, $0xB;
	s13 =	sand.u32 $0xFFFFFC00, s16  }
0x1d3: {  	[tilespmem:s31], [sflag:$0x1] =	stream.linear.gather [hbm4b:s12+s3], $0x10, $0x38;
	[tilespmem:$0x8100] =	vst v63  }
0x1d4: {  	s13 =	sadd.s32 s5, s13;
	s12 =	sand.u32 $0x70, s15  }
0x1d5: {  	s17 =	sld [smem:$0x74D];
	s12 =	sor.u32 s12, s13  }
0x1d6: {  	s12 =	sshrl.u32 s12, $0x3  }
0x1d7: {  	s18 =	sld [smem:$0x74E];
	s12 =	sadd.s32 s2, s12  }
0x1d8: {  	[tilespmem:s17], [sflag:$0x1] =	stream.linear.gather [hbm4b:s12+s3], $0x10, $0x38;
	[tilespmem:$0x8100] =	vst v63  }
0x1d9: {  	s20 =	sld [smem:$0x74F];
	s19 =	sadd.s32 $0x10, s12  }
0x1da: {  	[tilespmem:s18], [sflag:$0x1] =	stream.linear.gather [hbm4b:s19+s3], $0x10, $0x38;
	[tilespmem:$0x8100] =	vst v63  }
0x1db: {  	s22 =	sld [smem:$0x750];
	s21 =	sadd.s32 $0x20, s12  }
0x1dc: {  	[tilespmem:s20], [sflag:$0x1] =	stream.linear.gather [hbm4b:s21+s3], $0x10, $0x38;
	[tilespmem:$0x8100] =	vst v63  }
0x1dd: {  	s24 =	sld [smem:$0x751];
	s23 =	sadd.s32 $0x30, s12  }
0x1de: {  	[tilespmem:s22], [sflag:$0x1] =	stream.linear.gather [hbm4b:s23+s3], $0x10, $0x38;
	[tilespmem:$0x8100] =	vst v63  }
0x1df: {  	s26 =	sld [smem:$0x752];
	s25 =	sadd.s32 $0x40, s12  }
0x1e0: {  	[tilespmem:s24], [sflag:$0x1] =	stream.linear.gather [hbm4b:s25+s3], $0x10, $0x38;
	[tilespmem:$0x8100] =	vst v63  }
0x1e1: {  	s29 =	sld [smem:$0x753];
	s28 =	sadd.s32 $0x50, s12;
	s15 =	spop (v2sf)  }
0x1e2: {  	[tilespmem:s26], [sflag:$0x1] =	stream.linear.gather [hbm4b:s28+s3], $0x10, $0x38;
	[tilespmem:$0x8100] =	vst v63  }
0x1e3: {  	s31 =	sld [smem:$0x754];
	s30 =	sadd.s32 $0x60, s12;
	s16 =	sshll.u32 s15, $0x3  }
0x1e4: {  	[tilespmem:s29], [sflag:$0x1] =	stream.linear.gather [hbm4b:s30+s3], $0x10, $0x38;
	[tilespmem:$0x8100] =	vst v63  }
0x1e5: {  	s12 =	sadd.s32 $0x70, s12;
	(v2sf) =	vpush v2, $0xC;
	s13 =	sand.u32 $0xFFFFFC00, s16  }
0x1e6: {  	[tilespmem:s31], [sflag:$0x1] =	stream.linear.gather [hbm4b:s12+s3], $0x10, $0x38;
	[tilespmem:$0x8100] =	vst v63  }
0x1e7: {  	s13 =	sadd.s32 s5, s13;
	s12 =	sand.u32 $0x70, s15  }
0x1e8: {  	s17 =	sld [smem:$0x755];
	s12 =	sor.u32 s12, s13  }
0x1e9: {  	s12 =	sshrl.u32 s12, $0x3  }
0x1ea: {  	s18 =	sld [smem:$0x756];
	s12 =	sadd.s32 s2, s12  }
0x1eb: {  	[tilespmem:s17], [sflag:$0x1] =	stream.linear.gather [hbm4b:s12+s3], $0x10, $0x38;
	[tilespmem:$0x8100] =	vst v63  }
0x1ec: {  	s20 =	sld [smem:$0x757];
	s19 =	sadd.s32 $0x10, s12  }
0x1ed: {  	[tilespmem:s18], [sflag:$0x1] =	stream.linear.gather [hbm4b:s19+s3], $0x10, $0x38;
	[tilespmem:$0x8100] =	vst v63  }
0x1ee: {  	s22 =	sld [smem:$0x758];
	s21 =	sadd.s32 $0x20, s12  }
0x1ef: {  	[tilespmem:s20], [sflag:$0x1] =	stream.linear.gather [hbm4b:s21+s3], $0x10, $0x38;
	[tilespmem:$0x8100] =	vst v63  }
0x1f0: {  	s24 =	sld [smem:$0x759];
	s23 =	sadd.s32 $0x30, s12  }
0x1f1: {  	[tilespmem:s22], [sflag:$0x1] =	stream.linear.gather [hbm4b:s23+s3], $0x10, $0x38;
	[tilespmem:$0x8100] =	vst v63  }
0x1f2: {  	s26 =	sld [smem:$0x75A];
	s25 =	sadd.s32 $0x40, s12  }
0x1f3: {  	[tilespmem:s24], [sflag:$0x1] =	stream.linear.gather [hbm4b:s25+s3], $0x10, $0x38;
	[tilespmem:$0x8100] =	vst v63  }
0x1f4: {  	s29 =	sld [smem:$0x75B];
	s28 =	sadd.s32 $0x50, s12;
	s15 =	spop (v2sf)  }
0x1f5: {  	[tilespmem:s26], [sflag:$0x1] =	stream.linear.gather [hbm4b:s28+s3], $0x10, $0x38;
	[tilespmem:$0x8100] =	vst v63  }
0x1f6: {  	s31 =	sld [smem:$0x75C];
	s30 =	sadd.s32 $0x60, s12;
	s16 =	sshll.u32 s15, $0x3  }
0x1f7: {  	[tilespmem:s29], [sflag:$0x1] =	stream.linear.gather [hbm4b:s30+s3], $0x10, $0x38;
	[tilespmem:$0x8100] =	vst v63  }
0x1f8: {  	s12 =	sadd.s32 $0x70, s12;
	(v2sf) =	vpush v2, $0xD;
	s13 =	sand.u32 $0xFFFFFC00, s16  }
0x1f9: {  	[tilespmem:s31], [sflag:$0x1] =	stream.linear.gather [hbm4b:s12+s3], $0x10, $0x38;
	[tilespmem:$0x8100] =	vst v63  }
0x1fa: {  	s13 =	sadd.s32 s5, s13;
	s12 =	sand.u32 $0x70, s15  }
0x1fb: {  	s17 =	sld [smem:$0x75D];
	s12 =	sor.u32 s12, s13  }
0x1fc: {  	s12 =	sshrl.u32 s12, $0x3  }
0x1fd: {  	s18 =	sld [smem:$0x75E];
	s12 =	sadd.s32 s2, s12  }
0x1fe: {  	[tilespmem:s17], [sflag:$0x1] =	stream.linear.gather [hbm4b:s12+s3], $0x10, $0x38;
	[tilespmem:$0x8100] =	vst v63  }
0x1ff: {  	s20 =	sld [smem:$0x75F];
	s19 =	sadd.s32 $0x10, s12  }
0x200: {  	[tilespmem:s18], [sflag:$0x1] =	stream.linear.gather [hbm4b:s19+s3], $0x10, $0x38;
	[tilespmem:$0x8100] =	vst v63  }
0x201: {  	s22 =	sld [smem:$0x760];
	s21 =	sadd.s32 $0x20, s12  }
0x202: {  	[tilespmem:s20], [sflag:$0x1] =	stream.linear.gather [hbm4b:s21+s3], $0x10, $0x38;
	[tilespmem:$0x8100] =	vst v63  }
0x203: {  	s24 =	sld [smem:$0x761];
	s23 =	sadd.s32 $0x30, s12  }
0x204: {  	[tilespmem:s22], [sflag:$0x1] =	stream.linear.gather [hbm4b:s23+s3], $0x10, $0x38;
	[tilespmem:$0x8100] =	vst v63  }
0x205: {  	s26 =	sld [smem:$0x762];
	s25 =	sadd.s32 $0x40, s12  }
0x206: {  	[tilespmem:s24], [sflag:$0x1] =	stream.linear.gather [hbm4b:s25+s3], $0x10, $0x38;
	[tilespmem:$0x8100] =	vst v63  }
0x207: {  	s29 =	sld [smem:$0x763];
	s15 =	spop (v2sf);
	s28 =	sadd.s32 $0x50, s12  }
0x208: {  	[tilespmem:s26], [sflag:$0x1] =	stream.linear.gather [hbm4b:s28+s3], $0x10, $0x38;
	[tilespmem:$0x8100] =	vst v63  }
0x209: {  	s31 =	sld [smem:$0x764];
	s30 =	sadd.s32 $0x60, s12;
	s16 =	sshll.u32 s15, $0x3  }
0x20a: {  	[tilespmem:s29], [sflag:$0x1] =	stream.linear.gather [hbm4b:s30+s3], $0x10, $0x38;
	[tilespmem:$0x8100] =	vst v63  }
0x20b: {  	(v2sf) =	vpush v2, $0xE;
	s12 =	sadd.s32 $0x70, s12;
	s13 =	sand.u32 $0xFFFFFC00, s16  }
0x20c: {  	[tilespmem:s31], [sflag:$0x1] =	stream.linear.gather [hbm4b:s12+s3], $0x10, $0x38;
	[tilespmem:$0x8100] =	vst v63  }
0x20d: {  	s13 =	sadd.s32 s5, s13;
	s12 =	sand.u32 $0x70, s15  }
0x20e: {  	s17 =	sld [smem:$0x765];
	s12 =	sor.u32 s12, s13  }
0x20f: {  	s12 =	sshrl.u32 s12, $0x3  }
0x210: {  	s18 =	sld [smem:$0x766];
	s12 =	sadd.s32 s2, s12  }
0x211: {  	[tilespmem:s17], [sflag:$0x1] =	stream.linear.gather [hbm4b:s12+s3], $0x10, $0x38;
	[tilespmem:$0x8100] =	vst v63  }
0x212: {  	s20 =	sld [smem:$0x767];
	s19 =	sadd.s32 $0x10, s12  }
0x213: {  	[tilespmem:s18], [sflag:$0x1] =	stream.linear.gather [hbm4b:s19+s3], $0x10, $0x38;
	[tilespmem:$0x8100] =	vst v63  }
0x214: {  	s22 =	sld [smem:$0x768];
	s21 =	sadd.s32 $0x20, s12  }
0x215: {  	[tilespmem:s20], [sflag:$0x1] =	stream.linear.gather [hbm4b:s21+s3], $0x10, $0x38;
	[tilespmem:$0x8100] =	vst v63  }
0x216: {  	s24 =	sld [smem:$0x769];
	s23 =	sadd.s32 $0x30, s12  }
0x217: {  	[tilespmem:s22], [sflag:$0x1] =	stream.linear.gather [hbm4b:s23+s3], $0x10, $0x38;
	[tilespmem:$0x8100] =	vst v63  }
0x218: {  	s26 =	sld [smem:$0x76A];
	s25 =	sadd.s32 $0x40, s12  }
0x219: {  	[tilespmem:s24], [sflag:$0x1] =	stream.linear.gather [hbm4b:s25+s3], $0x10, $0x38;
	[tilespmem:$0x8100] =	vst v63  }
0x21a: {  	s29 =	sld [smem:$0x76B];
	s15 =	spop (v2sf);
	s28 =	sadd.s32 $0x50, s12  }
0x21b: {  	[tilespmem:s26], [sflag:$0x1] =	stream.linear.gather [hbm4b:s28+s3], $0x10, $0x38;
	[tilespmem:$0x8100] =	vst v63  }
0x21c: {  	s31 =	sld [smem:$0x76C];
	s16 =	sshll.u32 s15, $0x3;
	s30 =	sadd.s32 $0x60, s12  }
0x21d: {  	[tilespmem:s29], [sflag:$0x1] =	stream.linear.gather [hbm4b:s30+s3], $0x10, $0x38;
	[tilespmem:$0x8100] =	vst v63  }
0x21e: {  	(v2sf) =	vpush v2, $0xF;
	s13 =	sand.u32 $0xFFFFFC00, s16;
	s12 =	sadd.s32 $0x70, s12  }
0x21f: {  	[tilespmem:s31], [sflag:$0x1] =	stream.linear.gather [hbm4b:s12+s3], $0x10, $0x38;
	[tilespmem:$0x8100] =	vst v63  }
0x220: {  	s13 =	sadd.s32 s5, s13;
	s12 =	sand.u32 $0x70, s15  }
0x221: {  	s17 =	sld [smem:$0x76D];
	s12 =	sor.u32 s12, s13  }
0x222: {  	s12 =	sshrl.u32 s12, $0x3  }
0x223: {  	s18 =	sld [smem:$0x76E];
	s12 =	sadd.s32 s2, s12  }
0x224: {  	[tilespmem:s17], [sflag:$0x1] =	stream.linear.gather [hbm4b:s12+s3], $0x10, $0x38;
	[tilespmem:$0x8100] =	vst v63  }
0x225: {  	s20 =	sld [smem:$0x76F];
	s19 =	sadd.s32 $0x10, s12  }
0x226: {  	[tilespmem:s18], [sflag:$0x1] =	stream.linear.gather [hbm4b:s19+s3], $0x10, $0x38;
	[tilespmem:$0x8100] =	vst v63  }
0x227: {  	s22 =	sld [smem:$0x770];
	s21 =	sadd.s32 $0x20, s12  }
0x228: {  	[tilespmem:s20], [sflag:$0x1] =	stream.linear.gather [hbm4b:s21+s3], $0x10, $0x38;
	[tilespmem:$0x8100] =	vst v63  }
0x229: {  	s24 =	sld [smem:$0x771];
	s23 =	sadd.s32 $0x30, s12  }
0x22a: {  	[tilespmem:s22], [sflag:$0x1] =	stream.linear.gather [hbm4b:s23+s3], $0x10, $0x38;
	[tilespmem:$0x8100] =	vst v63  }
0x22b: {  	s26 =	sld [smem:$0x772];
	s25 =	sadd.s32 $0x40, s12  }
0x22c: {  	[tilespmem:s24], [sflag:$0x1] =	stream.linear.gather [hbm4b:s25+s3], $0x10, $0x38;
	[tilespmem:$0x8100] =	vst v63  }
0x22d: {  	s29 =	sld [smem:$0x773];
	s15 =	spop (v2sf);
	s28 =	sadd.s32 $0x50, s12  }
0x22e: {  	[tilespmem:s26], [sflag:$0x1] =	stream.linear.gather [hbm4b:s28+s3], $0x10, $0x38;
	[tilespmem:$0x8100] =	vst v63  }
0x22f: {  	s31 =	sld [smem:$0x774];
	s16 =	sshll.u32 s15, $0x3;
	s30 =	sadd.s32 $0x60, s12  }
0x230: {  	[tilespmem:s29], [sflag:$0x1] =	stream.linear.gather [hbm4b:s30+s3], $0x10, $0x38;
	[tilespmem:$0x8100] =	vst v63  }
0x231: {  	(v2sf) =	vpush v3, $0x0;
	s13 =	sand.u32 $0xFFFFFC00, s16;
	s12 =	sadd.s32 $0x70, s12  }
0x232: {  	[tilespmem:s31], [sflag:$0x1] =	stream.linear.gather [hbm4b:s12+s3], $0x10, $0x38;
	[tilespmem:$0x8100] =	vst v63  }
0x233: {  	s13 =	sadd.s32 s5, s13;
	s12 =	sand.u32 $0x70, s15  }
0x234: {  	s17 =	sld [smem:$0x775];
	s12 =	sor.u32 s12, s13  }
0x235: {  	s12 =	sshrl.u32 s12, $0x3  }
0x236: {  	s18 =	sld [smem:$0x776];
	s12 =	sadd.s32 s2, s12  }
0x237: {  	[tilespmem:s17], [sflag:$0x1] =	stream.linear.gather [hbm4b:s12+s3], $0x10, $0x38;
	[tilespmem:$0x8100] =	vst v63  }
0x238: {  	s20 =	sld [smem:$0x777];
	s19 =	sadd.s32 $0x10, s12  }
0x239: {  	[tilespmem:s18], [sflag:$0x1] =	stream.linear.gather [hbm4b:s19+s3], $0x10, $0x38;
	[tilespmem:$0x8100] =	vst v63  }
0x23a: {  	s22 =	sld [smem:$0x778];
	s21 =	sadd.s32 $0x20, s12  }
0x23b: {  	[tilespmem:s20], [sflag:$0x1] =	stream.linear.gather [hbm4b:s21+s3], $0x10, $0x38;
	[tilespmem:$0x8100] =	vst v63  }
0x23c: {  	s24 =	sld [smem:$0x779];
	s23 =	sadd.s32 $0x30, s12  }
0x23d: {  	[tilespmem:s22], [sflag:$0x1] =	stream.linear.gather [hbm4b:s23+s3], $0x10, $0x38;
	[tilespmem:$0x8100] =	vst v63  }
0x23e: {  	s26 =	sld [smem:$0x77A];
	s25 =	sadd.s32 $0x40, s12  }
0x23f: {  	[tilespmem:s24], [sflag:$0x1] =	stream.linear.gather [hbm4b:s25+s3], $0x10, $0x38;
	[tilespmem:$0x8100] =	vst v63  }
0x240: {  	s29 =	sld [smem:$0x77B];
	s15 =	spop (v2sf);
	s28 =	sadd.s32 $0x50, s12  }
0x241: {  	[tilespmem:s26], [sflag:$0x1] =	stream.linear.gather [hbm4b:s28+s3], $0x10, $0x38;
	[tilespmem:$0x8100] =	vst v63  }
0x242: {  	s31 =	sld [smem:$0x77C];
	s16 =	sshll.u32 s15, $0x3;
	s30 =	sadd.s32 $0x60, s12  }
0x243: {  	[tilespmem:s29], [sflag:$0x1] =	stream.linear.gather [hbm4b:s30+s3], $0x10, $0x38;
	[tilespmem:$0x8100] =	vst v63  }
0x244: {  	(v2sf) =	vpush v3, $0x1;
	s13 =	sand.u32 $0xFFFFFC00, s16;
	s12 =	sadd.s32 $0x70, s12  }
0x245: {  	[tilespmem:s31], [sflag:$0x1] =	stream.linear.gather [hbm4b:s12+s3], $0x10, $0x38;
	[tilespmem:$0x8100] =	vst v63  }
0x246: {  	s13 =	sadd.s32 s6, s13;
	s12 =	sand.u32 $0x70, s15  }
0x247: {  	s17 =	sld [smem:$0x77D];
	s12 =	sor.u32 s12, s13  }
0x248: {  	s12 =	sshrl.u32 s12, $0x3  }
0x249: {  	s18 =	sld [smem:$0x77E];
	s12 =	sadd.s32 s2, s12  }
0x24a: {  	[tilespmem:s17], [sflag:$0x1] =	stream.linear.gather [hbm4b:s12+s3], $0x10, $0x38;
	[tilespmem:$0x8100] =	vst v63  }
0x24b: {  	s20 =	sld [smem:$0x77F];
	s19 =	sadd.s32 $0x10, s12  }
0x24c: {  	[tilespmem:s18], [sflag:$0x1] =	stream.linear.gather [hbm4b:s19+s3], $0x10, $0x38;
	[tilespmem:$0x8100] =	vst v63  }
0x24d: {  	s22 =	sld [smem:$0x780];
	s21 =	sadd.s32 $0x20, s12  }
0x24e: {  	[tilespmem:s20], [sflag:$0x1] =	stream.linear.gather [hbm4b:s21+s3], $0x10, $0x38;
	[tilespmem:$0x8100] =	vst v63  }
0x24f: {  	s24 =	sld [smem:$0x781];
	s23 =	sadd.s32 $0x30, s12  }
0x250: {  	[tilespmem:s22], [sflag:$0x1] =	stream.linear.gather [hbm4b:s23+s3], $0x10, $0x38;
	[tilespmem:$0x8100] =	vst v63  }
0x251: {  	s26 =	sld [smem:$0x782];
	s25 =	sadd.s32 $0x40, s12  }
0x252: {  	[tilespmem:s24], [sflag:$0x1] =	stream.linear.gather [hbm4b:s25+s3], $0x10, $0x38;
	[tilespmem:$0x8100] =	vst v63  }
0x253: {  	s29 =	sld [smem:$0x783];
	s15 =	spop (v2sf);
	s28 =	sadd.s32 $0x50, s12  }
0x254: {  	[tilespmem:s26], [sflag:$0x1] =	stream.linear.gather [hbm4b:s28+s3], $0x10, $0x38;
	[tilespmem:$0x8100] =	vst v63  }
0x255: {  	s31 =	sld [smem:$0x784];
	s16 =	sshll.u32 s15, $0x3;
	s30 =	sadd.s32 $0x60, s12  }
0x256: {  	[tilespmem:s29], [sflag:$0x1] =	stream.linear.gather [hbm4b:s30+s3], $0x10, $0x38;
	[tilespmem:$0x8100] =	vst v63  }
0x257: {  	(v2sf) =	vpush v3, $0x2;
	s13 =	sand.u32 $0xFFFFFC00, s16;
	s12 =	sadd.s32 $0x70, s12  }
0x258: {  	[tilespmem:s31], [sflag:$0x1] =	stream.linear.gather [hbm4b:s12+s3], $0x10, $0x38;
	[tilespmem:$0x8100] =	vst v63  }
0x259: {  	s13 =	sadd.s32 s6, s13;
	s12 =	sand.u32 $0x70, s15  }
0x25a: {  	s17 =	sld [smem:$0x785];
	s12 =	sor.u32 s12, s13  }
0x25b: {  	s12 =	sshrl.u32 s12, $0x3  }
0x25c: {  	s18 =	sld [smem:$0x786];
	s12 =	sadd.s32 s2, s12  }
0x25d: {  	[tilespmem:s17], [sflag:$0x1] =	stream.linear.gather [hbm4b:s12+s3], $0x10, $0x38;
	[tilespmem:$0x8100] =	vst v63  }
0x25e: {  	s20 =	sld [smem:$0x787];
	s19 =	sadd.s32 $0x10, s12  }
0x25f: {  	[tilespmem:s18], [sflag:$0x1] =	stream.linear.gather [hbm4b:s19+s3], $0x10, $0x38;
	[tilespmem:$0x8100] =	vst v63  }
0x260: {  	s22 =	sld [smem:$0x788];
	s21 =	sadd.s32 $0x20, s12  }
0x261: {  	[tilespmem:s20], [sflag:$0x1] =	stream.linear.gather [hbm4b:s21+s3], $0x10, $0x38;
	[tilespmem:$0x8100] =	vst v63  }
0x262: {  	s24 =	sld [smem:$0x789];
	s23 =	sadd.s32 $0x30, s12  }
0x263: {  	[tilespmem:s22], [sflag:$0x1] =	stream.linear.gather [hbm4b:s23+s3], $0x10, $0x38;
	[tilespmem:$0x8100] =	vst v63  }
0x264: {  	s26 =	sld [smem:$0x78A];
	s25 =	sadd.s32 $0x40, s12  }
0x265: {  	[tilespmem:s24], [sflag:$0x1] =	stream.linear.gather [hbm4b:s25+s3], $0x10, $0x38;
	[tilespmem:$0x8100] =	vst v63  }
0x266: {  	s29 =	sld [smem:$0x78B];
	s15 =	spop (v2sf);
	s28 =	sadd.s32 $0x50, s12  }
0x267: {  	[tilespmem:s26], [sflag:$0x1] =	stream.linear.gather [hbm4b:s28+s3], $0x10, $0x38;
	[tilespmem:$0x8100] =	vst v63  }
0x268: {  	s31 =	sld [smem:$0x78C];
	s16 =	sshll.u32 s15, $0x3;
	s30 =	sadd.s32 $0x60, s12  }
0x269: {  	[tilespmem:s29], [sflag:$0x1] =	stream.linear.gather [hbm4b:s30+s3], $0x10, $0x38;
	[tilespmem:$0x8100] =	vst v63  }
0x26a: {  	(v2sf) =	vpush v3, $0x3;
	s13 =	sand.u32 $0xFFFFFC00, s16;
	s12 =	sadd.s32 $0x70, s12  }
0x26b: {  	[tilespmem:s31], [sflag:$0x1] =	stream.linear.gather [hbm4b:s12+s3], $0x10, $0x38;
	[tilespmem:$0x8100] =	vst v63  }
0x26c: {  	s13 =	sadd.s32 s6, s13;
	s12 =	sand.u32 $0x70, s15  }
0x26d: {  	s17 =	sld [smem:$0x78D];
	s12 =	sor.u32 s12, s13  }
0x26e: {  	s12 =	sshrl.u32 s12, $0x3  }
0x26f: {  	s18 =	sld [smem:$0x78E];
	s12 =	sadd.s32 s2, s12  }
0x270: {  	[tilespmem:s17], [sflag:$0x1] =	stream.linear.gather [hbm4b:s12+s3], $0x10, $0x38;
	[tilespmem:$0x8100] =	vst v63  }
0x271: {  	s20 =	sld [smem:$0x78F];
	s19 =	sadd.s32 $0x10, s12  }
0x272: {  	[tilespmem:s18], [sflag:$0x1] =	stream.linear.gather [hbm4b:s19+s3], $0x10, $0x38;
	[tilespmem:$0x8100] =	vst v63  }
0x273: {  	s22 =	sld [smem:$0x790];
	s21 =	sadd.s32 $0x20, s12  }
0x274: {  	[tilespmem:s20], [sflag:$0x1] =	stream.linear.gather [hbm4b:s21+s3], $0x10, $0x38;
	[tilespmem:$0x8100] =	vst v63  }
0x275: {  	s24 =	sld [smem:$0x791];
	s23 =	sadd.s32 $0x30, s12  }
0x276: {  	[tilespmem:s22], [sflag:$0x1] =	stream.linear.gather [hbm4b:s23+s3], $0x10, $0x38;
	[tilespmem:$0x8100] =	vst v63  }
0x277: {  	s26 =	sld [smem:$0x792];
	s25 =	sadd.s32 $0x40, s12  }
0x278: {  	[tilespmem:s24], [sflag:$0x1] =	stream.linear.gather [hbm4b:s25+s3], $0x10, $0x38;
	[tilespmem:$0x8100] =	vst v63  }
0x279: {  	s29 =	sld [smem:$0x793];
	s15 =	spop (v2sf);
	s28 =	sadd.s32 $0x50, s12  }
0x27a: {  	[tilespmem:s26], [sflag:$0x1] =	stream.linear.gather [hbm4b:s28+s3], $0x10, $0x38;
	[tilespmem:$0x8100] =	vst v63  }
0x27b: {  	s31 =	sld [smem:$0x794];
	s16 =	sshll.u32 s15, $0x3;
	s30 =	sadd.s32 $0x60, s12  }
0x27c: {  	[tilespmem:s29], [sflag:$0x1] =	stream.linear.gather [hbm4b:s30+s3], $0x10, $0x38;
	[tilespmem:$0x8100] =	vst v63  }
0x27d: {  	(v2sf) =	vpush v3, $0x4;
	s13 =	sand.u32 $0xFFFFFC00, s16;
	s12 =	sadd.s32 $0x70, s12  }
0x27e: {  	[tilespmem:s31], [sflag:$0x1] =	stream.linear.gather [hbm4b:s12+s3], $0x10, $0x38;
	[tilespmem:$0x8100] =	vst v63  }
0x27f: {  	s13 =	sadd.s32 s6, s13;
	s12 =	sand.u32 $0x70, s15  }
0x280: {  	s17 =	sld [smem:$0x795];
	s12 =	sor.u32 s12, s13  }
0x281: {  	s12 =	sshrl.u32 s12, $0x3  }
0x282: {  	s18 =	sld [smem:$0x796];
	s12 =	sadd.s32 s2, s12  }
0x283: {  	[tilespmem:s17], [sflag:$0x1] =	stream.linear.gather [hbm4b:s12+s3], $0x10, $0x38;
	[tilespmem:$0x8100] =	vst v63  }
0x284: {  	s20 =	sld [smem:$0x797];
	s19 =	sadd.s32 $0x10, s12  }
0x285: {  	[tilespmem:s18], [sflag:$0x1] =	stream.linear.gather [hbm4b:s19+s3], $0x10, $0x38;
	[tilespmem:$0x8100] =	vst v63  }
0x286: {  	s22 =	sld [smem:$0x798];
	s21 =	sadd.s32 $0x20, s12  }
0x287: {  	[tilespmem:s20], [sflag:$0x1] =	stream.linear.gather [hbm4b:s21+s3], $0x10, $0x38;
	[tilespmem:$0x8100] =	vst v63  }
0x288: {  	s24 =	sld [smem:$0x799];
	s23 =	sadd.s32 $0x30, s12  }
0x289: {  	[tilespmem:s22], [sflag:$0x1] =	stream.linear.gather [hbm4b:s23+s3], $0x10, $0x38;
	[tilespmem:$0x8100] =	vst v63  }
0x28a: {  	s26 =	sld [smem:$0x79A];
	s25 =	sadd.s32 $0x40, s12  }
0x28b: {  	[tilespmem:s24], [sflag:$0x1] =	stream.linear.gather [hbm4b:s25+s3], $0x10, $0x38;
	[tilespmem:$0x8100] =	vst v63  }
0x28c: {  	s29 =	sld [smem:$0x79B];
	s15 =	spop (v2sf);
	s28 =	sadd.s32 $0x50, s12  }
0x28d: {  	[tilespmem:s26], [sflag:$0x1] =	stream.linear.gather [hbm4b:s28+s3], $0x10, $0x38;
	[tilespmem:$0x8100] =	vst v63  }
0x28e: {  	s31 =	sld [smem:$0x79C];
	s16 =	sshll.u32 s15, $0x3;
	s30 =	sadd.s32 $0x60, s12  }
0x28f: {  	[tilespmem:s29], [sflag:$0x1] =	stream.linear.gather [hbm4b:s30+s3], $0x10, $0x38;
	[tilespmem:$0x8100] =	vst v63  }
0x290: {  	(v2sf) =	vpush v3, $0x5;
	s13 =	sand.u32 $0xFFFFFC00, s16;
	s12 =	sadd.s32 $0x70, s12  }
0x291: {  	[tilespmem:s31], [sflag:$0x1] =	stream.linear.gather [hbm4b:s12+s3], $0x10, $0x38;
	[tilespmem:$0x8100] =	vst v63  }
0x292: {  	s13 =	sadd.s32 s6, s13;
	s12 =	sand.u32 $0x70, s15  }
0x293: {  	s17 =	sld [smem:$0x79D];
	s12 =	sor.u32 s12, s13  }
0x294: {  	s12 =	sshrl.u32 s12, $0x3  }
0x295: {  	s18 =	sld [smem:$0x79E];
	s12 =	sadd.s32 s2, s12  }
0x296: {  	[tilespmem:s17], [sflag:$0x1] =	stream.linear.gather [hbm4b:s12+s3], $0x10, $0x38;
	[tilespmem:$0x8100] =	vst v63  }
0x297: {  	s20 =	sld [smem:$0x79F];
	s19 =	sadd.s32 $0x10, s12  }
0x298: {  	[tilespmem:s18], [sflag:$0x1] =	stream.linear.gather [hbm4b:s19+s3], $0x10, $0x38;
	[tilespmem:$0x8100] =	vst v63  }
0x299: {  	s22 =	sld [smem:$0x7A0];
	s21 =	sadd.s32 $0x20, s12  }
0x29a: {  	[tilespmem:s20], [sflag:$0x1] =	stream.linear.gather [hbm4b:s21+s3], $0x10, $0x38;
	[tilespmem:$0x8100] =	vst v63  }
0x29b: {  	s24 =	sld [smem:$0x7A1];
	s23 =	sadd.s32 $0x30, s12  }
0x29c: {  	[tilespmem:s22], [sflag:$0x1] =	stream.linear.gather [hbm4b:s23+s3], $0x10, $0x38;
	[tilespmem:$0x8100] =	vst v63  }
0x29d: {  	s26 =	sld [smem:$0x7A2];
	s25 =	sadd.s32 $0x40, s12  }
0x29e: {  	[tilespmem:s24], [sflag:$0x1] =	stream.linear.gather [hbm4b:s25+s3], $0x10, $0x38;
	[tilespmem:$0x8100] =	vst v63  }
0x29f: {  	s29 =	sld [smem:$0x7A3];
	s15 =	spop (v2sf);
	s28 =	sadd.s32 $0x50, s12  }
0x2a0: {  	[tilespmem:s26], [sflag:$0x1] =	stream.linear.gather [hbm4b:s28+s3], $0x10, $0x38;
	[tilespmem:$0x8100] =	vst v63  }
0x2a1: {  	s31 =	sld [smem:$0x7A4];
	s16 =	sshll.u32 s15, $0x3;
	s30 =	sadd.s32 $0x60, s12  }
0x2a2: {  	[tilespmem:s29], [sflag:$0x1] =	stream.linear.gather [hbm4b:s30+s3], $0x10, $0x38;
	[tilespmem:$0x8100] =	vst v63  }
0x2a3: {  	(v2sf) =	vpush v3, $0x6;
	s13 =	sand.u32 $0xFFFFFC00, s16;
	s12 =	sadd.s32 $0x70, s12  }
0x2a4: {  	[tilespmem:s31], [sflag:$0x1] =	stream.linear.gather [hbm4b:s12+s3], $0x10, $0x38;
	[tilespmem:$0x8100] =	vst v63  }
0x2a5: {  	s13 =	sadd.s32 s6, s13;
	s12 =	sand.u32 $0x70, s15  }
0x2a6: {  	s17 =	sld [smem:$0x7A5];
	s12 =	sor.u32 s12, s13  }
0x2a7: {  	s12 =	sshrl.u32 s12, $0x3  }
0x2a8: {  	s18 =	sld [smem:$0x7A6];
	s12 =	sadd.s32 s2, s12  }
0x2a9: {  	[tilespmem:s17], [sflag:$0x1] =	stream.linear.gather [hbm4b:s12+s3], $0x10, $0x38;
	[tilespmem:$0x8100] =	vst v63  }
0x2aa: {  	s20 =	sld [smem:$0x7A7];
	s19 =	sadd.s32 $0x10, s12  }
0x2ab: {  	[tilespmem:s18], [sflag:$0x1] =	stream.linear.gather [hbm4b:s19+s3], $0x10, $0x38;
	[tilespmem:$0x8100] =	vst v63  }
0x2ac: {  	s22 =	sld [smem:$0x7A8];
	s21 =	sadd.s32 $0x20, s12  }
0x2ad: {  	[tilespmem:s20], [sflag:$0x1] =	stream.linear.gather [hbm4b:s21+s3], $0x10, $0x38;
	[tilespmem:$0x8100] =	vst v63  }
0x2ae: {  	s24 =	sld [smem:$0x7A9];
	s23 =	sadd.s32 $0x30, s12  }
0x2af: {  	[tilespmem:s22], [sflag:$0x1] =	stream.linear.gather [hbm4b:s23+s3], $0x10, $0x38;
	[tilespmem:$0x8100] =	vst v63  }
0x2b0: {  	s26 =	sld [smem:$0x7AA];
	s25 =	sadd.s32 $0x40, s12  }
0x2b1: {  	[tilespmem:s24], [sflag:$0x1] =	stream.linear.gather [hbm4b:s25+s3], $0x10, $0x38;
	[tilespmem:$0x8100] =	vst v63  }
0x2b2: {  	s29 =	sld [smem:$0x7AB];
	s15 =	spop (v2sf);
	s28 =	sadd.s32 $0x50, s12  }
0x2b3: {  	[tilespmem:s26], [sflag:$0x1] =	stream.linear.gather [hbm4b:s28+s3], $0x10, $0x38;
	[tilespmem:$0x8100] =	vst v63  }
0x2b4: {  	s31 =	sld [smem:$0x7AC];
	s16 =	sshll.u32 s15, $0x3;
	s30 =	sadd.s32 $0x60, s12  }
0x2b5: {  	[tilespmem:s29], [sflag:$0x1] =	stream.linear.gather [hbm4b:s30+s3], $0x10, $0x38;
	[tilespmem:$0x8100] =	vst v63  }
0x2b6: {  	(v2sf) =	vpush v3, $0x7;
	s13 =	sand.u32 $0xFFFFFC00, s16;
	s12 =	sadd.s32 $0x70, s12  }
0x2b7: {  	[tilespmem:s31], [sflag:$0x1] =	stream.linear.gather [hbm4b:s12+s3], $0x10, $0x38;
	[tilespmem:$0x8100] =	vst v63  }
0x2b8: {  	s13 =	sadd.s32 s6, s13;
	s12 =	sand.u32 $0x70, s15  }
0x2b9: {  	s17 =	sld [smem:$0x7AD];
	s12 =	sor.u32 s12, s13  }
0x2ba: {  	s12 =	sshrl.u32 s12, $0x3  }
0x2bb: {  	s18 =	sld [smem:$0x7AE];
	s12 =	sadd.s32 s2, s12  }
0x2bc: {  	[tilespmem:s17], [sflag:$0x1] =	stream.linear.gather [hbm4b:s12+s3], $0x10, $0x38;
	[tilespmem:$0x8100] =	vst v63  }
0x2bd: {  	s20 =	sld [smem:$0x7AF];
	s19 =	sadd.s32 $0x10, s12  }
0x2be: {  	[tilespmem:s18], [sflag:$0x1] =	stream.linear.gather [hbm4b:s19+s3], $0x10, $0x38;
	[tilespmem:$0x8100] =	vst v63  }
0x2bf: {  	s22 =	sld [smem:$0x7B0];
	s21 =	sadd.s32 $0x20, s12  }
0x2c0: {  	[tilespmem:s20], [sflag:$0x1] =	stream.linear.gather [hbm4b:s21+s3], $0x10, $0x38;
	[tilespmem:$0x8100] =	vst v63  }
0x2c1: {  	s24 =	sld [smem:$0x7B1];
	s23 =	sadd.s32 $0x30, s12  }
0x2c2: {  	[tilespmem:s22], [sflag:$0x1] =	stream.linear.gather [hbm4b:s23+s3], $0x10, $0x38;
	[tilespmem:$0x8100] =	vst v63  }
0x2c3: {  	s26 =	sld [smem:$0x7B2];
	s25 =	sadd.s32 $0x40, s12  }
0x2c4: {  	[tilespmem:s24], [sflag:$0x1] =	stream.linear.gather [hbm4b:s25+s3], $0x10, $0x38;
	[tilespmem:$0x8100] =	vst v63  }
0x2c5: {  	s29 =	sld [smem:$0x7B3];
	s15 =	spop (v2sf);
	s28 =	sadd.s32 $0x50, s12  }
0x2c6: {  	[tilespmem:s26], [sflag:$0x1] =	stream.linear.gather [hbm4b:s28+s3], $0x10, $0x38;
	[tilespmem:$0x8100] =	vst v63  }
0x2c7: {  	s31 =	sld [smem:$0x7B4];
	s16 =	sshll.u32 s15, $0x3;
	s30 =	sadd.s32 $0x60, s12  }
0x2c8: {  	[tilespmem:s29], [sflag:$0x1] =	stream.linear.gather [hbm4b:s30+s3], $0x10, $0x38;
	[tilespmem:$0x8100] =	vst v63  }
0x2c9: {  	(v2sf) =	vpush v3, $0x8;
	s13 =	sand.u32 $0xFFFFFC00, s16;
	s12 =	sadd.s32 $0x70, s12  }
0x2ca: {  	[tilespmem:s31], [sflag:$0x1] =	stream.linear.gather [hbm4b:s12+s3], $0x10, $0x38;
	[tilespmem:$0x8100] =	vst v63  }
0x2cb: {  	s13 =	sadd.s32 s6, s13;
	s12 =	sand.u32 $0x70, s15  }
0x2cc: {  	s17 =	sld [smem:$0x7B5];
	s12 =	sor.u32 s12, s13  }
0x2cd: {  	s12 =	sshrl.u32 s12, $0x3  }
0x2ce: {  	s18 =	sld [smem:$0x7B6];
	s12 =	sadd.s32 s2, s12  }
0x2cf: {  	[tilespmem:s17], [sflag:$0x1] =	stream.linear.gather [hbm4b:s12+s3], $0x10, $0x38;
	[tilespmem:$0x8100] =	vst v63  }
0x2d0: {  	s20 =	sld [smem:$0x7B7];
	s19 =	sadd.s32 $0x10, s12  }
0x2d1: {  	[tilespmem:s18], [sflag:$0x1] =	stream.linear.gather [hbm4b:s19+s3], $0x10, $0x38;
	[tilespmem:$0x8100] =	vst v63  }
0x2d2: {  	s22 =	sld [smem:$0x7B8];
	s21 =	sadd.s32 $0x20, s12  }
0x2d3: {  	[tilespmem:s20], [sflag:$0x1] =	stream.linear.gather [hbm4b:s21+s3], $0x10, $0x38;
	[tilespmem:$0x8100] =	vst v63  }
0x2d4: {  	s24 =	sld [smem:$0x7B9];
	s23 =	sadd.s32 $0x30, s12  }
0x2d5: {  	[tilespmem:s22], [sflag:$0x1] =	stream.linear.gather [hbm4b:s23+s3], $0x10, $0x38;
	[tilespmem:$0x8100] =	vst v63  }
0x2d6: {  	s26 =	sld [smem:$0x7BA];
	s25 =	sadd.s32 $0x40, s12  }
0x2d7: {  	[tilespmem:s24], [sflag:$0x1] =	stream.linear.gather [hbm4b:s25+s3], $0x10, $0x38;
	[tilespmem:$0x8100] =	vst v63  }
0x2d8: {  	s29 =	sld [smem:$0x7BB];
	s15 =	spop (v2sf);
	s28 =	sadd.s32 $0x50, s12  }
0x2d9: {  	[tilespmem:s26], [sflag:$0x1] =	stream.linear.gather [hbm4b:s28+s3], $0x10, $0x38;
	[tilespmem:$0x8100] =	vst v63  }
0x2da: {  	s31 =	sld [smem:$0x7BC];
	s16 =	sshll.u32 s15, $0x3;
	s30 =	sadd.s32 $0x60, s12  }
0x2db: {  	[tilespmem:s29], [sflag:$0x1] =	stream.linear.gather [hbm4b:s30+s3], $0x10, $0x38;
	[tilespmem:$0x8100] =	vst v63  }
0x2dc: {  	(v2sf) =	vpush v3, $0x9;
	s13 =	sand.u32 $0xFFFFFC00, s16;
	s12 =	sadd.s32 $0x70, s12  }
0x2dd: {  	[tilespmem:s31], [sflag:$0x1] =	stream.linear.gather [hbm4b:s12+s3], $0x10, $0x38;
	[tilespmem:$0x8100] =	vst v63  }
0x2de: {  	s13 =	sadd.s32 s7, s13;
	s12 =	sand.u32 $0x70, s15  }
0x2df: {  	s17 =	sld [smem:$0x7BD];
	s12 =	sor.u32 s12, s13  }
0x2e0: {  	s12 =	sshrl.u32 s12, $0x3  }
0x2e1: {  	s18 =	sld [smem:$0x7BE];
	s12 =	sadd.s32 s2, s12  }
0x2e2: {  	[tilespmem:s17], [sflag:$0x1] =	stream.linear.gather [hbm4b:s12+s3], $0x10, $0x38;
	[tilespmem:$0x8100] =	vst v63  }
0x2e3: {  	s20 =	sld [smem:$0x7BF];
	s19 =	sadd.s32 $0x10, s12  }
0x2e4: {  	[tilespmem:s18], [sflag:$0x1] =	stream.linear.gather [hbm4b:s19+s3], $0x10, $0x38;
	[tilespmem:$0x8100] =	vst v63  }
0x2e5: {  	s22 =	sld [smem:$0x7C0];
	s21 =	sadd.s32 $0x20, s12  }
0x2e6: {  	[tilespmem:s20], [sflag:$0x1] =	stream.linear.gather [hbm4b:s21+s3], $0x10, $0x38;
	[tilespmem:$0x8100] =	vst v63  }
0x2e7: {  	s24 =	sld [smem:$0x7C1];
	s23 =	sadd.s32 $0x30, s12  }
0x2e8: {  	[tilespmem:s22], [sflag:$0x1] =	stream.linear.gather [hbm4b:s23+s3], $0x10, $0x38;
	[tilespmem:$0x8100] =	vst v63  }
0x2e9: {  	s26 =	sld [smem:$0x7C2];
	s25 =	sadd.s32 $0x40, s12  }
0x2ea: {  	[tilespmem:s24], [sflag:$0x1] =	stream.linear.gather [hbm4b:s25+s3], $0x10, $0x38;
	[tilespmem:$0x8100] =	vst v63  }
0x2eb: {  	s29 =	sld [smem:$0x7C3];
	s15 =	spop (v2sf);
	s28 =	sadd.s32 $0x50, s12  }
0x2ec: {  	[tilespmem:s26], [sflag:$0x1] =	stream.linear.gather [hbm4b:s28+s3], $0x10, $0x38;
	[tilespmem:$0x8100] =	vst v63  }
0x2ed: {  	s31 =	sld [smem:$0x7C4];
	s16 =	sshll.u32 s15, $0x3;
	s30 =	sadd.s32 $0x60, s12  }
0x2ee: {  	[tilespmem:s29], [sflag:$0x1] =	stream.linear.gather [hbm4b:s30+s3], $0x10, $0x38;
	[tilespmem:$0x8100] =	vst v63  }
0x2ef: {  	(v2sf) =	vpush v3, $0xA;
	s13 =	sand.u32 $0xFFFFFC00, s16;
	s12 =	sadd.s32 $0x70, s12  }
0x2f0: {  	[tilespmem:s31], [sflag:$0x1] =	stream.linear.gather [hbm4b:s12+s3], $0x10, $0x38;
	[tilespmem:$0x8100] =	vst v63  }
0x2f1: {  	s13 =	sadd.s32 s7, s13;
	s12 =	sand.u32 $0x70, s15  }
0x2f2: {  	s17 =	sld [smem:$0x7C5];
	s12 =	sor.u32 s12, s13  }
0x2f3: {  	s12 =	sshrl.u32 s12, $0x3  }
0x2f4: {  	s18 =	sld [smem:$0x7C6];
	s12 =	sadd.s32 s2, s12  }
0x2f5: {  	[tilespmem:s17], [sflag:$0x1] =	stream.linear.gather [hbm4b:s12+s3], $0x10, $0x38;
	[tilespmem:$0x8100] =	vst v63  }
0x2f6: {  	s20 =	sld [smem:$0x7C7];
	s19 =	sadd.s32 $0x10, s12  }
0x2f7: {  	[tilespmem:s18], [sflag:$0x1] =	stream.linear.gather [hbm4b:s19+s3], $0x10, $0x38;
	[tilespmem:$0x8100] =	vst v63  }
0x2f8: {  	s22 =	sld [smem:$0x7C8];
	s21 =	sadd.s32 $0x20, s12  }
0x2f9: {  	[tilespmem:s20], [sflag:$0x1] =	stream.linear.gather [hbm4b:s21+s3], $0x10, $0x38;
	[tilespmem:$0x8100] =	vst v63  }
0x2fa: {  	s24 =	sld [smem:$0x7C9];
	s23 =	sadd.s32 $0x30, s12  }
0x2fb: {  	[tilespmem:s22], [sflag:$0x1] =	stream.linear.gather [hbm4b:s23+s3], $0x10, $0x38;
	[tilespmem:$0x8100] =	vst v63  }
0x2fc: {  	s26 =	sld [smem:$0x7CA];
	s25 =	sadd.s32 $0x40, s12  }
0x2fd: {  	[tilespmem:s24], [sflag:$0x1] =	stream.linear.gather [hbm4b:s25+s3], $0x10, $0x38;
	[tilespmem:$0x8100] =	vst v63  }
0x2fe: {  	s29 =	sld [smem:$0x7CB];
	s15 =	spop (v2sf);
	s28 =	sadd.s32 $0x50, s12  }
0x2ff: {  	[tilespmem:s26], [sflag:$0x1] =	stream.linear.gather [hbm4b:s28+s3], $0x10, $0x38;
	[tilespmem:$0x8100] =	vst v63  }
0x300: {  	s31 =	sld [smem:$0x7CC];
	s16 =	sshll.u32 s15, $0x3;
	s30 =	sadd.s32 $0x60, s12  }
0x301: {  	[tilespmem:s29], [sflag:$0x1] =	stream.linear.gather [hbm4b:s30+s3], $0x10, $0x38;
	[tilespmem:$0x8100] =	vst v63  }
0x302: {  	(v2sf) =	vpush v3, $0xB;
	s13 =	sand.u32 $0xFFFFFC00, s16;
	s12 =	sadd.s32 $0x70, s12  }
0x303: {  	[tilespmem:s31], [sflag:$0x1] =	stream.linear.gather [hbm4b:s12+s3], $0x10, $0x38;
	[tilespmem:$0x8100] =	vst v63  }
0x304: {  	s13 =	sadd.s32 s7, s13;
	s12 =	sand.u32 $0x70, s15  }
0x305: {  	s17 =	sld [smem:$0x7CD];
	s12 =	sor.u32 s12, s13  }
0x306: {  	s12 =	sshrl.u32 s12, $0x3  }
0x307: {  	s18 =	sld [smem:$0x7CE];
	s12 =	sadd.s32 s2, s12  }
0x308: {  	[tilespmem:s17], [sflag:$0x1] =	stream.linear.gather [hbm4b:s12+s3], $0x10, $0x38;
	[tilespmem:$0x8100] =	vst v63  }
0x309: {  	s20 =	sld [smem:$0x7CF];
	s19 =	sadd.s32 $0x10, s12  }
0x30a: {  	[tilespmem:s18], [sflag:$0x1] =	stream.linear.gather [hbm4b:s19+s3], $0x10, $0x38;
	[tilespmem:$0x8100] =	vst v63  }
0x30b: {  	s22 =	sld [smem:$0x7D0];
	s21 =	sadd.s32 $0x20, s12  }
0x30c: {  	[tilespmem:s20], [sflag:$0x1] =	stream.linear.gather [hbm4b:s21+s3], $0x10, $0x38;
	[tilespmem:$0x8100] =	vst v63  }
0x30d: {  	s24 =	sld [smem:$0x7D1];
	s23 =	sadd.s32 $0x30, s12  }
0x30e: {  	[tilespmem:s22], [sflag:$0x1] =	stream.linear.gather [hbm4b:s23+s3], $0x10, $0x38;
	[tilespmem:$0x8100] =	vst v63  }
0x30f: {  	s26 =	sld [smem:$0x7D2];
	s25 =	sadd.s32 $0x40, s12  }
0x310: {  	[tilespmem:s24], [sflag:$0x1] =	stream.linear.gather [hbm4b:s25+s3], $0x10, $0x38;
	[tilespmem:$0x8100] =	vst v63  }
0x311: {  	s29 =	sld [smem:$0x7D3];
	s15 =	spop (v2sf);
	s28 =	sadd.s32 $0x50, s12  }
0x312: {  	[tilespmem:s26], [sflag:$0x1] =	stream.linear.gather [hbm4b:s28+s3], $0x10, $0x38;
	[tilespmem:$0x8100] =	vst v63  }
0x313: {  	s31 =	sld [smem:$0x7D4];
	s16 =	sshll.u32 s15, $0x3;
	s30 =	sadd.s32 $0x60, s12  }
0x314: {  	[tilespmem:s29], [sflag:$0x1] =	stream.linear.gather [hbm4b:s30+s3], $0x10, $0x38;
	[tilespmem:$0x8100] =	vst v63  }
0x315: {  	(v2sf) =	vpush v3, $0xC;
	s13 =	sand.u32 $0xFFFFFC00, s16;
	s12 =	sadd.s32 $0x70, s12  }
0x316: {  	[tilespmem:s31], [sflag:$0x1] =	stream.linear.gather [hbm4b:s12+s3], $0x10, $0x38;
	[tilespmem:$0x8100] =	vst v63  }
0x317: {  	s13 =	sadd.s32 s7, s13;
	s12 =	sand.u32 $0x70, s15  }
0x318: {  	s17 =	sld [smem:$0x7D5];
	s12 =	sor.u32 s12, s13  }
0x319: {  	s12 =	sshrl.u32 s12, $0x3  }
0x31a: {  	s18 =	sld [smem:$0x7D6];
	s12 =	sadd.s32 s2, s12  }
0x31b: {  	[tilespmem:s17], [sflag:$0x1] =	stream.linear.gather [hbm4b:s12+s3], $0x10, $0x38;
	[tilespmem:$0x8100] =	vst v63  }
0x31c: {  	s20 =	sld [smem:$0x7D7];
	s19 =	sadd.s32 $0x10, s12  }
0x31d: {  	[tilespmem:s18], [sflag:$0x1] =	stream.linear.gather [hbm4b:s19+s3], $0x10, $0x38;
	[tilespmem:$0x8100] =	vst v63  }
0x31e: {  	s22 =	sld [smem:$0x7D8];
	s21 =	sadd.s32 $0x20, s12  }
0x31f: {  	[tilespmem:s20], [sflag:$0x1] =	stream.linear.gather [hbm4b:s21+s3], $0x10, $0x38;
	[tilespmem:$0x8100] =	vst v63  }
0x320: {  	s24 =	sld [smem:$0x7D9];
	s23 =	sadd.s32 $0x30, s12  }
0x321: {  	[tilespmem:s22], [sflag:$0x1] =	stream.linear.gather [hbm4b:s23+s3], $0x10, $0x38;
	[tilespmem:$0x8100] =	vst v63  }
0x322: {  	s26 =	sld [smem:$0x7DA];
	s25 =	sadd.s32 $0x40, s12  }
0x323: {  	[tilespmem:s24], [sflag:$0x1] =	stream.linear.gather [hbm4b:s25+s3], $0x10, $0x38;
	[tilespmem:$0x8100] =	vst v63  }
0x324: {  	s29 =	sld [smem:$0x7DB];
	s15 =	spop (v2sf);
	s28 =	sadd.s32 $0x50, s12  }
0x325: {  	[tilespmem:s26], [sflag:$0x1] =	stream.linear.gather [hbm4b:s28+s3], $0x10, $0x38;
	[tilespmem:$0x8100] =	vst v63  }
0x326: {  	s31 =	sld [smem:$0x7DC];
	s16 =	sshll.u32 s15, $0x3;
	s30 =	sadd.s32 $0x60, s12  }
0x327: {  	[tilespmem:s29], [sflag:$0x1] =	stream.linear.gather [hbm4b:s30+s3], $0x10, $0x38;
	[tilespmem:$0x8100] =	vst v63  }
0x328: {  	(v2sf) =	vpush v3, $0xD;
	s13 =	sand.u32 $0xFFFFFC00, s16;
	s12 =	sadd.s32 $0x70, s12  }
0x329: {  	[tilespmem:s31], [sflag:$0x1] =	stream.linear.gather [hbm4b:s12+s3], $0x10, $0x38;
	[tilespmem:$0x8100] =	vst v63  }
0x32a: {  	s13 =	sadd.s32 s7, s13;
	s12 =	sand.u32 $0x70, s15  }
0x32b: {  	s17 =	sld [smem:$0x7DD];
	s12 =	sor.u32 s12, s13  }
0x32c: {  	s12 =	sshrl.u32 s12, $0x3  }
0x32d: {  	s18 =	sld [smem:$0x7DE];
	s12 =	sadd.s32 s2, s12  }
0x32e: {  	[tilespmem:s17], [sflag:$0x1] =	stream.linear.gather [hbm4b:s12+s3], $0x10, $0x38;
	[tilespmem:$0x8100] =	vst v63  }
0x32f: {  	s20 =	sld [smem:$0x7DF];
	s19 =	sadd.s32 $0x10, s12  }
0x330: {  	[tilespmem:s18], [sflag:$0x1] =	stream.linear.gather [hbm4b:s19+s3], $0x10, $0x38;
	[tilespmem:$0x8100] =	vst v63  }
0x331: {  	s22 =	sld [smem:$0x7E0];
	s21 =	sadd.s32 $0x20, s12  }
0x332: {  	[tilespmem:s20], [sflag:$0x1] =	stream.linear.gather [hbm4b:s21+s3], $0x10, $0x38;
	[tilespmem:$0x8100] =	vst v63  }
0x333: {  	s24 =	sld [smem:$0x7E1];
	s23 =	sadd.s32 $0x30, s12  }
0x334: {  	[tilespmem:s22], [sflag:$0x1] =	stream.linear.gather [hbm4b:s23+s3], $0x10, $0x38;
	[tilespmem:$0x8100] =	vst v63  }
0x335: {  	s26 =	sld [smem:$0x7E2];
	s25 =	sadd.s32 $0x40, s12  }
0x336: {  	[tilespmem:s24], [sflag:$0x1] =	stream.linear.gather [hbm4b:s25+s3], $0x10, $0x38;
	[tilespmem:$0x8100] =	vst v63  }
0x337: {  	s29 =	sld [smem:$0x7E3];
	s15 =	spop (v2sf);
	s28 =	sadd.s32 $0x50, s12  }
0x338: {  	[tilespmem:s26], [sflag:$0x1] =	stream.linear.gather [hbm4b:s28+s3], $0x10, $0x38;
	[tilespmem:$0x8100] =	vst v63  }
0x339: {  	s31 =	sld [smem:$0x7E4];
	s16 =	sshll.u32 s15, $0x3;
	s30 =	sadd.s32 $0x60, s12  }
0x33a: {  	[tilespmem:s29], [sflag:$0x1] =	stream.linear.gather [hbm4b:s30+s3], $0x10, $0x38;
	[tilespmem:$0x8100] =	vst v63  }
0x33b: {  	(v2sf) =	vpush v3, $0xE;
	s13 =	sand.u32 $0xFFFFFC00, s16;
	s12 =	sadd.s32 $0x70, s12  }
0x33c: {  	[tilespmem:s31], [sflag:$0x1] =	stream.linear.gather [hbm4b:s12+s3], $0x10, $0x38;
	[tilespmem:$0x8100] =	vst v63  }
0x33d: {  	s13 =	sadd.s32 s7, s13;
	s12 =	sand.u32 $0x70, s15  }
0x33e: {  	s17 =	sld [smem:$0x7E5];
	s12 =	sor.u32 s12, s13  }
0x33f: {  	s12 =	sshrl.u32 s12, $0x3  }
0x340: {  	s18 =	sld [smem:$0x7E6];
	s12 =	sadd.s32 s2, s12  }
0x341: {  	[tilespmem:s17], [sflag:$0x1] =	stream.linear.gather [hbm4b:s12+s3], $0x10, $0x38;
	[tilespmem:$0x8100] =	vst v63  }
0x342: {  	s20 =	sld [smem:$0x7E7];
	s19 =	sadd.s32 $0x10, s12  }
0x343: {  	[tilespmem:s18], [sflag:$0x1] =	stream.linear.gather [hbm4b:s19+s3], $0x10, $0x38;
	[tilespmem:$0x8100] =	vst v63  }
0x344: {  	s22 =	sld [smem:$0x7E8];
	s21 =	sadd.s32 $0x20, s12  }
0x345: {  	[tilespmem:s20], [sflag:$0x1] =	stream.linear.gather [hbm4b:s21+s3], $0x10, $0x38;
	[tilespmem:$0x8100] =	vst v63  }
0x346: {  	s24 =	sld [smem:$0x7E9];
	s23 =	sadd.s32 $0x30, s12  }
0x347: {  	[tilespmem:s22], [sflag:$0x1] =	stream.linear.gather [hbm4b:s23+s3], $0x10, $0x38;
	[tilespmem:$0x8100] =	vst v63  }
0x348: {  	s26 =	sld [smem:$0x7EA];
	s25 =	sadd.s32 $0x40, s12  }
0x349: {  	[tilespmem:s24], [sflag:$0x1] =	stream.linear.gather [hbm4b:s25+s3], $0x10, $0x38;
	[tilespmem:$0x8100] =	vst v63  }
0x34a: {  	s14 =	spop (v2sf);
	s29 =	sld [smem:$0x7EB];
	s28 =	sadd.s32 $0x50, s12  }
0x34b: {  	[tilespmem:s26], [sflag:$0x1] =	stream.linear.gather [hbm4b:s28+s3], $0x10, $0x38;
	[tilespmem:$0x8100] =	vst v63  }
0x34c: {  	s31 =	sld [smem:$0x7EC];
	s15 =	sshll.u32 s14, $0x3;
	s30 =	sadd.s32 $0x60, s12  }
0x34d: {  	[tilespmem:s29], [sflag:$0x1] =	stream.linear.gather [hbm4b:s30+s3], $0x10, $0x38;
	[tilespmem:$0x8100] =	vst v63  }
0x34e: {  	(v2sf) =	vpush v3, $0xF;
	s13 =	sand.u32 $0xFFFFFC00, s15;
	s12 =	sadd.s32 $0x70, s12  }
0x34f: {  	[tilespmem:s31], [sflag:$0x1] =	stream.linear.gather [hbm4b:s12+s3], $0x10, $0x38;
	[tilespmem:$0x8100] =	vst v63  }
0x350: {  	s13 =	sadd.s32 s7, s13;
	s12 =	sand.u32 $0x70, s14  }
0x351: {  	s16 =	sld [smem:$0x7ED];
	s12 =	sor.u32 s12, s13  }
0x352: {  	s12 =	sshrl.u32 s12, $0x3  }
0x353: {  	s17 =	sld [smem:$0x7EE];
	s12 =	sadd.s32 s2, s12  }
0x354: {  	[tilespmem:s16], [sflag:$0x1] =	stream.linear.gather [hbm4b:s12+s3], $0x10, $0x38;
	[tilespmem:$0x8100] =	vst v63  }
0x355: {  	s19 =	sld [smem:$0x7EF];
	s18 =	sadd.s32 $0x10, s12  }
0x356: {  	[tilespmem:s17], [sflag:$0x1] =	stream.linear.gather [hbm4b:s18+s3], $0x10, $0x38;
	[tilespmem:$0x8100] =	vst v63  }
0x357: {  	s21 =	sld [smem:$0x7F0];
	s20 =	sadd.s32 $0x20, s12  }
0x358: {  	[tilespmem:s19], [sflag:$0x1] =	stream.linear.gather [hbm4b:s20+s3], $0x10, $0x38;
	[tilespmem:$0x8100] =	vst v63  }
0x359: {  	s23 =	sld [smem:$0x7F1];
	s22 =	sadd.s32 $0x30, s12  }
0x35a: {  	[tilespmem:s21], [sflag:$0x1] =	stream.linear.gather [hbm4b:s22+s3], $0x10, $0x38;
	[tilespmem:$0x8100] =	vst v63  }
0x35b: {  	s25 =	sld [smem:$0x7F2];
	s24 =	sadd.s32 $0x40, s12  }
0x35c: {  	[tilespmem:s23], [sflag:$0x1] =	stream.linear.gather [hbm4b:s24+s3], $0x10, $0x38;
	[tilespmem:$0x8100] =	vst v63  }
0x35d: {  	s28 =	sld [smem:$0x7F3];
	s31 =	spop (v2sf);
	s26 =	sadd.s32 $0x50, s12  }
0x35e: {  	[tilespmem:s25], [sflag:$0x1] =	stream.linear.gather [hbm4b:s26+s3], $0x10, $0x38;
	[tilespmem:$0x8100] =	vst v63  }
0x35f: {  	s30 =	sld [smem:$0x7F4];
	s14 =	sshll.u32 s31, $0x3;
	s29 =	sadd.s32 $0x60, s12  }
0x360: {  	[tilespmem:s28], [sflag:$0x1] =	stream.linear.gather [hbm4b:s29+s3], $0x10, $0x38;
	[tilespmem:$0x8100] =	vst v63  }
0x361: {  	s13 =	sand.u32 $0xFFFFFC00, s14;
	s12 =	sadd.s32 $0x70, s12  }
0x362: {  	[tilespmem:s30], [sflag:$0x1] =	stream.linear.gather [hbm4b:s12+s3], $0x10, $0x38;
	[tilespmem:$0x8100] =	vst v63  }
0x363: {  	s13 =	sadd.s32 s7, s13;
	s12 =	sand.u32 $0x70, s31  }
0x364: {  	s15 =	sld [smem:$0x7F5];
	s12 =	sor.u32 s12, s13  }
0x365: {  	s12 =	sshrl.u32 s12, $0x3  }
0x366: {  	s16 =	sld [smem:$0x7F6];
	s12 =	sadd.s32 s2, s12  }
0x367: {  	[tilespmem:s15], [sflag:$0x1] =	stream.linear.gather [hbm4b:s12+s3], $0x10, $0x38;
	[tilespmem:$0x8100] =	vst v63  }
0x368: {  	s18 =	sld [smem:$0x7F7];
	s17 =	sadd.s32 $0x10, s12  }
0x369: {  	[tilespmem:s16], [sflag:$0x1] =	stream.linear.gather [hbm4b:s17+s3], $0x10, $0x38;
	[tilespmem:$0x8100] =	vst v63  }
0x36a: {  	s20 =	sld [smem:$0x7F8];
	s19 =	sadd.s32 $0x20, s12  }
0x36b: {  	[tilespmem:s18], [sflag:$0x1] =	stream.linear.gather [hbm4b:s19+s3], $0x10, $0x38;
	[tilespmem:$0x8100] =	vst v63  }
0x36c: {  	s22 =	sld [smem:$0x7FA];
	s21 =	sadd.s32 $0x30, s12  }
0x36d: {  	[tilespmem:s20], [sflag:$0x1] =	stream.linear.gather [hbm4b:s21+s3], $0x10, $0x38;
	[tilespmem:$0x8100] =	vst v63  }
0x36e: {  	s24 =	sld [smem:$0x7FB];
	s23 =	sadd.s32 $0x40, s12  }
0x36f: {  	[tilespmem:s22], [sflag:$0x1] =	stream.linear.gather [hbm4b:s23+s3], $0x10, $0x38;
	[tilespmem:$0x8100] =	vst v63  }
0x370: {  	s26 =	sld [smem:$0x7F9];
	s25 =	sadd.s32 $0x50, s12  }
0x371: {  	[tilespmem:s24], [sflag:$0x1] =	stream.linear.gather [hbm4b:s25+s3], $0x10, $0x38;
	[tilespmem:$0x8100] =	vst v63  }
0x372: {  	s29 =	sld [smem:$0x7FC];
	s28 =	sadd.s32 $0x60, s12  }
0x373: {  	[tilespmem:s26], [sflag:$0x1] =	stream.linear.gather [hbm4b:s28+s3], $0x10, $0x38;
	[tilespmem:$0x8100] =	vst v63  }
0x374: {  	s12 =	sadd.s32 $0x70, s12  }
0x375: {  	[tilespmem:s29], [sflag:$0x1] =	stream.linear.gather [hbm4b:s12+s3], $0x10, $0x38;
	[tilespmem:$0x8100] =	vst v63  }
0x376: {  	_ =	swait.ge [sflag:s11], $0x80  }
0x377: {  	[sflag:s11] =	ssyncset.done $0x0  }
0x378: {  	[sflag:s11] =	ssyncadd.s32 $0xFFFFFF80  }
0x379: {  	_ =	swait.ge [sflag:s11], $0x80  }
0x37a: {  	[sflag:s11] =	ssyncset.done $0x0  }
0x37b: {  	[sflag:s11] =	ssyncadd.s32 $0xFFFFFF80  }
0x37c: {  	_ =	swait.ge [sflag:s11], $0x80  }
0x37d: {  	[sflag:s11] =	ssyncset.done $0x0  }
0x37e: {  	[sflag:s11] =	ssyncadd.s32 $0xFFFFFF80  }
0x37f: {  	_ =	swait.ge [sflag:s11], $0x80  }
0x380: {  	[sflag:s11] =	ssyncset.done $0x0  }
0x381: {  	[sflag:s11] =	ssyncadd.s32 $0xFFFFFF80  }
0x382: {  	_ =	swait.ge [sflag:s11], $0x80  }
0x383: {  	[sflag:s11] =	ssyncset.done $0x0  }
0x384: {  	[sflag:s11] =	ssyncadd.s32 $0xFFFFFF80  }
0x385: {  	_ =	swait.ge [sflag:s11], $0x80  }
0x386: {  	[sflag:s11] =	ssyncset.done $0x0  }
0x387: {  	[sflag:s11] =	ssyncadd.s32 $0xFFFFFF80  }
0x388: {  	_ =	swait.ge [sflag:s11], $0x80  }
0x389: {  	[sflag:s11] =	ssyncset.done $0x0  }
0x38a: {  	[sflag:s11] =	ssyncadd.s32 $0xFFFFFF80  }
0x38b: {  	_ =	swait.ge [sflag:s11], $0x80  }
0x38c: {  	[sflag:s11] =	ssyncset.done $0x0  }
0x38d: {  	[sflag:s11] =	ssyncadd.s32 $0xFFFFFF80  }
0x38e: {  	_ =	swait.ge [sflag:s11], $0x80  }
0x38f: {  	[sflag:s11] =	ssyncset.done $0x0  }
0x390: {  	[sflag:s11] =	ssyncadd.s32 $0xFFFFFF80  }
0x391: {  	_ =	swait.ge [sflag:s11], $0x80  }
0x392: {  	[sflag:s11] =	ssyncset.done $0x0  }
0x393: {  	[sflag:s11] =	ssyncadd.s32 $0xFFFFFF80  }
0x394: {  	_ =	swait.ge [sflag:s11], $0x80  }
0x395: {  	[sflag:s11] =	ssyncset.done $0x0  }
0x396: {  	[sflag:s11] =	ssyncadd.s32 $0xFFFFFF80  }
0x397: {  	_ =	swait.ge [sflag:s11], $0x80  }
0x398: {  	[sflag:s11] =	ssyncset.done $0x0  }
0x399: {  	[sflag:s11] =	ssyncadd.s32 $0xFFFFFF80  }
0x39a: {  	_ =	swait.ge [sflag:s11], $0x80  }
0x39b: {  	[sflag:s11] =	ssyncset.done $0x0  }
0x39c: {  	[sflag:s11] =	ssyncadd.s32 $0xFFFFFF80  }
0x39d: {  	_ =	swait.ge [sflag:s11], $0x80  }
0x39e: {  	[sflag:s11] =	ssyncset.done $0x0  }
0x39f: {  	[sflag:s11] =	ssyncadd.s32 $0xFFFFFF80  }
0x3a0: {  	_ =	swait.ge [sflag:s11], $0x80  }
0x3a1: {  	[sflag:s11] =	ssyncset.done $0x0  }
0x3a2: {  	[sflag:s11] =	ssyncadd.s32 $0xFFFFFF80  }
0x3a3: {  	_ =	swait.ge [sflag:s11], $0x80  }
0x3a4: {  	[sflag:s11] =	ssyncset.done $0x0  }
0x3a5: {  	[sflag:s11] =	ssyncadd.s32 $0xFFFFFF80  }
0x3a6: {  	_ =	swait.ge [sflag:s11], $0x80  }
0x3a7: {  	[sflag:s11] =	ssyncset.done $0x0  }
0x3a8: {  	[sflag:s11] =	ssyncadd.s32 $0xFFFFFF80  }
0x3a9: {  	_ =	swait.ge [sflag:s11], $0x80  }
0x3aa: {  	[sflag:s11] =	ssyncset.done $0x0  }
0x3ab: {  	[sflag:s11] =	ssyncadd.s32 $0xFFFFFF80  }
0x3ac: {  	_ =	swait.ge [sflag:s11], $0x80  }
0x3ad: {  	[sflag:s11] =	ssyncset.done $0x0  }
0x3ae: {  	[sflag:s11] =	ssyncadd.s32 $0xFFFFFF80  }
0x3af: {  	_ =	swait.ge [sflag:s11], $0x80  }
0x3b0: {  	[sflag:s11] =	ssyncset.done $0x0  }
0x3b1: {  	[sflag:s11] =	ssyncadd.s32 $0xFFFFFF80  }
0x3b2: {  	_ =	swait.ge [sflag:s11], $0x80  }
0x3b3: {  	[sflag:s11] =	ssyncset.done $0x0  }
0x3b4: {  	[sflag:s11] =	ssyncadd.s32 $0xFFFFFF80  }
0x3b5: {  	_ =	swait.ge [sflag:s11], $0x80  }
0x3b6: {  	[sflag:s11] =	ssyncset.done $0x0  }
0x3b7: {  	[sflag:s11] =	ssyncadd.s32 $0xFFFFFF80  }
0x3b8: {  	_ =	swait.ge [sflag:s11], $0x80  }
0x3b9: {  	[sflag:s11] =	ssyncset.done $0x0  }
0x3ba: {  	[sflag:s11] =	ssyncadd.s32 $0xFFFFFF80  }
0x3bb: {  	_ =	swait.ge [sflag:s11], $0x80  }
0x3bc: {  	[sflag:s11] =	ssyncset.done $0x0  }
0x3bd: {  	[sflag:s11] =	ssyncadd.s32 $0xFFFFFF80  }
0x3be: {  	_ =	swait.ge [sflag:s11], $0x80  }
0x3bf: {  	[sflag:s11] =	ssyncset.done $0x0  }
0x3c0: {  	[sflag:s11] =	ssyncadd.s32 $0xFFFFFF80  }
0x3c1: {  	_ =	swait.ge [sflag:s11], $0x80  }
0x3c2: {  	[sflag:s11] =	ssyncset.done $0x0  }
0x3c3: {  	[sflag:s11] =	ssyncadd.s32 $0xFFFFFF80  }
0x3c4: {  	_ =	swait.ge [sflag:s11], $0x80  }
0x3c5: {  	[sflag:s11] =	ssyncset.done $0x0  }
0x3c6: {  	[sflag:s11] =	ssyncadd.s32 $0xFFFFFF80  }
0x3c7: {  	_ =	swait.ge [sflag:s11], $0x80  }
0x3c8: {  	[sflag:s11] =	ssyncset.done $0x0  }
0x3c9: {  	[sflag:s11] =	ssyncadd.s32 $0xFFFFFF80  }
0x3ca: {  	_ =	swait.ge [sflag:s11], $0x80  }
0x3cb: {  	[sflag:s11] =	ssyncset.done $0x0  }
0x3cc: {  	[sflag:s11] =	ssyncadd.s32 $0xFFFFFF80  }
0x3cd: {  	_ =	swait.ge [sflag:s11], $0x80  }
0x3ce: {  	[sflag:s11] =	ssyncset.done $0x0  }
0x3cf: {  	[sflag:s11] =	ssyncadd.s32 $0xFFFFFF80  }
0x3d0: {  	v2 =	vand.u32 $0xF, v2;
	_ =	swait.ge [sflag:s11], $0x80  }
0x3d1: {  	v2 =	vor.u32 v0, v2;
	[sflag:s11] =	ssyncset.done $0x0  }
0x3d2: {  	[sflag:s11] =	ssyncadd.s32 $0xFFFFFF80  }
0x3d3: {  	_ =	swait.ge [sflag:s11], $0x80  }
0x3d4: {  	[sflag:s11] =	ssyncset.done $0x0  }
0x3d5: {  	[sflag:s11] =	ssyncadd.s32 $0xFFFFFF80  }
0x3d6: {  	v3 =	vand.u32 $0xF, v3;
	v2 =	vld.idx.msk [tilespmem:v2+s10+$0x0], $0xffff  }
0x3d7: {  	v3 =	vor.u32 v1, v3;
	_ =	sdelay $0x3  }
0x3d8: {  	[tilespmem:$0x8080] =	vst v2  }
0x3d9: {  	v2 =	vld.idx.msk [tilespmem:v3+s10+$0x0], $0xffff;
	_ =	sdelay $0x2  }
0x3da: {  	s31 =	sld [smem:$0x7FD]  }
0x3db: {  	p0 =	sne.s32 s8, $0x1  }
.Ltmp0:
0x3dc: {  	s30 =	rddreg [dreg:$0x4];
	[tilespmem:$0x8090] =	vst v2;
	(pc) =	sbr.rel @p0 .LBB2_1-.Ltmp0, $4  }
0x3dd: {  	[hbm4b:s30+s3] =	stream.linear.scatter [tilespmem:s31], [sflag:$0x2], $0x20, $0x38;
	[tilespmem:$0x8100] =	vst v63  }
0x3de: {  	_ =	swait.ge [sflag:s9], $0x20  }
0x3df: {  	[sflag:s9] =	ssyncset.done $0x0  }
0x3e0: {  	s8 =	sadd.s32 $0xFFFFFFFF, s8;
	[sflag:s9] =	ssyncadd.s32 $0xFFFFFFE0  }
0x3e1: {  	_ =	sfence.sel $0x180000  }
0x3e2: {  	[bflag:$0x0] =	sbarrier.arrive $0xFFFF  }
0x3e3: {  	p0 =	sne.s32 s0, $0x0;
	_ =	strace $0x90000047  }
0x3e4: {  	s0 =	sadd.s32 @!p0 $0x100000, s1;
	[bflag:$0x2] =	sbarrier.arrive $0xFFFF  }
0x3e5: {  	[sflag:s0] =	ssyncadd.tile.s32 @!p0 $0x1;
	_ =	shalt  }
.Lfunc_end2:
_tile_overlayer_lowered:
.L_overlay_start_2:
0x3e6: {  	(tag) =	ssettag $0x2  }
0x3e7: {  	s0 =	rddreg [dreg:$0x0];
	s2 =	stileid.u32  }
0x3e8: {  	s1 =	rddreg [dreg:$0x1];
	p0 =	sne.s32 s2, $0x0  }
0x3e9: {  	s3 =	rddreg [dreg:$0x2];
	[bflag:$0x3] =	sbarrier.arrive $0xFFFF;
	s2 =	simm.s32 @!p0 $0x1C02  }
0x3ea: {  	[timem:s3], [sflag:s2] =	dma.local @!p0 [hbm:s0], s1  }
0x3eb: {  	s0 =	simm.s32 @!p0 $0x2  }
0x3ec: {  	_ =	swait.ge @!p0 [sflag:s0], s1  }
0x3ed: {  	s1 =	ssub.s32 @!p0 $0x0, s1;
	[sflag:s0] =	ssyncset.done @!p0 $0x0  }
0x3ee: {  	[sflag:s0] =	ssyncadd.s32 @!p0 s1  }
0x3ef: {  	[bflag:$0x3] =	sbarrier.arrive $0xFFFF  }
0x3f0: {  	_ =	shalt  }

</sc_bundles>
